<compile_context>
chip_gen: v7x
topology: tpu7x:2x2x1
jax: 0.10.2.dev20260603
libtpu: 0.0.44.dev20260713+nightly
codegen_flags: <defaults>
</compile_context>

<pallas_src>
import functools

import jax
import jax.numpy as jnp
from jax import lax
from jax.experimental import pallas as pl
from jax.experimental.pallas import tpu as pltpu
from jax.experimental.pallas import tpu_sc as plsc

B = 16
S = 16
V = 100000
L = 16

VALN = 99968
TAILN = V - VALN
HALF = 51200
H1OFF = VALN - HALF
CH = 12800
NACC = 4


def _argmax_rows_body(table_hbm, tail_hbm, seq_hbm, out_hbm, exch_hbm, sl_v,
                      buf_0, buf_1, buf_2, buf_3, tail_v, stage_m, stage_m2,
                      outv, sem_0, sem_1, sem_2, sem_3, sem_t):
    c = lax.axis_index("c")
    s = lax.axis_index("s")
    h = s // 8
    b = c * 8 + (s % 8)

    pltpu.sync_copy(seq_hbm, sl_v)
    iota = lax.iota(jnp.int32, L)
    slb = plsc.load_gather(sl_v.at[:], [jnp.full((L,), b, jnp.int32)])
    r = slb[0] - 1
    row = c * 16 + s

    bufs = [buf_0, buf_1, buf_2, buf_3]
    sems = [sem_0, sem_1, sem_2, sem_3]

    def merge(a, bb):
        (cma, cia), (cmb, cib) = a, bb
        better = (cmb > cma) | ((cmb == cma) & (cib < cia))
        return (jnp.where(better, cmb, cma), jnp.where(better, cib, cia))

    off = h * H1OFF

    def start(k):
        return pltpu.async_copy(
            table_hbm.at[b, r, pl.ds(off + k * CH, CH)],
            bufs[k], sems[k])

    def body_for(buf):
        def body(i, carry):
            cms, cis, base = carry
            cms, cis = list(cms), list(cis)
            for j in range(NACC):
                v = buf[pl.ds(i * (NACC * L) + j * L, L)]
                m = v > cms[j]
                cms[j] = jnp.where(m, v, cms[j])
                cis[j] = jnp.where(m, base + j * L, cis[j])
            return tuple(cms), tuple(cis), base + NACC * L
        return body

    cms = (jnp.full((L,), -jnp.inf, jnp.float32),) * NACC
    cis = (jnp.zeros((L,), jnp.int32),) * NACC
    nch = HALF // CH
    cps = [start(k) for k in range(nch)]
    cp_t = pltpu.async_copy(tail_hbm.at[b, r], tail_v, sem_t)
    for k in range(nch):
        cps[k].wait()
        cms, cis, _ = lax.fori_loop(
            0, CH // (NACC * L), body_for(bufs[k]),
            (cms, cis, iota + off + k * CH), unroll=8)

    cp_t.wait()
    cms, cis = list(cms), list(cis)
    for j in range(TAILN // L):
        v = tail_v[pl.ds(j * L, L)]
        base = iota + (VALN + j * L)
        m = v > cms[j]
        cms[j] = jnp.where(m, v, cms[j])
        cis[j] = jnp.where(m, base, cis[j])

    pairs = [(cms[j], cis[j]) for j in range(NACC)]
    while len(pairs) > 1:
        pairs = [merge(pairs[i], pairs[i + 1])
                 for i in range(0, len(pairs), 2)]
    cm, ci = pairs[0]

    prow = c * 8 + (s % 8)

    @pl.when(h == 1)
    def _():
        stage_m[pl.ds(0, L)] = plsc.bitcast(cm, jnp.int32)
        stage_m[pl.ds(L, L)] = ci
        pltpu.sync_copy(stage_m, exch_hbm.at[prow])

    plsc.subcore_barrier()

    @pl.when(s < 8)
    def _():
        pltpu.sync_copy(exch_hbm.at[prow], stage_m2)
        om = plsc.bitcast(stage_m2[pl.ds(0, L)], jnp.float32)
        oi = stage_m2[pl.ds(L, L)]
        cm2, ci2 = merge((cm, ci), (om, oi))

        for shift in (8, 4, 2, 1):
            perm = iota ^ shift
            om = cm2.at[perm].get(mode="promise_in_bounds")
            oi = ci2.at[perm].get(mode="promise_in_bounds")
            cm2, ci2 = merge((cm2, ci2), (om, oi))
        outv[...] = ci2
        pltpu.sync_copy(outv, out_hbm.at[b])


def kernel(logits, seq_lens):
    tail = lax.slice(logits, (0, 0, VALN), (B, S, V))
    sl = seq_lens.astype(jnp.int32)
    mesh = plsc.VectorSubcoreMesh(core_axis_name="c", subcore_axis_name="s")
    run = functools.partial(
        pl.kernel,
        mesh=mesh,
        out_type=(jax.ShapeDtypeStruct((B, L), jnp.int32),
                  jax.ShapeDtypeStruct((B, 2 * L), jnp.int32)),
        scratch_types=[
            pltpu.VMEM((L,), jnp.int32),
            pltpu.VMEM((CH,), jnp.float32),
            pltpu.VMEM((CH,), jnp.float32),
            pltpu.VMEM((CH,), jnp.float32),
            pltpu.VMEM((CH,), jnp.float32),
            pltpu.VMEM((TAILN,), jnp.float32),
            pltpu.VMEM((2 * L,), jnp.int32),
            pltpu.VMEM((2 * L,), jnp.int32),
            pltpu.VMEM((L,), jnp.int32),
            pltpu.SemaphoreType.DMA,
            pltpu.SemaphoreType.DMA,
            pltpu.SemaphoreType.DMA,
            pltpu.SemaphoreType.DMA,
            pltpu.SemaphoreType.DMA,
        ],
        compiler_params=pltpu.CompilerParams(needs_layout_passes=False),
    )(_argmax_rows_body)
    out, _ = run(logits, tail, sl)
    return out[:, :1]

# --- scband reference (transcript-rebuilt; emitter-appended) ---
"""Pipeline reference for scband-argmax-sampling-58171037057132 (READ-ONLY COPY).

The authoritative reference and input builder live on the scoring server;
editing this copy changes nothing except your own understanding.
"""

import jax, jax.numpy as jnp
import numpy as np


def setup_inputs(seed: int = 0) -> dict:
    key = jax.random.key(seed)
    k1, k2 = jax.random.split(key)
    logits = jax.random.normal(k1, (16, 16, 100000), dtype=jnp.float32)
    # seq_lens must be in [1, seq_len] so that (seq_lens - 1) is a valid gather index.
    # fill='ones' per input_specs keeps the torch harness in-range.
    seq_lens = jnp.ones((16,), dtype=jnp.int64)
    return {"logits": logits, "seq_lens": seq_lens}


def reference(logits, seq_lens):
    # next_tokens = argmax over vocab dim -> int tokens [B, S]
    next_tokens = jnp.argmax(logits, axis=-1)
    # gather token at position seq_lens - 1 along the sequence dim -> [B, 1]
    indices = (seq_lens - 1).reshape(-1, 1)
    out = jnp.take_along_axis(next_tokens, indices, axis=1)
    return out

if __name__ == "__main__":
    import jax
    _d = setup_inputs()
    print(jax.jit(kernel)(*tuple(_d.values())))

</pallas_src>

<mosaic_0001>
#map = affine_map<(d0, d1) -> (0, 0, 0)>
#map1 = affine_map<(d0, d1) -> (0)>
#map2 = affine_map<(d0, d1) -> (0, 0)>
module attributes {stable_mosaic.version = 14 : i64} {
  func.func @_argmax_rows_body(%arg0: i32, %arg1: i32, %arg2: memref<16x16x100000xf32, #tpu.memory_space<hbm>>, %arg3: memref<16x16x32xf32, #tpu.memory_space<hbm>>, %arg4: memref<16xi32, #tpu.memory_space<hbm>>, %arg5: memref<16x16xi32, #tpu.memory_space<hbm>>, %arg6: memref<16x32xi32, #tpu.memory_space<hbm>>, %arg7: memref<16xi32, #tpu.memory_space<vmem>>, %arg8: memref<12800xf32, #tpu.memory_space<vmem>>, %arg9: memref<12800xf32, #tpu.memory_space<vmem>>, %arg10: memref<12800xf32, #tpu.memory_space<vmem>>, %arg11: memref<12800xf32, #tpu.memory_space<vmem>>, %arg12: memref<32xf32, #tpu.memory_space<vmem>>, %arg13: memref<32xi32, #tpu.memory_space<vmem>>, %arg14: memref<32xi32, #tpu.memory_space<vmem>>, %arg15: memref<16xi32, #tpu.memory_space<vmem>>, %arg16: memref<!tpu.dma_semaphore, #tpu.memory_space<semaphore_mem>>, %arg17: memref<!tpu.dma_semaphore, #tpu.memory_space<semaphore_mem>>, %arg18: memref<!tpu.dma_semaphore, #tpu.memory_space<semaphore_mem>>, %arg19: memref<!tpu.dma_semaphore, #tpu.memory_space<semaphore_mem>>, %arg20: memref<!tpu.dma_semaphore, #tpu.memory_space<semaphore_mem>>) attributes {dimension_semantics = [#tpu.dimension_semantics<core_parallel>, #tpu.dimension_semantics<subcore_parallel>], iteration_bounds = array<i64: 2, 16>, scalar_prefetch = 0 : i64, scratch_operands = 14 : i64, tpu.core_type = #tpu.core_type<sc_vector_subcore>, window_params = [{transform_indices = #map}, {transform_indices = #map}, {transform_indices = #map1}, {transform_indices = #map2}, {transform_indices = #map2}]} {
    %jit3A = arith.constant 8 : i32
    %div3A = arith.divsi %arg1, %jit3A : i32
    %sign3A = arith.constant 0 : i32
    %sign3A_0 = arith.cmpi sgt, %arg1, %sign3A : i32
    %sign3A_1 = arith.extui %sign3A_0 : i1 to i32
    %sign3A_2 = arith.constant 0 : i32
    %sign3A_3 = arith.cmpi slt, %arg1, %sign3A_2 : i32
    %sign3A_4 = arith.extui %sign3A_3 : i1 to i32
    %sign3A_5 = arith.subi %sign3A_1, %sign3A_4 : i32
    %sign3A_6 = arith.constant 0 : i32
    %sign3A_7 = arith.cmpi sgt, %jit3A, %sign3A_6 : i32
    %sign3A_8 = arith.extui %sign3A_7 : i1 to i32
    %sign3A_9 = arith.constant 0 : i32
    %sign3A_10 = arith.cmpi slt, %jit3A, %sign3A_9 : i32
    %sign3A_11 = arith.extui %sign3A_10 : i1 to i32
    %sign3A_12 = arith.subi %sign3A_8, %sign3A_11 : i32
    %ne3A = arith.cmpi ne, %sign3A_5, %sign3A_12 : i32
    %rem3A = arith.remsi %arg1, %jit3A : i32
    %ne3A_13 = arith.constant 0 : i32
    %ne3A_14 = arith.cmpi ne, %rem3A, %ne3A_13 : i32
    %and3A = arith.andi %ne3A, %ne3A_14 : i1
    %sub3A = arith.constant 1 : i32
    %sub3A_15 = arith.subi %div3A, %sub3A : i32
    %select_n3A = arith.select %and3A, %sub3A_15, %div3A : i32
    %mul3A = arith.constant 8 : i32
    %mul3A_16 = arith.muli %arg0, %mul3A : i32
    %jit3A_17 = arith.constant 8 : i32
    %eq3A = arith.constant 0 : i32
    %eq3A_18 = arith.cmpi eq, %jit3A_17, %eq3A : i32
    %jit3A_19 = arith.constant 1 : i32
    %select_n3A_20 = arith.select %eq3A_18, %jit3A_19, %jit3A_17 : i32
    %rem3A_21 = arith.remsi %arg1, %select_n3A_20 : i32
    %ne3A_22 = arith.constant 0 : i32
    %ne3A_23 = arith.cmpi ne, %rem3A_21, %ne3A_22 : i32
    %lt3A = arith.constant 0 : i32
    %lt3A_24 = arith.cmpi slt, %rem3A_21, %lt3A : i32
    %lt3A_25 = arith.constant 0 : i32
    %lt3A_26 = arith.cmpi slt, %select_n3A_20, %lt3A_25 : i32
    %ne3A_27 = arith.xori %lt3A_24, %lt3A_26 : i1
    %and3A_28 = arith.andi %ne3A_27, %ne3A_23 : i1
    %add3A = arith.addi %rem3A_21, %select_n3A_20 : i32
    %select_n3A_29 = arith.select %and3A_28, %add3A, %rem3A_21 : i32
    %add3A_30 = arith.addi %mul3A_16, %select_n3A_29 : i32
    "tpu.region"() ({
      %run_scoped3A = tpu.sem_alloc : memref<!tpu.dma_semaphore, #tpu.memory_space<semaphore_mem>>
      tpu.enqueue_dma source(%arg4 : memref<16xi32, #tpu.memory_space<hbm>>) target(%arg7 : memref<16xi32, #tpu.memory_space<vmem>>) target_semaphore(%run_scoped3A : memref<!tpu.dma_semaphore, #tpu.memory_space<semaphore_mem>>)
      tpu.wait_dma2 semaphore(%run_scoped3A : memref<!tpu.dma_semaphore, #tpu.memory_space<semaphore_mem>>) src(%arg4 : memref<16xi32, #tpu.memory_space<hbm>>) dst(%arg7 : memref<16xi32, #tpu.memory_space<vmem>>)
      tpu.yield
    }) : () -> ()
    %iota3A = tpu.iota {dimensions = array<i32: 0>} : vector<16xi32>
    %broadcast_in_dim3A = vector.broadcast %add3A_30 : i32 to vector<16xi32>
    %gather3A = arith.constant 0 : i32
    %gather3A_31 = tpu.memref_slice %arg7[%gather3A] : memref<16xi32, #tpu.memory_space<vmem>> -> memref<16xi32, #tpu.memory_space<vmem>>
    %gather3A_32 = tpu.vector_load_idx %gather3A_31[%broadcast_in_dim3A] : memref<16xi32, #tpu.memory_space<vmem>>[vector<16xi32>], vector<16xi32>,
    %slice3A = vector.extract_strided_slice %gather3A_32 {offsets = [0], sizes = [1], strides = [1]} : vector<16xi32> to vector<1xi32>
    %squeeze3A = vector.extract %slice3A[0] : i32 from vector<1xi32>
    %sub3A_33 = arith.constant 1 : i32
    %sub3A_34 = arith.subi %squeeze3A, %sub3A_33 : i32
    %mul3A_35 = arith.constant 16 : i32
    %mul3A_36 = arith.muli %arg0, %mul3A_35 : i32
    %add3A_37 = arith.addi %mul3A_36, %arg1 : i32
    %mul3A_38 = arith.constant 48768 : i32
    %mul3A_39 = arith.muli %select_n3A, %mul3A_38 : i32
    %broadcast_in_dim3A_40 = arith.constant 0xFF800000 : f32
    %broadcast_in_dim3A_41 = vector.broadcast %broadcast_in_dim3A_40 : f32 to vector<16xf32>
    %broadcast_in_dim3A_42 = arith.constant 0 : i32
    %broadcast_in_dim3A_43 = vector.broadcast %broadcast_in_dim3A_42 : i32 to vector<16xi32>
    %add3A_44 = arith.constant 0 : i32
    %add3A_45 = arith.addi %mul3A_39, %add3A_44 : i32
    %dma_start3A = tpu.memref_slice %arg2[%add3A_30, %sub3A_34, %add3A_45] : memref<16x16x100000xf32, #tpu.memory_space<hbm>> -> memref<1x1x12800xf32, #tpu.memory_space<hbm>>
    %dma_start3A_46 = tpu.memref_squeeze %dma_start3A : memref<1x1x12800xf32, #tpu.memory_space<hbm>> -> memref<12800xf32, #tpu.memory_space<hbm>>
    %dma_start3A_47 = tpu.memref_slice %arg2[%add3A_30, %sub3A_34, %add3A_45] : memref<16x16x100000xf32, #tpu.memory_space<hbm>> -> memref<1x1x12800xf32, #tpu.memory_space<hbm>>
    %dma_start3A_48 = tpu.memref_squeeze %dma_start3A_47 : memref<1x1x12800xf32, #tpu.memory_space<hbm>> -> memref<12800xf32, #tpu.memory_space<hbm>>
    tpu.enqueue_dma source(%dma_start3A_48 : memref<12800xf32, #tpu.memory_space<hbm>>) target(%arg8 : memref<12800xf32, #tpu.memory_space<vmem>>) target_semaphore(%arg16 : memref<!tpu.dma_semaphore, #tpu.memory_space<semaphore_mem>>)
    %add3A_49 = arith.constant 12800 : i32
    %add3A_50 = arith.addi %mul3A_39, %add3A_49 : i32
    %dma_start3A_51 = tpu.memref_slice %arg2[%add3A_30, %sub3A_34, %add3A_50] : memref<16x16x100000xf32, #tpu.memory_space<hbm>> -> memref<1x1x12800xf32, #tpu.memory_space<hbm>>
    %dma_start3A_52 = tpu.memref_squeeze %dma_start3A_51 : memref<1x1x12800xf32, #tpu.memory_space<hbm>> -> memref<12800xf32, #tpu.memory_space<hbm>>
    %dma_start3A_53 = tpu.memref_slice %arg2[%add3A_30, %sub3A_34, %add3A_50] : memref<16x16x100000xf32, #tpu.memory_space<hbm>> -> memref<1x1x12800xf32, #tpu.memory_space<hbm>>
    %dma_start3A_54 = tpu.memref_squeeze %dma_start3A_53 : memref<1x1x12800xf32, #tpu.memory_space<hbm>> -> memref<12800xf32, #tpu.memory_space<hbm>>
    tpu.enqueue_dma source(%dma_start3A_54 : memref<12800xf32, #tpu.memory_space<hbm>>) target(%arg9 : memref<12800xf32, #tpu.memory_space<vmem>>) target_semaphore(%arg17 : memref<!tpu.dma_semaphore, #tpu.memory_space<semaphore_mem>>)
    %add3A_55 = arith.constant 25600 : i32
    %add3A_56 = arith.addi %mul3A_39, %add3A_55 : i32
    %dma_start3A_57 = tpu.memref_slice %arg2[%add3A_30, %sub3A_34, %add3A_56] : memref<16x16x100000xf32, #tpu.memory_space<hbm>> -> memref<1x1x12800xf32, #tpu.memory_space<hbm>>
    %dma_start3A_58 = tpu.memref_squeeze %dma_start3A_57 : memref<1x1x12800xf32, #tpu.memory_space<hbm>> -> memref<12800xf32, #tpu.memory_space<hbm>>
    %dma_start3A_59 = tpu.memref_slice %arg2[%add3A_30, %sub3A_34, %add3A_56] : memref<16x16x100000xf32, #tpu.memory_space<hbm>> -> memref<1x1x12800xf32, #tpu.memory_space<hbm>>
    %dma_start3A_60 = tpu.memref_squeeze %dma_start3A_59 : memref<1x1x12800xf32, #tpu.memory_space<hbm>> -> memref<12800xf32, #tpu.memory_space<hbm>>
    tpu.enqueue_dma source(%dma_start3A_60 : memref<12800xf32, #tpu.memory_space<hbm>>) target(%arg10 : memref<12800xf32, #tpu.memory_space<vmem>>) target_semaphore(%arg18 : memref<!tpu.dma_semaphore, #tpu.memory_space<semaphore_mem>>)
    %add3A_61 = arith.constant 38400 : i32
    %add3A_62 = arith.addi %mul3A_39, %add3A_61 : i32
    %dma_start3A_63 = tpu.memref_slice %arg2[%add3A_30, %sub3A_34, %add3A_62] : memref<16x16x100000xf32, #tpu.memory_space<hbm>> -> memref<1x1x12800xf32, #tpu.memory_space<hbm>>
    %dma_start3A_64 = tpu.memref_squeeze %dma_start3A_63 : memref<1x1x12800xf32, #tpu.memory_space<hbm>> -> memref<12800xf32, #tpu.memory_space<hbm>>
    %dma_start3A_65 = tpu.memref_slice %arg2[%add3A_30, %sub3A_34, %add3A_62] : memref<16x16x100000xf32, #tpu.memory_space<hbm>> -> memref<1x1x12800xf32, #tpu.memory_space<hbm>>
    %dma_start3A_66 = tpu.memref_squeeze %dma_start3A_65 : memref<1x1x12800xf32, #tpu.memory_space<hbm>> -> memref<12800xf32, #tpu.memory_space<hbm>>
    tpu.enqueue_dma source(%dma_start3A_66 : memref<12800xf32, #tpu.memory_space<hbm>>) target(%arg11 : memref<12800xf32, #tpu.memory_space<vmem>>) target_semaphore(%arg19 : memref<!tpu.dma_semaphore, #tpu.memory_space<semaphore_mem>>)
    %dma_start3A_67 = arith.constant 0 : i32
    %dma_start3A_68 = tpu.memref_slice %arg3[%add3A_30, %sub3A_34, %dma_start3A_67] : memref<16x16x32xf32, #tpu.memory_space<hbm>> -> memref<1x1x32xf32, #tpu.memory_space<hbm>>
    %dma_start3A_69 = tpu.memref_squeeze %dma_start3A_68 : memref<1x1x32xf32, #tpu.memory_space<hbm>> -> memref<32xf32, #tpu.memory_space<hbm>>
    %dma_start3A_70 = arith.constant 0 : i32
    %dma_start3A_71 = tpu.memref_slice %arg3[%add3A_30, %sub3A_34, %dma_start3A_70] : memref<16x16x32xf32, #tpu.memory_space<hbm>> -> memref<1x1x32xf32, #tpu.memory_space<hbm>>
    %dma_start3A_72 = tpu.memref_squeeze %dma_start3A_71 : memref<1x1x32xf32, #tpu.memory_space<hbm>> -> memref<32xf32, #tpu.memory_space<hbm>>
    tpu.enqueue_dma source(%dma_start3A_72 : memref<32xf32, #tpu.memory_space<hbm>>) target(%arg12 : memref<32xf32, #tpu.memory_space<vmem>>) target_semaphore(%arg20 : memref<!tpu.dma_semaphore, #tpu.memory_space<semaphore_mem>>)
    %dma_wait3A = tpu.memref_slice %arg2[%add3A_30, %sub3A_34, %add3A_45] : memref<16x16x100000xf32, #tpu.memory_space<hbm>> -> memref<1x1x12800xf32, #tpu.memory_space<hbm>>
    %dma_wait3A_73 = tpu.memref_squeeze %dma_wait3A : memref<1x1x12800xf32, #tpu.memory_space<hbm>> -> memref<12800xf32, #tpu.memory_space<hbm>>
    %dma_wait3A_74 = tpu.memref_slice %arg2[%add3A_30, %sub3A_34, %add3A_45] : memref<16x16x100000xf32, #tpu.memory_space<hbm>> -> memref<1x1x12800xf32, #tpu.memory_space<hbm>>
    %dma_wait3A_75 = tpu.memref_squeeze %dma_wait3A_74 : memref<1x1x12800xf32, #tpu.memory_space<hbm>> -> memref<12800xf32, #tpu.memory_space<hbm>>
    tpu.wait_dma2 semaphore(%arg16 : memref<!tpu.dma_semaphore, #tpu.memory_space<semaphore_mem>>) src(%dma_wait3A_75 : memref<12800xf32, #tpu.memory_space<hbm>>) dst(%arg8 : memref<12800xf32, #tpu.memory_space<vmem>>)
    %add3A_76 = vector.broadcast %mul3A_39 : i32 to vector<16xi32>
    %add3A_77 = arith.addi %iota3A, %add3A_76 : vector<16xi32>
    %add3A_78 = arith.constant 0 : i32
    %add3A_79 = vector.broadcast %add3A_78 : i32 to vector<16xi32>
    %add3A_80 = arith.addi %add3A_77, %add3A_79 : vector<16xi32>
    %scan3A = arith.constant 0 : i32
    %scan3A_81 = arith.constant 200 : i32
    %scan3A_82 = arith.addi %scan3A, %scan3A_81 : i32
    %scan3A_83 = arith.constant 8 : i32
    %scan3A_84:9 = scf.for %scan3A_198 = %scan3A to %scan3A_82 step %scan3A_83 iter_args(%scan3A_199 = %broadcast_in_dim3A_41, %scan3A_200 = %broadcast_in_dim3A_41, %scan3A_201 = %broadcast_in_dim3A_41, %scan3A_202 = %broadcast_in_dim3A_41, %scan3A_203 = %broadcast_in_dim3A_43, %scan3A_204 = %broadcast_in_dim3A_43, %scan3A_205 = %broadcast_in_dim3A_43, %scan3A_206 = %broadcast_in_dim3A_43, %scan3A_207 = %add3A_80) -> (vector<16xf32>, vector<16xf32>, vector<16xf32>, vector<16xf32>, vector<16xi32>, vector<16xi32>, vector<16xi32>, vector<16xi32>, vector<16xi32>)  : i32 {
      %mul3A_208 = arith.constant 64 : i32
      %mul3A_209 = arith.muli %scan3A_198, %mul3A_208 : i32
      %add3A_210 = arith.constant 0 : i32
      %add3A_211 = arith.addi %mul3A_209, %add3A_210 : i32
      %get3A_212 = arith.index_cast %add3A_211 : i32 to index
      %get3A_213 = tpu.vector_load %arg8[%get3A_212] {strides = array<i32>} : memref<12800xf32, #tpu.memory_space<vmem>>, vector<16xf32>,
      %gt3A_214 = arith.cmpf ogt, %get3A_213, %scan3A_199 : vector<16xf32>
      %select_n3A_215 = arith.select %gt3A_214, %get3A_213, %scan3A_199 : vector<16xi1>, vector<16xf32>
      %add3A_216 = arith.constant 0 : i32
      %add3A_217 = vector.broadcast %add3A_216 : i32 to vector<16xi32>
      %add3A_218 = arith.addi %scan3A_207, %add3A_217 : vector<16xi32>
      %select_n3A_219 = arith.select %gt3A_214, %add3A_218, %scan3A_203 : vector<16xi1>, vector<16xi32>
      %mul3A_220 = arith.constant 64 : i32
      %mul3A_221 = arith.muli %scan3A_198, %mul3A_220 : i32
      %add3A_222 = arith.constant 16 : i32
      %add3A_223 = arith.addi %mul3A_221, %add3A_222 : i32
      %get3A_224 = arith.index_cast %add3A_223 : i32 to index
      %get3A_225 = tpu.vector_load %arg8[%get3A_224] {strides = array<i32>} : memref<12800xf32, #tpu.memory_space<vmem>>, vector<16xf32>,
      %gt3A_226 = arith.cmpf ogt, %get3A_225, %scan3A_200 : vector<16xf32>
      %select_n3A_227 = arith.select %gt3A_226, %get3A_225, %scan3A_200 : vector<16xi1>, vector<16xf32>
      %add3A_228 = arith.constant 16 : i32
      %add3A_229 = vector.broadcast %add3A_228 : i32 to vector<16xi32>
      %add3A_230 = arith.addi %scan3A_207, %add3A_229 : vector<16xi32>
      %select_n3A_231 = arith.select %gt3A_226, %add3A_230, %scan3A_204 : vector<16xi1>, vector<16xi32>
      %mul3A_232 = arith.constant 64 : i32
      %mul3A_233 = arith.muli %scan3A_198, %mul3A_232 : i32
      %add3A_234 = arith.constant 32 : i32
      %add3A_235 = arith.addi %mul3A_233, %add3A_234 : i32
      %get3A_236 = arith.index_cast %add3A_235 : i32 to index
      %get3A_237 = tpu.vector_load %arg8[%get3A_236] {strides = array<i32>} : memref<12800xf32, #tpu.memory_space<vmem>>, vector<16xf32>,
      %gt3A_238 = arith.cmpf ogt, %get3A_237, %scan3A_201 : vector<16xf32>
      %select_n3A_239 = arith.select %gt3A_238, %get3A_237, %scan3A_201 : vector<16xi1>, vector<16xf32>
      %add3A_240 = arith.constant 32 : i32
      %add3A_241 = vector.broadcast %add3A_240 : i32 to vector<16xi32>
      %add3A_242 = arith.addi %scan3A_207, %add3A_241 : vector<16xi32>
      %select_n3A_243 = arith.select %gt3A_238, %add3A_242, %scan3A_205 : vector<16xi1>, vector<16xi32>
      %mul3A_244 = arith.constant 64 : i32
      %mul3A_245 = arith.muli %scan3A_198, %mul3A_244 : i32
      %add3A_246 = arith.constant 48 : i32
      %add3A_247 = arith.addi %mul3A_245, %add3A_246 : i32
      %get3A_248 = arith.index_cast %add3A_247 : i32 to index
      %get3A_249 = tpu.vector_load %arg8[%get3A_248] {strides = array<i32>} : memref<12800xf32, #tpu.memory_space<vmem>>, vector<16xf32>,
      %gt3A_250 = arith.cmpf ogt, %get3A_249, %scan3A_202 : vector<16xf32>
      %select_n3A_251 = arith.select %gt3A_250, %get3A_249, %scan3A_202 : vector<16xi1>, vector<16xf32>
      %add3A_252 = arith.constant 48 : i32
      %add3A_253 = vector.broadcast %add3A_252 : i32 to vector<16xi32>
      %add3A_254 = arith.addi %scan3A_207, %add3A_253 : vector<16xi32>
      %select_n3A_255 = arith.select %gt3A_250, %add3A_254, %scan3A_206 : vector<16xi1>, vector<16xi32>
      %add3A_256 = arith.constant 64 : i32
      %add3A_257 = vector.broadcast %add3A_256 : i32 to vector<16xi32>
      %add3A_258 = arith.addi %scan3A_207, %add3A_257 : vector<16xi32>
      %scan3A_259 = arith.constant 1 : i32
      %scan3A_260 = arith.addi %scan3A_198, %scan3A_259 : i32
      %mul3A_261 = arith.constant 64 : i32
      %mul3A_262 = arith.muli %scan3A_260, %mul3A_261 : i32
      %add3A_263 = arith.constant 0 : i32
      %add3A_264 = arith.addi %mul3A_262, %add3A_263 : i32
      %get3A_265 = arith.index_cast %add3A_264 : i32 to index
      %get3A_266 = tpu.vector_load %arg8[%get3A_265] {strides = array<i32>} : memref<12800xf32, #tpu.memory_space<vmem>>, vector<16xf32>,
      %gt3A_267 = arith.cmpf ogt, %get3A_266, %select_n3A_215 : vector<16xf32>
      %select_n3A_268 = arith.select %gt3A_267, %get3A_266, %select_n3A_215 : vector<16xi1>, vector<16xf32>
      %add3A_269 = arith.constant 0 : i32
      %add3A_270 = vector.broadcast %add3A_269 : i32 to vector<16xi32>
      %add3A_271 = arith.addi %add3A_258, %add3A_270 : vector<16xi32>
      %select_n3A_272 = arith.select %gt3A_267, %add3A_271, %select_n3A_219 : vector<16xi1>, vector<16xi32>
      %mul3A_273 = arith.constant 64 : i32
      %mul3A_274 = arith.muli %scan3A_260, %mul3A_273 : i32
      %add3A_275 = arith.constant 16 : i32
      %add3A_276 = arith.addi %mul3A_274, %add3A_275 : i32
      %get3A_277 = arith.index_cast %add3A_276 : i32 to index
      %get3A_278 = tpu.vector_load %arg8[%get3A_277] {strides = array<i32>} : memref<12800xf32, #tpu.memory_space<vmem>>, vector<16xf32>,
      %gt3A_279 = arith.cmpf ogt, %get3A_278, %select_n3A_227 : vector<16xf32>
      %select_n3A_280 = arith.select %gt3A_279, %get3A_278, %select_n3A_227 : vector<16xi1>, vector<16xf32>
      %add3A_281 = arith.constant 16 : i32
      %add3A_282 = vector.broadcast %add3A_281 : i32 to vector<16xi32>
      %add3A_283 = arith.addi %add3A_258, %add3A_282 : vector<16xi32>
      %select_n3A_284 = arith.select %gt3A_279, %add3A_283, %select_n3A_231 : vector<16xi1>, vector<16xi32>
      %mul3A_285 = arith.constant 64 : i32
      %mul3A_286 = arith.muli %scan3A_260, %mul3A_285 : i32
      %add3A_287 = arith.constant 32 : i32
      %add3A_288 = arith.addi %mul3A_286, %add3A_287 : i32
      %get3A_289 = arith.index_cast %add3A_288 : i32 to index
      %get3A_290 = tpu.vector_load %arg8[%get3A_289] {strides = array<i32>} : memref<12800xf32, #tpu.memory_space<vmem>>, vector<16xf32>,
      %gt3A_291 = arith.cmpf ogt, %get3A_290, %select_n3A_239 : vector<16xf32>
      %select_n3A_292 = arith.select %gt3A_291, %get3A_290, %select_n3A_239 : vector<16xi1>, vector<16xf32>
      %add3A_293 = arith.constant 32 : i32
      %add3A_294 = vector.broadcast %add3A_293 : i32 to vector<16xi32>
      %add3A_295 = arith.addi %add3A_258, %add3A_294 : vector<16xi32>
      %select_n3A_296 = arith.select %gt3A_291, %add3A_295, %select_n3A_243 : vector<16xi1>, vector<16xi32>
      %mul3A_297 = arith.constant 64 : i32
      %mul3A_298 = arith.muli %scan3A_260, %mul3A_297 : i32
      %add3A_299 = arith.constant 48 : i32
      %add3A_300 = arith.addi %mul3A_298, %add3A_299 : i32
      %get3A_301 = arith.index_cast %add3A_300 : i32 to index
      %get3A_302 = tpu.vector_load %arg8[%get3A_301] {strides = array<i32>} : memref<12800xf32, #tpu.memory_space<vmem>>, vector<16xf32>,
      %gt3A_303 = arith.cmpf ogt, %get3A_302, %select_n3A_251 : vector<16xf32>
      %select_n3A_304 = arith.select %gt3A_303, %get3A_302, %select_n3A_251 : vector<16xi1>, vector<16xf32>
      %add3A_305 = arith.constant 48 : i32
      %add3A_306 = vector.broadcast %add3A_305 : i32 to vector<16xi32>
      %add3A_307 = arith.addi %add3A_258, %add3A_306 : vector<16xi32>
      %select_n3A_308 = arith.select %gt3A_303, %add3A_307, %select_n3A_255 : vector<16xi1>, vector<16xi32>
      %add3A_309 = arith.constant 64 : i32
      %add3A_310 = vector.broadcast %add3A_309 : i32 to vector<16xi32>
      %add3A_311 = arith.addi %add3A_258, %add3A_310 : vector<16xi32>
      %scan3A_312 = arith.constant 2 : i32
      %scan3A_313 = arith.addi %scan3A_198, %scan3A_312 : i32
      %mul3A_314 = arith.constant 64 : i32
      %mul3A_315 = arith.muli %scan3A_313, %mul3A_314 : i32
      %add3A_316 = arith.constant 0 : i32
      %add3A_317 = arith.addi %mul3A_315, %add3A_316 : i32
      %get3A_318 = arith.index_cast %add3A_317 : i32 to index
      %get3A_319 = tpu.vector_load %arg8[%get3A_318] {strides = array<i32>} : memref<12800xf32, #tpu.memory_space<vmem>>, vector<16xf32>,
      %gt3A_320 = arith.cmpf ogt, %get3A_319, %select_n3A_268 : vector<16xf32>
      %select_n3A_321 = arith.select %gt3A_320, %get3A_319, %select_n3A_268 : vector<16xi1>, vector<16xf32>
      %add3A_322 = arith.constant 0 : i32
      %add3A_323 = vector.broadcast %add3A_322 : i32 to vector<16xi32>
      %add3A_324 = arith.addi %add3A_311, %add3A_323 : vector<16xi32>
      %select_n3A_325 = arith.select %gt3A_320, %add3A_324, %select_n3A_272 : vector<16xi1>, vector<16xi32>
      %mul3A_326 = arith.constant 64 : i32
      %mul3A_327 = arith.muli %scan3A_313, %mul3A_326 : i32
      %add3A_328 = arith.constant 16 : i32
      %add3A_329 = arith.addi %mul3A_327, %add3A_328 : i32
      %get3A_330 = arith.index_cast %add3A_329 : i32 to index
      %get3A_331 = tpu.vector_load %arg8[%get3A_330] {strides = array<i32>} : memref<12800xf32, #tpu.memory_space<vmem>>, vector<16xf32>,
      %gt3A_332 = arith.cmpf ogt, %get3A_331, %select_n3A_280 : vector<16xf32>
      %select_n3A_333 = arith.select %gt3A_332, %get3A_331, %select_n3A_280 : vector<16xi1>, vector<16xf32>
      %add3A_334 = arith.constant 16 : i32
      %add3A_335 = vector.broadcast %add3A_334 : i32 to vector<16xi32>
      %add3A_336 = arith.addi %add3A_311, %add3A_335 : vector<16xi32>
      %select_n3A_337 = arith.select %gt3A_332, %add3A_336, %select_n3A_284 : vector<16xi1>, vector<16xi32>
      %mul3A_338 = arith.constant 64 : i32
      %mul3A_339 = arith.muli %scan3A_313, %mul3A_338 : i32
      %add3A_340 = arith.constant 32 : i32
      %add3A_341 = arith.addi %mul3A_339, %add3A_340 : i32
      %get3A_342 = arith.index_cast %add3A_341 : i32 to index
      %get3A_343 = tpu.vector_load %arg8[%get3A_342] {strides = array<i32>} : memref<12800xf32, #tpu.memory_space<vmem>>, vector<16xf32>,
      %gt3A_344 = arith.cmpf ogt, %get3A_343, %select_n3A_292 : vector<16xf32>
      %select_n3A_345 = arith.select %gt3A_344, %get3A_343, %select_n3A_292 : vector<16xi1>, vector<16xf32>
      %add3A_346 = arith.constant 32 : i32
      %add3A_347 = vector.broadcast %add3A_346 : i32 to vector<16xi32>
      %add3A_348 = arith.addi %add3A_311, %add3A_347 : vector<16xi32>
      %select_n3A_349 = arith.select %gt3A_344, %add3A_348, %select_n3A_296 : vector<16xi1>, vector<16xi32>
      %mul3A_350 = arith.constant 64 : i32
      %mul3A_351 = arith.muli %scan3A_313, %mul3A_350 : i32
      %add3A_352 = arith.constant 48 : i32
      %add3A_353 = arith.addi %mul3A_351, %add3A_352 : i32
      %get3A_354 = arith.index_cast %add3A_353 : i32 to index
      %get3A_355 = tpu.vector_load %arg8[%get3A_354] {strides = array<i32>} : memref<12800xf32, #tpu.memory_space<vmem>>, vector<16xf32>,
      %gt3A_356 = arith.cmpf ogt, %get3A_355, %select_n3A_304 : vector<16xf32>
      %select_n3A_357 = arith.select %gt3A_356, %get3A_355, %select_n3A_304 : vector<16xi1>, vector<16xf32>
      %add3A_358 = arith.constant 48 : i32
      %add3A_359 = vector.broadcast %add3A_358 : i32 to vector<16xi32>
      %add3A_360 = arith.addi %add3A_311, %add3A_359 : vector<16xi32>
      %select_n3A_361 = arith.select %gt3A_356, %add3A_360, %select_n3A_308 : vector<16xi1>, vector<16xi32>
      %add3A_362 = arith.constant 64 : i32
      %add3A_363 = vector.broadcast %add3A_362 : i32 to vector<16xi32>
      %add3A_364 = arith.addi %add3A_311, %add3A_363 : vector<16xi32>
      %scan3A_365 = arith.constant 3 : i32
      %scan3A_366 = arith.addi %scan3A_198, %scan3A_365 : i32
      %mul3A_367 = arith.constant 64 : i32
      %mul3A_368 = arith.muli %scan3A_366, %mul3A_367 : i32
      %add3A_369 = arith.constant 0 : i32
      %add3A_370 = arith.addi %mul3A_368, %add3A_369 : i32
      %get3A_371 = arith.index_cast %add3A_370 : i32 to index
      %get3A_372 = tpu.vector_load %arg8[%get3A_371] {strides = array<i32>} : memref<12800xf32, #tpu.memory_space<vmem>>, vector<16xf32>,
      %gt3A_373 = arith.cmpf ogt, %get3A_372, %select_n3A_321 : vector<16xf32>
      %select_n3A_374 = arith.select %gt3A_373, %get3A_372, %select_n3A_321 : vector<16xi1>, vector<16xf32>
      %add3A_375 = arith.constant 0 : i32
      %add3A_376 = vector.broadcast %add3A_375 : i32 to vector<16xi32>
      %add3A_377 = arith.addi %add3A_364, %add3A_376 : vector<16xi32>
      %select_n3A_378 = arith.select %gt3A_373, %add3A_377, %select_n3A_325 : vector<16xi1>, vector<16xi32>
      %mul3A_379 = arith.constant 64 : i32
      %mul3A_380 = arith.muli %scan3A_366, %mul3A_379 : i32
      %add3A_381 = arith.constant 16 : i32
      %add3A_382 = arith.addi %mul3A_380, %add3A_381 : i32
      %get3A_383 = arith.index_cast %add3A_382 : i32 to index
      %get3A_384 = tpu.vector_load %arg8[%get3A_383] {strides = array<i32>} : memref<12800xf32, #tpu.memory_space<vmem>>, vector<16xf32>,
      %gt3A_385 = arith.cmpf ogt, %get3A_384, %select_n3A_333 : vector<16xf32>
      %select_n3A_386 = arith.select %gt3A_385, %get3A_384, %select_n3A_333 : vector<16xi1>, vector<16xf32>
      %add3A_387 = arith.constant 16 : i32
      %add3A_388 = vector.broadcast %add3A_387 : i32 to vector<16xi32>
      %add3A_389 = arith.addi %add3A_364, %add3A_388 : vector<16xi32>
      %select_n3A_390 = arith.select %gt3A_385, %add3A_389, %select_n3A_337 : vector<16xi1>, vector<16xi32>
      %mul3A_391 = arith.constant 64 : i32
      %mul3A_392 = arith.muli %scan3A_366, %mul3A_391 : i32
      %add3A_393 = arith.constant 32 : i32
      %add3A_394 = arith.addi %mul3A_392, %add3A_393 : i32
      %get3A_395 = arith.index_cast %add3A_394 : i32 to index
      %get3A_396 = tpu.vector_load %arg8[%get3A_395] {strides = array<i32>} : memref<12800xf32, #tpu.memory_space<vmem>>, vector<16xf32>,
      %gt3A_397 = arith.cmpf ogt, %get3A_396, %select_n3A_345 : vector<16xf32>
      %select_n3A_398 = arith.select %gt3A_397, %get3A_396, %select_n3A_345 : vector<16xi1>, vector<16xf32>
      %add3A_399 = arith.constant 32 : i32
      %add3A_400 = vector.broadcast %add3A_399 : i32 to vector<16xi32>
      %add3A_401 = arith.addi %add3A_364, %add3A_400 : vector<16xi32>
      %select_n3A_402 = arith.select %gt3A_397, %add3A_401, %select_n3A_349 : vector<16xi1>, vector<16xi32>
      %mul3A_403 = arith.constant 64 : i32
      %mul3A_404 = arith.muli %scan3A_366, %mul3A_403 : i32
      %add3A_405 = arith.constant 48 : i32
      %add3A_406 = arith.addi %mul3A_404, %add3A_405 : i32
      %get3A_407 = arith.index_cast %add3A_406 : i32 to index
      %get3A_408 = tpu.vector_load %arg8[%get3A_407] {strides = array<i32>} : memref<12800xf32, #tpu.memory_space<vmem>>, vector<16xf32>,
      %gt3A_409 = arith.cmpf ogt, %get3A_408, %select_n3A_357 : vector<16xf32>
      %select_n3A_410 = arith.select %gt3A_409, %get3A_408, %select_n3A_357 : vector<16xi1>, vector<16xf32>
      %add3A_411 = arith.constant 48 : i32
      %add3A_412 = vector.broadcast %add3A_411 : i32 to vector<16xi32>
      %add3A_413 = arith.addi %add3A_364, %add3A_412 : vector<16xi32>
      %select_n3A_414 = arith.select %gt3A_409, %add3A_413, %select_n3A_361 : vector<16xi1>, vector<16xi32>
      %add3A_415 = arith.constant 64 : i32
      %add3A_416 = vector.broadcast %add3A_415 : i32 to vector<16xi32>
      %add3A_417 = arith.addi %add3A_364, %add3A_416 : vector<16xi32>
      %scan3A_418 = arith.constant 4 : i32
      %scan3A_419 = arith.addi %scan3A_198, %scan3A_418 : i32
      %mul3A_420 = arith.constant 64 : i32
      %mul3A_421 = arith.muli %scan3A_419, %mul3A_420 : i32
      %add3A_422 = arith.constant 0 : i32
      %add3A_423 = arith.addi %mul3A_421, %add3A_422 : i32
      %get3A_424 = arith.index_cast %add3A_423 : i32 to index
      %get3A_425 = tpu.vector_load %arg8[%get3A_424] {strides = array<i32>} : memref<12800xf32, #tpu.memory_space<vmem>>, vector<16xf32>,
      %gt3A_426 = arith.cmpf ogt, %get3A_425, %select_n3A_374 : vector<16xf32>
      %select_n3A_427 = arith.select %gt3A_426, %get3A_425, %select_n3A_374 : vector<16xi1>, vector<16xf32>
      %add3A_428 = arith.constant 0 : i32
      %add3A_429 = vector.broadcast %add3A_428 : i32 to vector<16xi32>
      %add3A_430 = arith.addi %add3A_417, %add3A_429 : vector<16xi32>
      %select_n3A_431 = arith.select %gt3A_426, %add3A_430, %select_n3A_378 : vector<16xi1>, vector<16xi32>
      %mul3A_432 = arith.constant 64 : i32
      %mul3A_433 = arith.muli %scan3A_419, %mul3A_432 : i32
      %add3A_434 = arith.constant 16 : i32
      %add3A_435 = arith.addi %mul3A_433, %add3A_434 : i32
      %get3A_436 = arith.index_cast %add3A_435 : i32 to index
      %get3A_437 = tpu.vector_load %arg8[%get3A_436] {strides = array<i32>} : memref<12800xf32, #tpu.memory_space<vmem>>, vector<16xf32>,
      %gt3A_438 = arith.cmpf ogt, %get3A_437, %select_n3A_386 : vector<16xf32>
      %select_n3A_439 = arith.select %gt3A_438, %get3A_437, %select_n3A_386 : vector<16xi1>, vector<16xf32>
      %add3A_440 = arith.constant 16 : i32
      %add3A_441 = vector.broadcast %add3A_440 : i32 to vector<16xi32>
      %add3A_442 = arith.addi %add3A_417, %add3A_441 : vector<16xi32>
      %select_n3A_443 = arith.select %gt3A_438, %add3A_442, %select_n3A_390 : vector<16xi1>, vector<16xi32>
      %mul3A_444 = arith.constant 64 : i32
      %mul3A_445 = arith.muli %scan3A_419, %mul3A_444 : i32
      %add3A_446 = arith.constant 32 : i32
      %add3A_447 = arith.addi %mul3A_445, %add3A_446 : i32
      %get3A_448 = arith.index_cast %add3A_447 : i32 to index
      %get3A_449 = tpu.vector_load %arg8[%get3A_448] {strides = array<i32>} : memref<12800xf32, #tpu.memory_space<vmem>>, vector<16xf32>,
      %gt3A_450 = arith.cmpf ogt, %get3A_449, %select_n3A_398 : vector<16xf32>
      %select_n3A_451 = arith.select %gt3A_450, %get3A_449, %select_n3A_398 : vector<16xi1>, vector<16xf32>
      %add3A_452 = arith.constant 32 : i32
      %add3A_453 = vector.broadcast %add3A_452 : i32 to vector<16xi32>
      %add3A_454 = arith.addi %add3A_417, %add3A_453 : vector<16xi32>
      %select_n3A_455 = arith.select %gt3A_450, %add3A_454, %select_n3A_402 : vector<16xi1>, vector<16xi32>
      %mul3A_456 = arith.constant 64 : i32
      %mul3A_457 = arith.muli %scan3A_419, %mul3A_456 : i32
      %add3A_458 = arith.constant 48 : i32
      %add3A_459 = arith.addi %mul3A_457, %add3A_458 : i32
      %get3A_460 = arith.index_cast %add3A_459 : i32 to index
      %get3A_461 = tpu.vector_load %arg8[%get3A_460] {strides = array<i32>} : memref<12800xf32, #tpu.memory_space<vmem>>, vector<16xf32>,
      %gt3A_462 = arith.cmpf ogt, %get3A_461, %select_n3A_410 : vector<16xf32>
      %select_n3A_463 = arith.select %gt3A_462, %get3A_461, %select_n3A_410 : vector<16xi1>, vector<16xf32>
      %add3A_464 = arith.constant 48 : i32
      %add3A_465 = vector.broadcast %add3A_464 : i32 to vector<16xi32>
      %add3A_466 = arith.addi %add3A_417, %add3A_465 : vector<16xi32>
      %select_n3A_467 = arith.select %gt3A_462, %add3A_466, %select_n3A_414 : vector<16xi1>, vector<16xi32>
      %add3A_468 = arith.constant 64 : i32
      %add3A_469 = vector.broadcast %add3A_468 : i32 to vector<16xi32>
      %add3A_470 = arith.addi %add3A_417, %add3A_469 : vector<16xi32>
      %scan3A_471 = arith.constant 5 : i32
      %scan3A_472 = arith.addi %scan3A_198, %scan3A_471 : i32
      %mul3A_473 = arith.constant 64 : i32
      %mul3A_474 = arith.muli %scan3A_472, %mul3A_473 : i32
      %add3A_475 = arith.constant 0 : i32
      %add3A_476 = arith.addi %mul3A_474, %add3A_475 : i32
      %get3A_477 = arith.index_cast %add3A_476 : i32 to index
      %get3A_478 = tpu.vector_load %arg8[%get3A_477] {strides = array<i32>} : memref<12800xf32, #tpu.memory_space<vmem>>, vector<16xf32>,
      %gt3A_479 = arith.cmpf ogt, %get3A_478, %select_n3A_427 : vector<16xf32>
      %select_n3A_480 = arith.select %gt3A_479, %get3A_478, %select_n3A_427 : vector<16xi1>, vector<16xf32>
      %add3A_481 = arith.constant 0 : i32
      %add3A_482 = vector.broadcast %add3A_481 : i32 to vector<16xi32>
      %add3A_483 = arith.addi %add3A_470, %add3A_482 : vector<16xi32>
      %select_n3A_484 = arith.select %gt3A_479, %add3A_483, %select_n3A_431 : vector<16xi1>, vector<16xi32>
      %mul3A_485 = arith.constant 64 : i32
      %mul3A_486 = arith.muli %scan3A_472, %mul3A_485 : i32
      %add3A_487 = arith.constant 16 : i32
      %add3A_488 = arith.addi %mul3A_486, %add3A_487 : i32
      %get3A_489 = arith.index_cast %add3A_488 : i32 to index
      %get3A_490 = tpu.vector_load %arg8[%get3A_489] {strides = array<i32>} : memref<12800xf32, #tpu.memory_space<vmem>>, vector<16xf32>,
      %gt3A_491 = arith.cmpf ogt, %get3A_490, %select_n3A_439 : vector<16xf32>
      %select_n3A_492 = arith.select %gt3A_491, %get3A_490, %select_n3A_439 : vector<16xi1>, vector<16xf32>
      %add3A_493 = arith.constant 16 : i32
      %add3A_494 = vector.broadcast %add3A_493 : i32 to vector<16xi32>
      %add3A_495 = arith.addi %add3A_470, %add3A_494 : vector<16xi32>
      %select_n3A_496 = arith.select %gt3A_491, %add3A_495, %select_n3A_443 : vector<16xi1>, vector<16xi32>
      %mul3A_497 = arith.constant 64 : i32
      %mul3A_498 = arith.muli %scan3A_472, %mul3A_497 : i32
      %add3A_499 = arith.constant 32 : i32
      %add3A_500 = arith.addi %mul3A_498, %add3A_499 : i32
      %get3A_501 = arith.index_cast %add3A_500 : i32 to index
      %get3A_502 = tpu.vector_load %arg8[%get3A_501] {strides = array<i32>} : memref<12800xf32, #tpu.memory_space<vmem>>, vector<16xf32>,
      %gt3A_503 = arith.cmpf ogt, %get3A_502, %select_n3A_451 : vector<16xf32>
      %select_n3A_504 = arith.select %gt3A_503, %get3A_502, %select_n3A_451 : vector<16xi1>, vector<16xf32>
      %add3A_505 = arith.constant 32 : i32
      %add3A_506 = vector.broadcast %add3A_505 : i32 to vector<16xi32>
      %add3A_507 = arith.addi %add3A_470, %add3A_506 : vector<16xi32>
      %select_n3A_508 = arith.select %gt3A_503, %add3A_507, %select_n3A_455 : vector<16xi1>, vector<16xi32>
      %mul3A_509 = arith.constant 64 : i32
      %mul3A_510 = arith.muli %scan3A_472, %mul3A_509 : i32
      %add3A_511 = arith.constant 48 : i32
      %add3A_512 = arith.addi %mul3A_510, %add3A_511 : i32
      %get3A_513 = arith.index_cast %add3A_512 : i32 to index
      %get3A_514 = tpu.vector_load %arg8[%get3A_513] {strides = array<i32>} : memref<12800xf32, #tpu.memory_space<vmem>>, vector<16xf32>,
      %gt3A_515 = arith.cmpf ogt, %get3A_514, %select_n3A_463 : vector<16xf32>
      %select_n3A_516 = arith.select %gt3A_515, %get3A_514, %select_n3A_463 : vector<16xi1>, vector<16xf32>
      %add3A_517 = arith.constant 48 : i32
      %add3A_518 = vector.broadcast %add3A_517 : i32 to vector<16xi32>
      %add3A_519 = arith.addi %add3A_470, %add3A_518 : vector<16xi32>
      %select_n3A_520 = arith.select %gt3A_515, %add3A_519, %select_n3A_467 : vector<16xi1>, vector<16xi32>
      %add3A_521 = arith.constant 64 : i32
      %add3A_522 = vector.broadcast %add3A_521 : i32 to vector<16xi32>
      %add3A_523 = arith.addi %add3A_470, %add3A_522 : vector<16xi32>
      %scan3A_524 = arith.constant 6 : i32
      %scan3A_525 = arith.addi %scan3A_198, %scan3A_524 : i32
      %mul3A_526 = arith.constant 64 : i32
      %mul3A_527 = arith.muli %scan3A_525, %mul3A_526 : i32
      %add3A_528 = arith.constant 0 : i32
      %add3A_529 = arith.addi %mul3A_527, %add3A_528 : i32
      %get3A_530 = arith.index_cast %add3A_529 : i32 to index
      %get3A_531 = tpu.vector_load %arg8[%get3A_530] {strides = array<i32>} : memref<12800xf32, #tpu.memory_space<vmem>>, vector<16xf32>,
      %gt3A_532 = arith.cmpf ogt, %get3A_531, %select_n3A_480 : vector<16xf32>
      %select_n3A_533 = arith.select %gt3A_532, %get3A_531, %select_n3A_480 : vector<16xi1>, vector<16xf32>
      %add3A_534 = arith.constant 0 : i32
      %add3A_535 = vector.broadcast %add3A_534 : i32 to vector<16xi32>
      %add3A_536 = arith.addi %add3A_523, %add3A_535 : vector<16xi32>
      %select_n3A_537 = arith.select %gt3A_532, %add3A_536, %select_n3A_484 : vector<16xi1>, vector<16xi32>
      %mul3A_538 = arith.constant 64 : i32
      %mul3A_539 = arith.muli %scan3A_525, %mul3A_538 : i32
      %add3A_540 = arith.constant 16 : i32
      %add3A_541 = arith.addi %mul3A_539, %add3A_540 : i32
      %get3A_542 = arith.index_cast %add3A_541 : i32 to index
      %get3A_543 = tpu.vector_load %arg8[%get3A_542] {strides = array<i32>} : memref<12800xf32, #tpu.memory_space<vmem>>, vector<16xf32>,
      %gt3A_544 = arith.cmpf ogt, %get3A_543, %select_n3A_492 : vector<16xf32>
      %select_n3A_545 = arith.select %gt3A_544, %get3A_543, %select_n3A_492 : vector<16xi1>, vector<16xf32>
      %add3A_546 = arith.constant 16 : i32
      %add3A_547 = vector.broadcast %add3A_546 : i32 to vector<16xi32>
      %add3A_548 = arith.addi %add3A_523, %add3A_547 : vector<16xi32>
      %select_n3A_549 = arith.select %gt3A_544, %add3A_548, %select_n3A_496 : vector<16xi1>, vector<16xi32>
      %mul3A_550 = arith.constant 64 : i32
      %mul3A_551 = arith.muli %scan3A_525, %mul3A_550 : i32
      %add3A_552 = arith.constant 32 : i32
      %add3A_553 = arith.addi %mul3A_551, %add3A_552 : i32
      %get3A_554 = arith.index_cast %add3A_553 : i32 to index
      %get3A_555 = tpu.vector_load %arg8[%get3A_554] {strides = array<i32>} : memref<12800xf32, #tpu.memory_space<vmem>>, vector<16xf32>,
      %gt3A_556 = arith.cmpf ogt, %get3A_555, %select_n3A_504 : vector<16xf32>
      %select_n3A_557 = arith.select %gt3A_556, %get3A_555, %select_n3A_504 : vector<16xi1>, vector<16xf32>
      %add3A_558 = arith.constant 32 : i32
      %add3A_559 = vector.broadcast %add3A_558 : i32 to vector<16xi32>
      %add3A_560 = arith.addi %add3A_523, %add3A_559 : vector<16xi32>
      %select_n3A_561 = arith.select %gt3A_556, %add3A_560, %select_n3A_508 : vector<16xi1>, vector<16xi32>
      %mul3A_562 = arith.constant 64 : i32
      %mul3A_563 = arith.muli %scan3A_525, %mul3A_562 : i32
      %add3A_564 = arith.constant 48 : i32
      %add3A_565 = arith.addi %mul3A_563, %add3A_564 : i32
      %get3A_566 = arith.index_cast %add3A_565 : i32 to index
      %get3A_567 = tpu.vector_load %arg8[%get3A_566] {strides = array<i32>} : memref<12800xf32, #tpu.memory_space<vmem>>, vector<16xf32>,
      %gt3A_568 = arith.cmpf ogt, %get3A_567, %select_n3A_516 : vector<16xf32>
      %select_n3A_569 = arith.select %gt3A_568, %get3A_567, %select_n3A_516 : vector<16xi1>, vector<16xf32>
      %add3A_570 = arith.constant 48 : i32
      %add3A_571 = vector.broadcast %add3A_570 : i32 to vector<16xi32>
      %add3A_572 = arith.addi %add3A_523, %add3A_571 : vector<16xi32>
      %select_n3A_573 = arith.select %gt3A_568, %add3A_572, %select_n3A_520 : vector<16xi1>, vector<16xi32>
      %add3A_574 = arith.constant 64 : i32
      %add3A_575 = vector.broadcast %add3A_574 : i32 to vector<16xi32>
      %add3A_576 = arith.addi %add3A_523, %add3A_575 : vector<16xi32>
      %scan3A_577 = arith.constant 7 : i32
      %scan3A_578 = arith.addi %scan3A_198, %scan3A_577 : i32
      %mul3A_579 = arith.constant 64 : i32
      %mul3A_580 = arith.muli %scan3A_578, %mul3A_579 : i32
      %add3A_581 = arith.constant 0 : i32
      %add3A_582 = arith.addi %mul3A_580, %add3A_581 : i32
      %get3A_583 = arith.index_cast %add3A_582 : i32 to index
      %get3A_584 = tpu.vector_load %arg8[%get3A_583] {strides = array<i32>} : memref<12800xf32, #tpu.memory_space<vmem>>, vector<16xf32>,
      %gt3A_585 = arith.cmpf ogt, %get3A_584, %select_n3A_533 : vector<16xf32>
      %select_n3A_586 = arith.select %gt3A_585, %get3A_584, %select_n3A_533 : vector<16xi1>, vector<16xf32>
      %add3A_587 = arith.constant 0 : i32
      %add3A_588 = vector.broadcast %add3A_587 : i32 to vector<16xi32>
      %add3A_589 = arith.addi %add3A_576, %add3A_588 : vector<16xi32>
      %select_n3A_590 = arith.select %gt3A_585, %add3A_589, %select_n3A_537 : vector<16xi1>, vector<16xi32>
      %mul3A_591 = arith.constant 64 : i32
      %mul3A_592 = arith.muli %scan3A_578, %mul3A_591 : i32
      %add3A_593 = arith.constant 16 : i32
      %add3A_594 = arith.addi %mul3A_592, %add3A_593 : i32
      %get3A_595 = arith.index_cast %add3A_594 : i32 to index
      %get3A_596 = tpu.vector_load %arg8[%get3A_595] {strides = array<i32>} : memref<12800xf32, #tpu.memory_space<vmem>>, vector<16xf32>,
      %gt3A_597 = arith.cmpf ogt, %get3A_596, %select_n3A_545 : vector<16xf32>
      %select_n3A_598 = arith.select %gt3A_597, %get3A_596, %select_n3A_545 : vector<16xi1>, vector<16xf32>
      %add3A_599 = arith.constant 16 : i32
      %add3A_600 = vector.broadcast %add3A_599 : i32 to vector<16xi32>
      %add3A_601 = arith.addi %add3A_576, %add3A_600 : vector<16xi32>
      %select_n3A_602 = arith.select %gt3A_597, %add3A_601, %select_n3A_549 : vector<16xi1>, vector<16xi32>
      %mul3A_603 = arith.constant 64 : i32
      %mul3A_604 = arith.muli %scan3A_578, %mul3A_603 : i32
      %add3A_605 = arith.constant 32 : i32
      %add3A_606 = arith.addi %mul3A_604, %add3A_605 : i32
      %get3A_607 = arith.index_cast %add3A_606 : i32 to index
      %get3A_608 = tpu.vector_load %arg8[%get3A_607] {strides = array<i32>} : memref<12800xf32, #tpu.memory_space<vmem>>, vector<16xf32>,
      %gt3A_609 = arith.cmpf ogt, %get3A_608, %select_n3A_557 : vector<16xf32>
      %select_n3A_610 = arith.select %gt3A_609, %get3A_608, %select_n3A_557 : vector<16xi1>, vector<16xf32>
      %add3A_611 = arith.constant 32 : i32
      %add3A_612 = vector.broadcast %add3A_611 : i32 to vector<16xi32>
      %add3A_613 = arith.addi %add3A_576, %add3A_612 : vector<16xi32>
      %select_n3A_614 = arith.select %gt3A_609, %add3A_613, %select_n3A_561 : vector<16xi1>, vector<16xi32>
      %mul3A_615 = arith.constant 64 : i32
      %mul3A_616 = arith.muli %scan3A_578, %mul3A_615 : i32
      %add3A_617 = arith.constant 48 : i32
      %add3A_618 = arith.addi %mul3A_616, %add3A_617 : i32
      %get3A_619 = arith.index_cast %add3A_618 : i32 to index
      %get3A_620 = tpu.vector_load %arg8[%get3A_619] {strides = array<i32>} : memref<12800xf32, #tpu.memory_space<vmem>>, vector<16xf32>,
      %gt3A_621 = arith.cmpf ogt, %get3A_620, %select_n3A_569 : vector<16xf32>
      %select_n3A_622 = arith.select %gt3A_621, %get3A_620, %select_n3A_569 : vector<16xi1>, vector<16xf32>
      %add3A_623 = arith.constant 48 : i32
      %add3A_624 = vector.broadcast %add3A_623 : i32 to vector<16xi32>
      %add3A_625 = arith.addi %add3A_576, %add3A_624 : vector<16xi32>
      %select_n3A_626 = arith.select %gt3A_621, %add3A_625, %select_n3A_573 : vector<16xi1>, vector<16xi32>
      %add3A_627 = arith.constant 64 : i32
      %add3A_628 = vector.broadcast %add3A_627 : i32 to vector<16xi32>
      %add3A_629 = arith.addi %add3A_576, %add3A_628 : vector<16xi32>
      scf.yield %select_n3A_586, %select_n3A_598, %select_n3A_610, %select_n3A_622, %select_n3A_590, %select_n3A_602, %select_n3A_614, %select_n3A_626, %add3A_629 : vector<16xf32>, vector<16xf32>, vector<16xf32>, vector<16xf32>, vector<16xi32>, vector<16xi32>, vector<16xi32>, vector<16xi32>, vector<16xi32>
    }
    %scan3A_85 = arith.constant 200 : i32
    %dma_wait3A_86 = tpu.memref_slice %arg2[%add3A_30, %sub3A_34, %add3A_50] : memref<16x16x100000xf32, #tpu.memory_space<hbm>> -> memref<1x1x12800xf32, #tpu.memory_space<hbm>>
    %dma_wait3A_87 = tpu.memref_squeeze %dma_wait3A_86 : memref<1x1x12800xf32, #tpu.memory_space<hbm>> -> memref<12800xf32, #tpu.memory_space<hbm>>
    %dma_wait3A_88 = tpu.memref_slice %arg2[%add3A_30, %sub3A_34, %add3A_50] : memref<16x16x100000xf32, #tpu.memory_space<hbm>> -> memref<1x1x12800xf32, #tpu.memory_space<hbm>>
    %dma_wait3A_89 = tpu.memref_squeeze %dma_wait3A_88 : memref<1x1x12800xf32, #tpu.memory_space<hbm>> -> memref<12800xf32, #tpu.memory_space<hbm>>
    tpu.wait_dma2 semaphore(%arg17 : memref<!tpu.dma_semaphore, #tpu.memory_space<semaphore_mem>>) src(%dma_wait3A_89 : memref<12800xf32, #tpu.memory_space<hbm>>) dst(%arg9 : memref<12800xf32, #tpu.memory_space<vmem>>)
    %add3A_90 = vector.broadcast %mul3A_39 : i32 to vector<16xi32>
    %add3A_91 = arith.addi %iota3A, %add3A_90 : vector<16xi32>
    %add3A_92 = arith.constant 12800 : i32
    %add3A_93 = vector.broadcast %add3A_92 : i32 to vector<16xi32>
    %add3A_94 = arith.addi %add3A_91, %add3A_93 : vector<16xi32>
    %scan3A_95 = arith.constant 0 : i32
    %scan3A_96 = arith.constant 200 : i32
    %scan3A_97 = arith.addi %scan3A_95, %scan3A_96 : i32
    %scan3A_98 = arith.constant 8 : i32
    %scan3A_99:9 = scf.for %scan3A_198 = %scan3A_95 to %scan3A_97 step %scan3A_98 iter_args(%scan3A_199 = %scan3A_84#0, %scan3A_200 = %scan3A_84#1, %scan3A_201 = %scan3A_84#2, %scan3A_202 = %scan3A_84#3, %scan3A_203 = %scan3A_84#4, %scan3A_204 = %scan3A_84#5, %scan3A_205 = %scan3A_84#6, %scan3A_206 = %scan3A_84#7, %scan3A_207 = %add3A_94) -> (vector<16xf32>, vector<16xf32>, vector<16xf32>, vector<16xf32>, vector<16xi32>, vector<16xi32>, vector<16xi32>, vector<16xi32>, vector<16xi32>)  : i32 {
      %mul3A_208 = arith.constant 64 : i32
      %mul3A_209 = arith.muli %scan3A_198, %mul3A_208 : i32
      %add3A_210 = arith.constant 0 : i32
      %add3A_211 = arith.addi %mul3A_209, %add3A_210 : i32
      %get3A_212 = arith.index_cast %add3A_211 : i32 to index
      %get3A_213 = tpu.vector_load %arg9[%get3A_212] {strides = array<i32>} : memref<12800xf32, #tpu.memory_space<vmem>>, vector<16xf32>,
      %gt3A_214 = arith.cmpf ogt, %get3A_213, %scan3A_199 : vector<16xf32>
      %select_n3A_215 = arith.select %gt3A_214, %get3A_213, %scan3A_199 : vector<16xi1>, vector<16xf32>
      %add3A_216 = arith.constant 0 : i32
      %add3A_217 = vector.broadcast %add3A_216 : i32 to vector<16xi32>
      %add3A_218 = arith.addi %scan3A_207, %add3A_217 : vector<16xi32>
      %select_n3A_219 = arith.select %gt3A_214, %add3A_218, %scan3A_203 : vector<16xi1>, vector<16xi32>
      %mul3A_220 = arith.constant 64 : i32
      %mul3A_221 = arith.muli %scan3A_198, %mul3A_220 : i32
      %add3A_222 = arith.constant 16 : i32
      %add3A_223 = arith.addi %mul3A_221, %add3A_222 : i32
      %get3A_224 = arith.index_cast %add3A_223 : i32 to index
      %get3A_225 = tpu.vector_load %arg9[%get3A_224] {strides = array<i32>} : memref<12800xf32, #tpu.memory_space<vmem>>, vector<16xf32>,
      %gt3A_226 = arith.cmpf ogt, %get3A_225, %scan3A_200 : vector<16xf32>
      %select_n3A_227 = arith.select %gt3A_226, %get3A_225, %scan3A_200 : vector<16xi1>, vector<16xf32>
      %add3A_228 = arith.constant 16 : i32
      %add3A_229 = vector.broadcast %add3A_228 : i32 to vector<16xi32>
      %add3A_230 = arith.addi %scan3A_207, %add3A_229 : vector<16xi32>
      %select_n3A_231 = arith.select %gt3A_226, %add3A_230, %scan3A_204 : vector<16xi1>, vector<16xi32>
      %mul3A_232 = arith.constant 64 : i32
      %mul3A_233 = arith.muli %scan3A_198, %mul3A_232 : i32
      %add3A_234 = arith.constant 32 : i32
      %add3A_235 = arith.addi %mul3A_233, %add3A_234 : i32
      %get3A_236 = arith.index_cast %add3A_235 : i32 to index
      %get3A_237 = tpu.vector_load %arg9[%get3A_236] {strides = array<i32>} : memref<12800xf32, #tpu.memory_space<vmem>>, vector<16xf32>,
      %gt3A_238 = arith.cmpf ogt, %get3A_237, %scan3A_201 : vector<16xf32>
      %select_n3A_239 = arith.select %gt3A_238, %get3A_237, %scan3A_201 : vector<16xi1>, vector<16xf32>
      %add3A_240 = arith.constant 32 : i32
      %add3A_241 = vector.broadcast %add3A_240 : i32 to vector<16xi32>
      %add3A_242 = arith.addi %scan3A_207, %add3A_241 : vector<16xi32>
      %select_n3A_243 = arith.select %gt3A_238, %add3A_242, %scan3A_205 : vector<16xi1>, vector<16xi32>
      %mul3A_244 = arith.constant 64 : i32
      %mul3A_245 = arith.muli %scan3A_198, %mul3A_244 : i32
      %add3A_246 = arith.constant 48 : i32
      %add3A_247 = arith.addi %mul3A_245, %add3A_246 : i32
      %get3A_248 = arith.index_cast %add3A_247 : i32 to index
      %get3A_249 = tpu.vector_load %arg9[%get3A_248] {strides = array<i32>} : memref<12800xf32, #tpu.memory_space<vmem>>, vector<16xf32>,
      %gt3A_250 = arith.cmpf ogt, %get3A_249, %scan3A_202 : vector<16xf32>
      %select_n3A_251 = arith.select %gt3A_250, %get3A_249, %scan3A_202 : vector<16xi1>, vector<16xf32>
      %add3A_252 = arith.constant 48 : i32
      %add3A_253 = vector.broadcast %add3A_252 : i32 to vector<16xi32>
      %add3A_254 = arith.addi %scan3A_207, %add3A_253 : vector<16xi32>
      %select_n3A_255 = arith.select %gt3A_250, %add3A_254, %scan3A_206 : vector<16xi1>, vector<16xi32>
      %add3A_256 = arith.constant 64 : i32
      %add3A_257 = vector.broadcast %add3A_256 : i32 to vector<16xi32>
      %add3A_258 = arith.addi %scan3A_207, %add3A_257 : vector<16xi32>
      %scan3A_259 = arith.constant 1 : i32
      %scan3A_260 = arith.addi %scan3A_198, %scan3A_259 : i32
      %mul3A_261 = arith.constant 64 : i32
      %mul3A_262 = arith.muli %scan3A_260, %mul3A_261 : i32
      %add3A_263 = arith.constant 0 : i32
      %add3A_264 = arith.addi %mul3A_262, %add3A_263 : i32
      %get3A_265 = arith.index_cast %add3A_264 : i32 to index
      %get3A_266 = tpu.vector_load %arg9[%get3A_265] {strides = array<i32>} : memref<12800xf32, #tpu.memory_space<vmem>>, vector<16xf32>,
      %gt3A_267 = arith.cmpf ogt, %get3A_266, %select_n3A_215 : vector<16xf32>
      %select_n3A_268 = arith.select %gt3A_267, %get3A_266, %select_n3A_215 : vector<16xi1>, vector<16xf32>
      %add3A_269 = arith.constant 0 : i32
      %add3A_270 = vector.broadcast %add3A_269 : i32 to vector<16xi32>
      %add3A_271 = arith.addi %add3A_258, %add3A_270 : vector<16xi32>
      %select_n3A_272 = arith.select %gt3A_267, %add3A_271, %select_n3A_219 : vector<16xi1>, vector<16xi32>
      %mul3A_273 = arith.constant 64 : i32
      %mul3A_274 = arith.muli %scan3A_260, %mul3A_273 : i32
      %add3A_275 = arith.constant 16 : i32
      %add3A_276 = arith.addi %mul3A_274, %add3A_275 : i32
      %get3A_277 = arith.index_cast %add3A_276 : i32 to index
      %get3A_278 = tpu.vector_load %arg9[%get3A_277] {strides = array<i32>} : memref<12800xf32, #tpu.memory_space<vmem>>, vector<16xf32>,
      %gt3A_279 = arith.cmpf ogt, %get3A_278, %select_n3A_227 : vector<16xf32>
      %select_n3A_280 = arith.select %gt3A_279, %get3A_278, %select_n3A_227 : vector<16xi1>, vector<16xf32>
      %add3A_281 = arith.constant 16 : i32
      %add3A_282 = vector.broadcast %add3A_281 : i32 to vector<16xi32>
      %add3A_283 = arith.addi %add3A_258, %add3A_282 : vector<16xi32>
      %select_n3A_284 = arith.select %gt3A_279, %add3A_283, %select_n3A_231 : vector<16xi1>, vector<16xi32>
      %mul3A_285 = arith.constant 64 : i32
      %mul3A_286 = arith.muli %scan3A_260, %mul3A_285 : i32
      %add3A_287 = arith.constant 32 : i32
      %add3A_288 = arith.addi %mul3A_286, %add3A_287 : i32
      %get3A_289 = arith.index_cast %add3A_288 : i32 to index
      %get3A_290 = tpu.vector_load %arg9[%get3A_289] {strides = array<i32>} : memref<12800xf32, #tpu.memory_space<vmem>>, vector<16xf32>,
      %gt3A_291 = arith.cmpf ogt, %get3A_290, %select_n3A_239 : vector<16xf32>
      %select_n3A_292 = arith.select %gt3A_291, %get3A_290, %select_n3A_239 : vector<16xi1>, vector<16xf32>
      %add3A_293 = arith.constant 32 : i32
      %add3A_294 = vector.broadcast %add3A_293 : i32 to vector<16xi32>
      %add3A_295 = arith.addi %add3A_258, %add3A_294 : vector<16xi32>
      %select_n3A_296 = arith.select %gt3A_291, %add3A_295, %select_n3A_243 : vector<16xi1>, vector<16xi32>
      %mul3A_297 = arith.constant 64 : i32
      %mul3A_298 = arith.muli %scan3A_260, %mul3A_297 : i32
      %add3A_299 = arith.constant 48 : i32
      %add3A_300 = arith.addi %mul3A_298, %add3A_299 : i32
      %get3A_301 = arith.index_cast %add3A_300 : i32 to index
      %get3A_302 = tpu.vector_load %arg9[%get3A_301] {strides = array<i32>} : memref<12800xf32, #tpu.memory_space<vmem>>, vector<16xf32>,
      %gt3A_303 = arith.cmpf ogt, %get3A_302, %select_n3A_251 : vector<16xf32>
      %select_n3A_304 = arith.select %gt3A_303, %get3A_302, %select_n3A_251 : vector<16xi1>, vector<16xf32>
      %add3A_305 = arith.constant 48 : i32
      %add3A_306 = vector.broadcast %add3A_305 : i32 to vector<16xi32>
      %add3A_307 = arith.addi %add3A_258, %add3A_306 : vector<16xi32>
      %select_n3A_308 = arith.select %gt3A_303, %add3A_307, %select_n3A_255 : vector<16xi1>, vector<16xi32>
      %add3A_309 = arith.constant 64 : i32
      %add3A_310 = vector.broadcast %add3A_309 : i32 to vector<16xi32>
      %add3A_311 = arith.addi %add3A_258, %add3A_310 : vector<16xi32>
      %scan3A_312 = arith.constant 2 : i32
      %scan3A_313 = arith.addi %scan3A_198, %scan3A_312 : i32
      %mul3A_314 = arith.constant 64 : i32
      %mul3A_315 = arith.muli %scan3A_313, %mul3A_314 : i32
      %add3A_316 = arith.constant 0 : i32
      %add3A_317 = arith.addi %mul3A_315, %add3A_316 : i32
      %get3A_318 = arith.index_cast %add3A_317 : i32 to index
      %get3A_319 = tpu.vector_load %arg9[%get3A_318] {strides = array<i32>} : memref<12800xf32, #tpu.memory_space<vmem>>, vector<16xf32>,
      %gt3A_320 = arith.cmpf ogt, %get3A_319, %select_n3A_268 : vector<16xf32>
      %select_n3A_321 = arith.select %gt3A_320, %get3A_319, %select_n3A_268 : vector<16xi1>, vector<16xf32>
      %add3A_322 = arith.constant 0 : i32
      %add3A_323 = vector.broadcast %add3A_322 : i32 to vector<16xi32>
      %add3A_324 = arith.addi %add3A_311, %add3A_323 : vector<16xi32>
      %select_n3A_325 = arith.select %gt3A_320, %add3A_324, %select_n3A_272 : vector<16xi1>, vector<16xi32>
      %mul3A_326 = arith.constant 64 : i32
      %mul3A_327 = arith.muli %scan3A_313, %mul3A_326 : i32
      %add3A_328 = arith.constant 16 : i32
      %add3A_329 = arith.addi %mul3A_327, %add3A_328 : i32
      %get3A_330 = arith.index_cast %add3A_329 : i32 to index
      %get3A_331 = tpu.vector_load %arg9[%get3A_330] {strides = array<i32>} : memref<12800xf32, #tpu.memory_space<vmem>>, vector<16xf32>,
      %gt3A_332 = arith.cmpf ogt, %get3A_331, %select_n3A_280 : vector<16xf32>
      %select_n3A_333 = arith.select %gt3A_332, %get3A_331, %select_n3A_280 : vector<16xi1>, vector<16xf32>
      %add3A_334 = arith.constant 16 : i32
      %add3A_335 = vector.broadcast %add3A_334 : i32 to vector<16xi32>
      %add3A_336 = arith.addi %add3A_311, %add3A_335 : vector<16xi32>
      %select_n3A_337 = arith.select %gt3A_332, %add3A_336, %select_n3A_284 : vector<16xi1>, vector<16xi32>
      %mul3A_338 = arith.constant 64 : i32
      %mul3A_339 = arith.muli %scan3A_313, %mul3A_338 : i32
      %add3A_340 = arith.constant 32 : i32
      %add3A_341 = arith.addi %mul3A_339, %add3A_340 : i32
      %get3A_342 = arith.index_cast %add3A_341 : i32 to index
      %get3A_343 = tpu.vector_load %arg9[%get3A_342] {strides = array<i32>} : memref<12800xf32, #tpu.memory_space<vmem>>, vector<16xf32>,
      %gt3A_344 = arith.cmpf ogt, %get3A_343, %select_n3A_292 : vector<16xf32>
      %select_n3A_345 = arith.select %gt3A_344, %get3A_343, %select_n3A_292 : vector<16xi1>, vector<16xf32>
      %add3A_346 = arith.constant 32 : i32
      %add3A_347 = vector.broadcast %add3A_346 : i32 to vector<16xi32>
      %add3A_348 = arith.addi %add3A_311, %add3A_347 : vector<16xi32>
      %select_n3A_349 = arith.select %gt3A_344, %add3A_348, %select_n3A_296 : vector<16xi1>, vector<16xi32>
      %mul3A_350 = arith.constant 64 : i32
      %mul3A_351 = arith.muli %scan3A_313, %mul3A_350 : i32
      %add3A_352 = arith.constant 48 : i32
      %add3A_353 = arith.addi %mul3A_351, %add3A_352 : i32
      %get3A_354 = arith.index_cast %add3A_353 : i32 to index
      %get3A_355 = tpu.vector_load %arg9[%get3A_354] {strides = array<i32>} : memref<12800xf32, #tpu.memory_space<vmem>>, vector<16xf32>,
      %gt3A_356 = arith.cmpf ogt, %get3A_355, %select_n3A_304 : vector<16xf32>
      %select_n3A_357 = arith.select %gt3A_356, %get3A_355, %select_n3A_304 : vector<16xi1>, vector<16xf32>
      %add3A_358 = arith.constant 48 : i32
      %add3A_359 = vector.broadcast %add3A_358 : i32 to vector<16xi32>
      %add3A_360 = arith.addi %add3A_311, %add3A_359 : vector<16xi32>
      %select_n3A_361 = arith.select %gt3A_356, %add3A_360, %select_n3A_308 : vector<16xi1>, vector<16xi32>
      %add3A_362 = arith.constant 64 : i32
      %add3A_363 = vector.broadcast %add3A_362 : i32 to vector<16xi32>
      %add3A_364 = arith.addi %add3A_311, %add3A_363 : vector<16xi32>
      %scan3A_365 = arith.constant 3 : i32
      %scan3A_366 = arith.addi %scan3A_198, %scan3A_365 : i32
      %mul3A_367 = arith.constant 64 : i32
      %mul3A_368 = arith.muli %scan3A_366, %mul3A_367 : i32
      %add3A_369 = arith.constant 0 : i32
      %add3A_370 = arith.addi %mul3A_368, %add3A_369 : i32
      %get3A_371 = arith.index_cast %add3A_370 : i32 to index
      %get3A_372 = tpu.vector_load %arg9[%get3A_371] {strides = array<i32>} : memref<12800xf32, #tpu.memory_space<vmem>>, vector<16xf32>,
      %gt3A_373 = arith.cmpf ogt, %get3A_372, %select_n3A_321 : vector<16xf32>
      %select_n3A_374 = arith.select %gt3A_373, %get3A_372, %select_n3A_321 : vector<16xi1>, vector<16xf32>
      %add3A_375 = arith.constant 0 : i32
      %add3A_376 = vector.broadcast %add3A_375 : i32 to vector<16xi32>
      %add3A_377 = arith.addi %add3A_364, %add3A_376 : vector<16xi32>
      %select_n3A_378 = arith.select %gt3A_373, %add3A_377, %select_n3A_325 : vector<16xi1>, vector<16xi32>
      %mul3A_379 = arith.constant 64 : i32
      %mul3A_380 = arith.muli %scan3A_366, %mul3A_379 : i32
      %add3A_381 = arith.constant 16 : i32
      %add3A_382 = arith.addi %mul3A_380, %add3A_381 : i32
      %get3A_383 = arith.index_cast %add3A_382 : i32 to index
      %get3A_384 = tpu.vector_load %arg9[%get3A_383] {strides = array<i32>} : memref<12800xf32, #tpu.memory_space<vmem>>, vector<16xf32>,
      %gt3A_385 = arith.cmpf ogt, %get3A_384, %select_n3A_333 : vector<16xf32>
      %select_n3A_386 = arith.select %gt3A_385, %get3A_384, %select_n3A_333 : vector<16xi1>, vector<16xf32>
      %add3A_387 = arith.constant 16 : i32
      %add3A_388 = vector.broadcast %add3A_387 : i32 to vector<16xi32>
      %add3A_389 = arith.addi %add3A_364, %add3A_388 : vector<16xi32>
      %select_n3A_390 = arith.select %gt3A_385, %add3A_389, %select_n3A_337 : vector<16xi1>, vector<16xi32>
      %mul3A_391 = arith.constant 64 : i32
      %mul3A_392 = arith.muli %scan3A_366, %mul3A_391 : i32
      %add3A_393 = arith.constant 32 : i32
      %add3A_394 = arith.addi %mul3A_392, %add3A_393 : i32
      %get3A_395 = arith.index_cast %add3A_394 : i32 to index
      %get3A_396 = tpu.vector_load %arg9[%get3A_395] {strides = array<i32>} : memref<12800xf32, #tpu.memory_space<vmem>>, vector<16xf32>,
      %gt3A_397 = arith.cmpf ogt, %get3A_396, %select_n3A_345 : vector<16xf32>
      %select_n3A_398 = arith.select %gt3A_397, %get3A_396, %select_n3A_345 : vector<16xi1>, vector<16xf32>
      %add3A_399 = arith.constant 32 : i32
      %add3A_400 = vector.broadcast %add3A_399 : i32 to vector<16xi32>
      %add3A_401 = arith.addi %add3A_364, %add3A_400 : vector<16xi32>
      %select_n3A_402 = arith.select %gt3A_397, %add3A_401, %select_n3A_349 : vector<16xi1>, vector<16xi32>
      %mul3A_403 = arith.constant 64 : i32
      %mul3A_404 = arith.muli %scan3A_366, %mul3A_403 : i32
      %add3A_405 = arith.constant 48 : i32
      %add3A_406 = arith.addi %mul3A_404, %add3A_405 : i32
      %get3A_407 = arith.index_cast %add3A_406 : i32 to index
      %get3A_408 = tpu.vector_load %arg9[%get3A_407] {strides = array<i32>} : memref<12800xf32, #tpu.memory_space<vmem>>, vector<16xf32>,
      %gt3A_409 = arith.cmpf ogt, %get3A_408, %select_n3A_357 : vector<16xf32>
      %select_n3A_410 = arith.select %gt3A_409, %get3A_408, %select_n3A_357 : vector<16xi1>, vector<16xf32>
      %add3A_411 = arith.constant 48 : i32
      %add3A_412 = vector.broadcast %add3A_411 : i32 to vector<16xi32>
      %add3A_413 = arith.addi %add3A_364, %add3A_412 : vector<16xi32>
      %select_n3A_414 = arith.select %gt3A_409, %add3A_413, %select_n3A_361 : vector<16xi1>, vector<16xi32>
      %add3A_415 = arith.constant 64 : i32
      %add3A_416 = vector.broadcast %add3A_415 : i32 to vector<16xi32>
      %add3A_417 = arith.addi %add3A_364, %add3A_416 : vector<16xi32>
      %scan3A_418 = arith.constant 4 : i32
      %scan3A_419 = arith.addi %scan3A_198, %scan3A_418 : i32
      %mul3A_420 = arith.constant 64 : i32
      %mul3A_421 = arith.muli %scan3A_419, %mul3A_420 : i32
      %add3A_422 = arith.constant 0 : i32
      %add3A_423 = arith.addi %mul3A_421, %add3A_422 : i32
      %get3A_424 = arith.index_cast %add3A_423 : i32 to index
      %get3A_425 = tpu.vector_load %arg9[%get3A_424] {strides = array<i32>} : memref<12800xf32, #tpu.memory_space<vmem>>, vector<16xf32>,
      %gt3A_426 = arith.cmpf ogt, %get3A_425, %select_n3A_374 : vector<16xf32>
      %select_n3A_427 = arith.select %gt3A_426, %get3A_425, %select_n3A_374 : vector<16xi1>, vector<16xf32>
      %add3A_428 = arith.constant 0 : i32
      %add3A_429 = vector.broadcast %add3A_428 : i32 to vector<16xi32>
      %add3A_430 = arith.addi %add3A_417, %add3A_429 : vector<16xi32>
      %select_n3A_431 = arith.select %gt3A_426, %add3A_430, %select_n3A_378 : vector<16xi1>, vector<16xi32>
      %mul3A_432 = arith.constant 64 : i32
      %mul3A_433 = arith.muli %scan3A_419, %mul3A_432 : i32
      %add3A_434 = arith.constant 16 : i32
      %add3A_435 = arith.addi %mul3A_433, %add3A_434 : i32
      %get3A_436 = arith.index_cast %add3A_435 : i32 to index
      %get3A_437 = tpu.vector_load %arg9[%get3A_436] {strides = array<i32>} : memref<12800xf32, #tpu.memory_space<vmem>>, vector<16xf32>,
      %gt3A_438 = arith.cmpf ogt, %get3A_437, %select_n3A_386 : vector<16xf32>
      %select_n3A_439 = arith.select %gt3A_438, %get3A_437, %select_n3A_386 : vector<16xi1>, vector<16xf32>
      %add3A_440 = arith.constant 16 : i32
      %add3A_441 = vector.broadcast %add3A_440 : i32 to vector<16xi32>
      %add3A_442 = arith.addi %add3A_417, %add3A_441 : vector<16xi32>
      %select_n3A_443 = arith.select %gt3A_438, %add3A_442, %select_n3A_390 : vector<16xi1>, vector<16xi32>
      %mul3A_444 = arith.constant 64 : i32
      %mul3A_445 = arith.muli %scan3A_419, %mul3A_444 : i32
      %add3A_446 = arith.constant 32 : i32
      %add3A_447 = arith.addi %mul3A_445, %add3A_446 : i32
      %get3A_448 = arith.index_cast %add3A_447 : i32 to index
      %get3A_449 = tpu.vector_load %arg9[%get3A_448] {strides = array<i32>} : memref<12800xf32, #tpu.memory_space<vmem>>, vector<16xf32>,
      %gt3A_450 = arith.cmpf ogt, %get3A_449, %select_n3A_398 : vector<16xf32>
      %select_n3A_451 = arith.select %gt3A_450, %get3A_449, %select_n3A_398 : vector<16xi1>, vector<16xf32>
      %add3A_452 = arith.constant 32 : i32
      %add3A_453 = vector.broadcast %add3A_452 : i32 to vector<16xi32>
      %add3A_454 = arith.addi %add3A_417, %add3A_453 : vector<16xi32>
      %select_n3A_455 = arith.select %gt3A_450, %add3A_454, %select_n3A_402 : vector<16xi1>, vector<16xi32>
      %mul3A_456 = arith.constant 64 : i32
      %mul3A_457 = arith.muli %scan3A_419, %mul3A_456 : i32
      %add3A_458 = arith.constant 48 : i32
      %add3A_459 = arith.addi %mul3A_457, %add3A_458 : i32
      %get3A_460 = arith.index_cast %add3A_459 : i32 to index
      %get3A_461 = tpu.vector_load %arg9[%get3A_460] {strides = array<i32>} : memref<12800xf32, #tpu.memory_space<vmem>>, vector<16xf32>,
      %gt3A_462 = arith.cmpf ogt, %get3A_461, %select_n3A_410 : vector<16xf32>
      %select_n3A_463 = arith.select %gt3A_462, %get3A_461, %select_n3A_410 : vector<16xi1>, vector<16xf32>
      %add3A_464 = arith.constant 48 : i32
      %add3A_465 = vector.broadcast %add3A_464 : i32 to vector<16xi32>
      %add3A_466 = arith.addi %add3A_417, %add3A_465 : vector<16xi32>
      %select_n3A_467 = arith.select %gt3A_462, %add3A_466, %select_n3A_414 : vector<16xi1>, vector<16xi32>
      %add3A_468 = arith.constant 64 : i32
      %add3A_469 = vector.broadcast %add3A_468 : i32 to vector<16xi32>
      %add3A_470 = arith.addi %add3A_417, %add3A_469 : vector<16xi32>
      %scan3A_471 = arith.constant 5 : i32
      %scan3A_472 = arith.addi %scan3A_198, %scan3A_471 : i32
      %mul3A_473 = arith.constant 64 : i32
      %mul3A_474 = arith.muli %scan3A_472, %mul3A_473 : i32
      %add3A_475 = arith.constant 0 : i32
      %add3A_476 = arith.addi %mul3A_474, %add3A_475 : i32
      %get3A_477 = arith.index_cast %add3A_476 : i32 to index
      %get3A_478 = tpu.vector_load %arg9[%get3A_477] {strides = array<i32>} : memref<12800xf32, #tpu.memory_space<vmem>>, vector<16xf32>,
      %gt3A_479 = arith.cmpf ogt, %get3A_478, %select_n3A_427 : vector<16xf32>
      %select_n3A_480 = arith.select %gt3A_479, %get3A_478, %select_n3A_427 : vector<16xi1>, vector<16xf32>
      %add3A_481 = arith.constant 0 : i32
      %add3A_482 = vector.broadcast %add3A_481 : i32 to vector<16xi32>
      %add3A_483 = arith.addi %add3A_470, %add3A_482 : vector<16xi32>
      %select_n3A_484 = arith.select %gt3A_479, %add3A_483, %select_n3A_431 : vector<16xi1>, vector<16xi32>
      %mul3A_485 = arith.constant 64 : i32
      %mul3A_486 = arith.muli %scan3A_472, %mul3A_485 : i32
      %add3A_487 = arith.constant 16 : i32
      %add3A_488 = arith.addi %mul3A_486, %add3A_487 : i32
      %get3A_489 = arith.index_cast %add3A_488 : i32 to index
      %get3A_490 = tpu.vector_load %arg9[%get3A_489] {strides = array<i32>} : memref<12800xf32, #tpu.memory_space<vmem>>, vector<16xf32>,
      %gt3A_491 = arith.cmpf ogt, %get3A_490, %select_n3A_439 : vector<16xf32>
      %select_n3A_492 = arith.select %gt3A_491, %get3A_490, %select_n3A_439 : vector<16xi1>, vector<16xf32>
      %add3A_493 = arith.constant 16 : i32
      %add3A_494 = vector.broadcast %add3A_493 : i32 to vector<16xi32>
      %add3A_495 = arith.addi %add3A_470, %add3A_494 : vector<16xi32>
      %select_n3A_496 = arith.select %gt3A_491, %add3A_495, %select_n3A_443 : vector<16xi1>, vector<16xi32>
      %mul3A_497 = arith.constant 64 : i32
      %mul3A_498 = arith.muli %scan3A_472, %mul3A_497 : i32
      %add3A_499 = arith.constant 32 : i32
      %add3A_500 = arith.addi %mul3A_498, %add3A_499 : i32
      %get3A_501 = arith.index_cast %add3A_500 : i32 to index
      %get3A_502 = tpu.vector_load %arg9[%get3A_501] {strides = array<i32>} : memref<12800xf32, #tpu.memory_space<vmem>>, vector<16xf32>,
      %gt3A_503 = arith.cmpf ogt, %get3A_502, %select_n3A_451 : vector<16xf32>
      %select_n3A_504 = arith.select %gt3A_503, %get3A_502, %select_n3A_451 : vector<16xi1>, vector<16xf32>
      %add3A_505 = arith.constant 32 : i32
      %add3A_506 = vector.broadcast %add3A_505 : i32 to vector<16xi32>
      %add3A_507 = arith.addi %add3A_470, %add3A_506 : vector<16xi32>
      %select_n3A_508 = arith.select %gt3A_503, %add3A_507, %select_n3A_455 : vector<16xi1>, vector<16xi32>
      %mul3A_509 = arith.constant 64 : i32
      %mul3A_510 = arith.muli %scan3A_472, %mul3A_509 : i32
      %add3A_511 = arith.constant 48 : i32
      %add3A_512 = arith.addi %mul3A_510, %add3A_511 : i32
      %get3A_513 = arith.index_cast %add3A_512 : i32 to index
      %get3A_514 = tpu.vector_load %arg9[%get3A_513] {strides = array<i32>} : memref<12800xf32, #tpu.memory_space<vmem>>, vector<16xf32>,
      %gt3A_515 = arith.cmpf ogt, %get3A_514, %select_n3A_463 : vector<16xf32>
      %select_n3A_516 = arith.select %gt3A_515, %get3A_514, %select_n3A_463 : vector<16xi1>, vector<16xf32>
      %add3A_517 = arith.constant 48 : i32
      %add3A_518 = vector.broadcast %add3A_517 : i32 to vector<16xi32>
      %add3A_519 = arith.addi %add3A_470, %add3A_518 : vector<16xi32>
      %select_n3A_520 = arith.select %gt3A_515, %add3A_519, %select_n3A_467 : vector<16xi1>, vector<16xi32>
      %add3A_521 = arith.constant 64 : i32
      %add3A_522 = vector.broadcast %add3A_521 : i32 to vector<16xi32>
      %add3A_523 = arith.addi %add3A_470, %add3A_522 : vector<16xi32>
      %scan3A_524 = arith.constant 6 : i32
      %scan3A_525 = arith.addi %scan3A_198, %scan3A_524 : i32
      %mul3A_526 = arith.constant 64 : i32
      %mul3A_527 = arith.muli %scan3A_525, %mul3A_526 : i32
      %add3A_528 = arith.constant 0 : i32
      %add3A_529 = arith.addi %mul3A_527, %add3A_528 : i32
      %get3A_530 = arith.index_cast %add3A_529 : i32 to index
      %get3A_531 = tpu.vector_load %arg9[%get3A_530] {strides = array<i32>} : memref<12800xf32, #tpu.memory_space<vmem>>, vector<16xf32>,
      %gt3A_532 = arith.cmpf ogt, %get3A_531, %select_n3A_480 : vector<16xf32>
      %select_n3A_533 = arith.select %gt3A_532, %get3A_531, %select_n3A_480 : vector<16xi1>, vector<16xf32>
      %add3A_534 = arith.constant 0 : i32
      %add3A_535 = vector.broadcast %add3A_534 : i32 to vector<16xi32>
      %add3A_536 = arith.addi %add3A_523, %add3A_535 : vector<16xi32>
      %select_n3A_537 = arith.select %gt3A_532, %add3A_536, %select_n3A_484 : vector<16xi1>, vector<16xi32>
      %mul3A_538 = arith.constant 64 : i32
      %mul3A_539 = arith.muli %scan3A_525, %mul3A_538 : i32
      %add3A_540 = arith.constant 16 : i32
      %add3A_541 = arith.addi %mul3A_539, %add3A_540 : i32
      %get3A_542 = arith.index_cast %add3A_541 : i32 to index
      %get3A_543 = tpu.vector_load %arg9[%get3A_542] {strides = array<i32>} : memref<12800xf32, #tpu.memory_space<vmem>>, vector<16xf32>,
      %gt3A_544 = arith.cmpf ogt, %get3A_543, %select_n3A_492 : vector<16xf32>
      %select_n3A_545 = arith.select %gt3A_544, %get3A_543, %select_n3A_492 : vector<16xi1>, vector<16xf32>
      %add3A_546 = arith.constant 16 : i32
      %add3A_547 = vector.broadcast %add3A_546 : i32 to vector<16xi32>
      %add3A_548 = arith.addi %add3A_523, %add3A_547 : vector<16xi32>
      %select_n3A_549 = arith.select %gt3A_544, %add3A_548, %select_n3A_496 : vector<16xi1>, vector<16xi32>
      %mul3A_550 = arith.constant 64 : i32
      %mul3A_551 = arith.muli %scan3A_525, %mul3A_550 : i32
      %add3A_552 = arith.constant 32 : i32
      %add3A_553 = arith.addi %mul3A_551, %add3A_552 : i32
      %get3A_554 = arith.index_cast %add3A_553 : i32 to index
      %get3A_555 = tpu.vector_load %arg9[%get3A_554] {strides = array<i32>} : memref<12800xf32, #tpu.memory_space<vmem>>, vector<16xf32>,
      %gt3A_556 = arith.cmpf ogt, %get3A_555, %select_n3A_504 : vector<16xf32>
      %select_n3A_557 = arith.select %gt3A_556, %get3A_555, %select_n3A_504 : vector<16xi1>, vector<16xf32>
      %add3A_558 = arith.constant 32 : i32
      %add3A_559 = vector.broadcast %add3A_558 : i32 to vector<16xi32>
      %add3A_560 = arith.addi %add3A_523, %add3A_559 : vector<16xi32>
      %select_n3A_561 = arith.select %gt3A_556, %add3A_560, %select_n3A_508 : vector<16xi1>, vector<16xi32>
      %mul3A_562 = arith.constant 64 : i32
      %mul3A_563 = arith.muli %scan3A_525, %mul3A_562 : i32
      %add3A_564 = arith.constant 48 : i32
      %add3A_565 = arith.addi %mul3A_563, %add3A_564 : i32
      %get3A_566 = arith.index_cast %add3A_565 : i32 to index
      %get3A_567 = tpu.vector_load %arg9[%get3A_566] {strides = array<i32>} : memref<12800xf32, #tpu.memory_space<vmem>>, vector<16xf32>,
      %gt3A_568 = arith.cmpf ogt, %get3A_567, %select_n3A_516 : vector<16xf32>
      %select_n3A_569 = arith.select %gt3A_568, %get3A_567, %select_n3A_516 : vector<16xi1>, vector<16xf32>
      %add3A_570 = arith.constant 48 : i32
      %add3A_571 = vector.broadcast %add3A_570 : i32 to vector<16xi32>
      %add3A_572 = arith.addi %add3A_523, %add3A_571 : vector<16xi32>
      %select_n3A_573 = arith.select %gt3A_568, %add3A_572, %select_n3A_520 : vector<16xi1>, vector<16xi32>
      %add3A_574 = arith.constant 64 : i32
      %add3A_575 = vector.broadcast %add3A_574 : i32 to vector<16xi32>
      %add3A_576 = arith.addi %add3A_523, %add3A_575 : vector<16xi32>
      %scan3A_577 = arith.constant 7 : i32
      %scan3A_578 = arith.addi %scan3A_198, %scan3A_577 : i32
      %mul3A_579 = arith.constant 64 : i32
      %mul3A_580 = arith.muli %scan3A_578, %mul3A_579 : i32
      %add3A_581 = arith.constant 0 : i32
      %add3A_582 = arith.addi %mul3A_580, %add3A_581 : i32
      %get3A_583 = arith.index_cast %add3A_582 : i32 to index
      %get3A_584 = tpu.vector_load %arg9[%get3A_583] {strides = array<i32>} : memref<12800xf32, #tpu.memory_space<vmem>>, vector<16xf32>,
      %gt3A_585 = arith.cmpf ogt, %get3A_584, %select_n3A_533 : vector<16xf32>
      %select_n3A_586 = arith.select %gt3A_585, %get3A_584, %select_n3A_533 : vector<16xi1>, vector<16xf32>
      %add3A_587 = arith.constant 0 : i32
      %add3A_588 = vector.broadcast %add3A_587 : i32 to vector<16xi32>
      %add3A_589 = arith.addi %add3A_576, %add3A_588 : vector<16xi32>
      %select_n3A_590 = arith.select %gt3A_585, %add3A_589, %select_n3A_537 : vector<16xi1>, vector<16xi32>
      %mul3A_591 = arith.constant 64 : i32
      %mul3A_592 = arith.muli %scan3A_578, %mul3A_591 : i32
      %add3A_593 = arith.constant 16 : i32
      %add3A_594 = arith.addi %mul3A_592, %add3A_593 : i32
      %get3A_595 = arith.index_cast %add3A_594 : i32 to index
      %get3A_596 = tpu.vector_load %arg9[%get3A_595] {strides = array<i32>} : memref<12800xf32, #tpu.memory_space<vmem>>, vector<16xf32>,
      %gt3A_597 = arith.cmpf ogt, %get3A_596, %select_n3A_545 : vector<16xf32>
      %select_n3A_598 = arith.select %gt3A_597, %get3A_596, %select_n3A_545 : vector<16xi1>, vector<16xf32>
      %add3A_599 = arith.constant 16 : i32
      %add3A_600 = vector.broadcast %add3A_599 : i32 to vector<16xi32>
      %add3A_601 = arith.addi %add3A_576, %add3A_600 : vector<16xi32>
      %select_n3A_602 = arith.select %gt3A_597, %add3A_601, %select_n3A_549 : vector<16xi1>, vector<16xi32>
      %mul3A_603 = arith.constant 64 : i32
      %mul3A_604 = arith.muli %scan3A_578, %mul3A_603 : i32
      %add3A_605 = arith.constant 32 : i32
      %add3A_606 = arith.addi %mul3A_604, %add3A_605 : i32
      %get3A_607 = arith.index_cast %add3A_606 : i32 to index
      %get3A_608 = tpu.vector_load %arg9[%get3A_607] {strides = array<i32>} : memref<12800xf32, #tpu.memory_space<vmem>>, vector<16xf32>,
      %gt3A_609 = arith.cmpf ogt, %get3A_608, %select_n3A_557 : vector<16xf32>
      %select_n3A_610 = arith.select %gt3A_609, %get3A_608, %select_n3A_557 : vector<16xi1>, vector<16xf32>
      %add3A_611 = arith.constant 32 : i32
      %add3A_612 = vector.broadcast %add3A_611 : i32 to vector<16xi32>
      %add3A_613 = arith.addi %add3A_576, %add3A_612 : vector<16xi32>
      %select_n3A_614 = arith.select %gt3A_609, %add3A_613, %select_n3A_561 : vector<16xi1>, vector<16xi32>
      %mul3A_615 = arith.constant 64 : i32
      %mul3A_616 = arith.muli %scan3A_578, %mul3A_615 : i32
      %add3A_617 = arith.constant 48 : i32
      %add3A_618 = arith.addi %mul3A_616, %add3A_617 : i32
      %get3A_619 = arith.index_cast %add3A_618 : i32 to index
      %get3A_620 = tpu.vector_load %arg9[%get3A_619] {strides = array<i32>} : memref<12800xf32, #tpu.memory_space<vmem>>, vector<16xf32>,
      %gt3A_621 = arith.cmpf ogt, %get3A_620, %select_n3A_569 : vector<16xf32>
      %select_n3A_622 = arith.select %gt3A_621, %get3A_620, %select_n3A_569 : vector<16xi1>, vector<16xf32>
      %add3A_623 = arith.constant 48 : i32
      %add3A_624 = vector.broadcast %add3A_623 : i32 to vector<16xi32>
      %add3A_625 = arith.addi %add3A_576, %add3A_624 : vector<16xi32>
      %select_n3A_626 = arith.select %gt3A_621, %add3A_625, %select_n3A_573 : vector<16xi1>, vector<16xi32>
      %add3A_627 = arith.constant 64 : i32
      %add3A_628 = vector.broadcast %add3A_627 : i32 to vector<16xi32>
      %add3A_629 = arith.addi %add3A_576, %add3A_628 : vector<16xi32>
      scf.yield %select_n3A_586, %select_n3A_598, %select_n3A_610, %select_n3A_622, %select_n3A_590, %select_n3A_602, %select_n3A_614, %select_n3A_626, %add3A_629 : vector<16xf32>, vector<16xf32>, vector<16xf32>, vector<16xf32>, vector<16xi32>, vector<16xi32>, vector<16xi32>, vector<16xi32>, vector<16xi32>
    }
    %scan3A_100 = arith.constant 200 : i32
    %dma_wait3A_101 = tpu.memref_slice %arg2[%add3A_30, %sub3A_34, %add3A_56] : memref<16x16x100000xf32, #tpu.memory_space<hbm>> -> memref<1x1x12800xf32, #tpu.memory_space<hbm>>
    %dma_wait3A_102 = tpu.memref_squeeze %dma_wait3A_101 : memref<1x1x12800xf32, #tpu.memory_space<hbm>> -> memref<12800xf32, #tpu.memory_space<hbm>>
    %dma_wait3A_103 = tpu.memref_slice %arg2[%add3A_30, %sub3A_34, %add3A_56] : memref<16x16x100000xf32, #tpu.memory_space<hbm>> -> memref<1x1x12800xf32, #tpu.memory_space<hbm>>
    %dma_wait3A_104 = tpu.memref_squeeze %dma_wait3A_103 : memref<1x1x12800xf32, #tpu.memory_space<hbm>> -> memref<12800xf32, #tpu.memory_space<hbm>>
    tpu.wait_dma2 semaphore(%arg18 : memref<!tpu.dma_semaphore, #tpu.memory_space<semaphore_mem>>) src(%dma_wait3A_104 : memref<12800xf32, #tpu.memory_space<hbm>>) dst(%arg10 : memref<12800xf32, #tpu.memory_space<vmem>>)
    %add3A_105 = vector.broadcast %mul3A_39 : i32 to vector<16xi32>
    %add3A_106 = arith.addi %iota3A, %add3A_105 : vector<16xi32>
    %add3A_107 = arith.constant 25600 : i32
    %add3A_108 = vector.broadcast %add3A_107 : i32 to vector<16xi32>
    %add3A_109 = arith.addi %add3A_106, %add3A_108 : vector<16xi32>
    %scan3A_110 = arith.constant 0 : i32
    %scan3A_111 = arith.constant 200 : i32
    %scan3A_112 = arith.addi %scan3A_110, %scan3A_111 : i32
    %scan3A_113 = arith.constant 8 : i32
    %scan3A_114:9 = scf.for %scan3A_198 = %scan3A_110 to %scan3A_112 step %scan3A_113 iter_args(%scan3A_199 = %scan3A_99#0, %scan3A_200 = %scan3A_99#1, %scan3A_201 = %scan3A_99#2, %scan3A_202 = %scan3A_99#3, %scan3A_203 = %scan3A_99#4, %scan3A_204 = %scan3A_99#5, %scan3A_205 = %scan3A_99#6, %scan3A_206 = %scan3A_99#7, %scan3A_207 = %add3A_109) -> (vector<16xf32>, vector<16xf32>, vector<16xf32>, vector<16xf32>, vector<16xi32>, vector<16xi32>, vector<16xi32>, vector<16xi32>, vector<16xi32>)  : i32 {
      %mul3A_208 = arith.constant 64 : i32
      %mul3A_209 = arith.muli %scan3A_198, %mul3A_208 : i32
      %add3A_210 = arith.constant 0 : i32
      %add3A_211 = arith.addi %mul3A_209, %add3A_210 : i32
      %get3A_212 = arith.index_cast %add3A_211 : i32 to index
      %get3A_213 = tpu.vector_load %arg10[%get3A_212] {strides = array<i32>} : memref<12800xf32, #tpu.memory_space<vmem>>, vector<16xf32>,
      %gt3A_214 = arith.cmpf ogt, %get3A_213, %scan3A_199 : vector<16xf32>
      %select_n3A_215 = arith.select %gt3A_214, %get3A_213, %scan3A_199 : vector<16xi1>, vector<16xf32>
      %add3A_216 = arith.constant 0 : i32
      %add3A_217 = vector.broadcast %add3A_216 : i32 to vector<16xi32>
      %add3A_218 = arith.addi %scan3A_207, %add3A_217 : vector<16xi32>
      %select_n3A_219 = arith.select %gt3A_214, %add3A_218, %scan3A_203 : vector<16xi1>, vector<16xi32>
      %mul3A_220 = arith.constant 64 : i32
      %mul3A_221 = arith.muli %scan3A_198, %mul3A_220 : i32
      %add3A_222 = arith.constant 16 : i32
      %add3A_223 = arith.addi %mul3A_221, %add3A_222 : i32
      %get3A_224 = arith.index_cast %add3A_223 : i32 to index
      %get3A_225 = tpu.vector_load %arg10[%get3A_224] {strides = array<i32>} : memref<12800xf32, #tpu.memory_space<vmem>>, vector<16xf32>,
      %gt3A_226 = arith.cmpf ogt, %get3A_225, %scan3A_200 : vector<16xf32>
      %select_n3A_227 = arith.select %gt3A_226, %get3A_225, %scan3A_200 : vector<16xi1>, vector<16xf32>
      %add3A_228 = arith.constant 16 : i32
      %add3A_229 = vector.broadcast %add3A_228 : i32 to vector<16xi32>
      %add3A_230 = arith.addi %scan3A_207, %add3A_229 : vector<16xi32>
      %select_n3A_231 = arith.select %gt3A_226, %add3A_230, %scan3A_204 : vector<16xi1>, vector<16xi32>
      %mul3A_232 = arith.constant 64 : i32
      %mul3A_233 = arith.muli %scan3A_198, %mul3A_232 : i32
      %add3A_234 = arith.constant 32 : i32
      %add3A_235 = arith.addi %mul3A_233, %add3A_234 : i32
      %get3A_236 = arith.index_cast %add3A_235 : i32 to index
      %get3A_237 = tpu.vector_load %arg10[%get3A_236] {strides = array<i32>} : memref<12800xf32, #tpu.memory_space<vmem>>, vector<16xf32>,
      %gt3A_238 = arith.cmpf ogt, %get3A_237, %scan3A_201 : vector<16xf32>
      %select_n3A_239 = arith.select %gt3A_238, %get3A_237, %scan3A_201 : vector<16xi1>, vector<16xf32>
      %add3A_240 = arith.constant 32 : i32
      %add3A_241 = vector.broadcast %add3A_240 : i32 to vector<16xi32>
      %add3A_242 = arith.addi %scan3A_207, %add3A_241 : vector<16xi32>
      %select_n3A_243 = arith.select %gt3A_238, %add3A_242, %scan3A_205 : vector<16xi1>, vector<16xi32>
      %mul3A_244 = arith.constant 64 : i32
      %mul3A_245 = arith.muli %scan3A_198, %mul3A_244 : i32
      %add3A_246 = arith.constant 48 : i32
      %add3A_247 = arith.addi %mul3A_245, %add3A_246 : i32
      %get3A_248 = arith.index_cast %add3A_247 : i32 to index
      %get3A_249 = tpu.vector_load %arg10[%get3A_248] {strides = array<i32>} : memref<12800xf32, #tpu.memory_space<vmem>>, vector<16xf32>,
      %gt3A_250 = arith.cmpf ogt, %get3A_249, %scan3A_202 : vector<16xf32>
      %select_n3A_251 = arith.select %gt3A_250, %get3A_249, %scan3A_202 : vector<16xi1>, vector<16xf32>
      %add3A_252 = arith.constant 48 : i32
      %add3A_253 = vector.broadcast %add3A_252 : i32 to vector<16xi32>
      %add3A_254 = arith.addi %scan3A_207, %add3A_253 : vector<16xi32>
      %select_n3A_255 = arith.select %gt3A_250, %add3A_254, %scan3A_206 : vector<16xi1>, vector<16xi32>
      %add3A_256 = arith.constant 64 : i32
      %add3A_257 = vector.broadcast %add3A_256 : i32 to vector<16xi32>
      %add3A_258 = arith.addi %scan3A_207, %add3A_257 : vector<16xi32>
      %scan3A_259 = arith.constant 1 : i32
      %scan3A_260 = arith.addi %scan3A_198, %scan3A_259 : i32
      %mul3A_261 = arith.constant 64 : i32
      %mul3A_262 = arith.muli %scan3A_260, %mul3A_261 : i32
      %add3A_263 = arith.constant 0 : i32
      %add3A_264 = arith.addi %mul3A_262, %add3A_263 : i32
      %get3A_265 = arith.index_cast %add3A_264 : i32 to index
      %get3A_266 = tpu.vector_load %arg10[%get3A_265] {strides = array<i32>} : memref<12800xf32, #tpu.memory_space<vmem>>, vector<16xf32>,
      %gt3A_267 = arith.cmpf ogt, %get3A_266, %select_n3A_215 : vector<16xf32>
      %select_n3A_268 = arith.select %gt3A_267, %get3A_266, %select_n3A_215 : vector<16xi1>, vector<16xf32>
      %add3A_269 = arith.constant 0 : i32
      %add3A_270 = vector.broadcast %add3A_269 : i32 to vector<16xi32>
      %add3A_271 = arith.addi %add3A_258, %add3A_270 : vector<16xi32>
      %select_n3A_272 = arith.select %gt3A_267, %add3A_271, %select_n3A_219 : vector<16xi1>, vector<16xi32>
      %mul3A_273 = arith.constant 64 : i32
      %mul3A_274 = arith.muli %scan3A_260, %mul3A_273 : i32
      %add3A_275 = arith.constant 16 : i32
      %add3A_276 = arith.addi %mul3A_274, %add3A_275 : i32
      %get3A_277 = arith.index_cast %add3A_276 : i32 to index
      %get3A_278 = tpu.vector_load %arg10[%get3A_277] {strides = array<i32>} : memref<12800xf32, #tpu.memory_space<vmem>>, vector<16xf32>,
      %gt3A_279 = arith.cmpf ogt, %get3A_278, %select_n3A_227 : vector<16xf32>
      %select_n3A_280 = arith.select %gt3A_279, %get3A_278, %select_n3A_227 : vector<16xi1>, vector<16xf32>
      %add3A_281 = arith.constant 16 : i32
      %add3A_282 = vector.broadcast %add3A_281 : i32 to vector<16xi32>
      %add3A_283 = arith.addi %add3A_258, %add3A_282 : vector<16xi32>
      %select_n3A_284 = arith.select %gt3A_279, %add3A_283, %select_n3A_231 : vector<16xi1>, vector<16xi32>
      %mul3A_285 = arith.constant 64 : i32
      %mul3A_286 = arith.muli %scan3A_260, %mul3A_285 : i32
      %add3A_287 = arith.constant 32 : i32
      %add3A_288 = arith.addi %mul3A_286, %add3A_287 : i32
      %get3A_289 = arith.index_cast %add3A_288 : i32 to index
      %get3A_290 = tpu.vector_load %arg10[%get3A_289] {strides = array<i32>} : memref<12800xf32, #tpu.memory_space<vmem>>, vector<16xf32>,
      %gt3A_291 = arith.cmpf ogt, %get3A_290, %select_n3A_239 : vector<16xf32>
      %select_n3A_292 = arith.select %gt3A_291, %get3A_290, %select_n3A_239 : vector<16xi1>, vector<16xf32>
      %add3A_293 = arith.constant 32 : i32
      %add3A_294 = vector.broadcast %add3A_293 : i32 to vector<16xi32>
      %add3A_295 = arith.addi %add3A_258, %add3A_294 : vector<16xi32>
      %select_n3A_296 = arith.select %gt3A_291, %add3A_295, %select_n3A_243 : vector<16xi1>, vector<16xi32>
      %mul3A_297 = arith.constant 64 : i32
      %mul3A_298 = arith.muli %scan3A_260, %mul3A_297 : i32
      %add3A_299 = arith.constant 48 : i32
      %add3A_300 = arith.addi %mul3A_298, %add3A_299 : i32
      %get3A_301 = arith.index_cast %add3A_300 : i32 to index
      %get3A_302 = tpu.vector_load %arg10[%get3A_301] {strides = array<i32>} : memref<12800xf32, #tpu.memory_space<vmem>>, vector<16xf32>,
      %gt3A_303 = arith.cmpf ogt, %get3A_302, %select_n3A_251 : vector<16xf32>
      %select_n3A_304 = arith.select %gt3A_303, %get3A_302, %select_n3A_251 : vector<16xi1>, vector<16xf32>
      %add3A_305 = arith.constant 48 : i32
      %add3A_306 = vector.broadcast %add3A_305 : i32 to vector<16xi32>
      %add3A_307 = arith.addi %add3A_258, %add3A_306 : vector<16xi32>
      %select_n3A_308 = arith.select %gt3A_303, %add3A_307, %select_n3A_255 : vector<16xi1>, vector<16xi32>
      %add3A_309 = arith.constant 64 : i32
      %add3A_310 = vector.broadcast %add3A_309 : i32 to vector<16xi32>
      %add3A_311 = arith.addi %add3A_258, %add3A_310 : vector<16xi32>
      %scan3A_312 = arith.constant 2 : i32
      %scan3A_313 = arith.addi %scan3A_198, %scan3A_312 : i32
      %mul3A_314 = arith.constant 64 : i32
      %mul3A_315 = arith.muli %scan3A_313, %mul3A_314 : i32
      %add3A_316 = arith.constant 0 : i32
      %add3A_317 = arith.addi %mul3A_315, %add3A_316 : i32
      %get3A_318 = arith.index_cast %add3A_317 : i32 to index
      %get3A_319 = tpu.vector_load %arg10[%get3A_318] {strides = array<i32>} : memref<12800xf32, #tpu.memory_space<vmem>>, vector<16xf32>,
      %gt3A_320 = arith.cmpf ogt, %get3A_319, %select_n3A_268 : vector<16xf32>
      %select_n3A_321 = arith.select %gt3A_320, %get3A_319, %select_n3A_268 : vector<16xi1>, vector<16xf32>
      %add3A_322 = arith.constant 0 : i32
      %add3A_323 = vector.broadcast %add3A_322 : i32 to vector<16xi32>
      %add3A_324 = arith.addi %add3A_311, %add3A_323 : vector<16xi32>
      %select_n3A_325 = arith.select %gt3A_320, %add3A_324, %select_n3A_272 : vector<16xi1>, vector<16xi32>
      %mul3A_326 = arith.constant 64 : i32
      %mul3A_327 = arith.muli %scan3A_313, %mul3A_326 : i32
      %add3A_328 = arith.constant 16 : i32
      %add3A_329 = arith.addi %mul3A_327, %add3A_328 : i32
      %get3A_330 = arith.index_cast %add3A_329 : i32 to index
      %get3A_331 = tpu.vector_load %arg10[%get3A_330] {strides = array<i32>} : memref<12800xf32, #tpu.memory_space<vmem>>, vector<16xf32>,
      %gt3A_332 = arith.cmpf ogt, %get3A_331, %select_n3A_280 : vector<16xf32>
      %select_n3A_333 = arith.select %gt3A_332, %get3A_331, %select_n3A_280 : vector<16xi1>, vector<16xf32>
      %add3A_334 = arith.constant 16 : i32
      %add3A_335 = vector.broadcast %add3A_334 : i32 to vector<16xi32>
      %add3A_336 = arith.addi %add3A_311, %add3A_335 : vector<16xi32>
      %select_n3A_337 = arith.select %gt3A_332, %add3A_336, %select_n3A_284 : vector<16xi1>, vector<16xi32>
      %mul3A_338 = arith.constant 64 : i32
      %mul3A_339 = arith.muli %scan3A_313, %mul3A_338 : i32
      %add3A_340 = arith.constant 32 : i32
      %add3A_341 = arith.addi %mul3A_339, %add3A_340 : i32
      %get3A_342 = arith.index_cast %add3A_341 : i32 to index
      %get3A_343 = tpu.vector_load %arg10[%get3A_342] {strides = array<i32>} : memref<12800xf32, #tpu.memory_space<vmem>>, vector<16xf32>,
      %gt3A_344 = arith.cmpf ogt, %get3A_343, %select_n3A_292 : vector<16xf32>
      %select_n3A_345 = arith.select %gt3A_344, %get3A_343, %select_n3A_292 : vector<16xi1>, vector<16xf32>
      %add3A_346 = arith.constant 32 : i32
      %add3A_347 = vector.broadcast %add3A_346 : i32 to vector<16xi32>
      %add3A_348 = arith.addi %add3A_311, %add3A_347 : vector<16xi32>
      %select_n3A_349 = arith.select %gt3A_344, %add3A_348, %select_n3A_296 : vector<16xi1>, vector<16xi32>
      %mul3A_350 = arith.constant 64 : i32
      %mul3A_351 = arith.muli %scan3A_313, %mul3A_350 : i32
      %add3A_352 = arith.constant 48 : i32
      %add3A_353 = arith.addi %mul3A_351, %add3A_352 : i32
      %get3A_354 = arith.index_cast %add3A_353 : i32 to index
      %get3A_355 = tpu.vector_load %arg10[%get3A_354] {strides = array<i32>} : memref<12800xf32, #tpu.memory_space<vmem>>, vector<16xf32>,
      %gt3A_356 = arith.cmpf ogt, %get3A_355, %select_n3A_304 : vector<16xf32>
      %select_n3A_357 = arith.select %gt3A_356, %get3A_355, %select_n3A_304 : vector<16xi1>, vector<16xf32>
      %add3A_358 = arith.constant 48 : i32
      %add3A_359 = vector.broadcast %add3A_358 : i32 to vector<16xi32>
      %add3A_360 = arith.addi %add3A_311, %add3A_359 : vector<16xi32>
      %select_n3A_361 = arith.select %gt3A_356, %add3A_360, %select_n3A_308 : vector<16xi1>, vector<16xi32>
      %add3A_362 = arith.constant 64 : i32
      %add3A_363 = vector.broadcast %add3A_362 : i32 to vector<16xi32>
      %add3A_364 = arith.addi %add3A_311, %add3A_363 : vector<16xi32>
      %scan3A_365 = arith.constant 3 : i32
      %scan3A_366 = arith.addi %scan3A_198, %scan3A_365 : i32
      %mul3A_367 = arith.constant 64 : i32
      %mul3A_368 = arith.muli %scan3A_366, %mul3A_367 : i32
      %add3A_369 = arith.constant 0 : i32
      %add3A_370 = arith.addi %mul3A_368, %add3A_369 : i32
      %get3A_371 = arith.index_cast %add3A_370 : i32 to index
      %get3A_372 = tpu.vector_load %arg10[%get3A_371] {strides = array<i32>} : memref<12800xf32, #tpu.memory_space<vmem>>, vector<16xf32>,
      %gt3A_373 = arith.cmpf ogt, %get3A_372, %select_n3A_321 : vector<16xf32>
      %select_n3A_374 = arith.select %gt3A_373, %get3A_372, %select_n3A_321 : vector<16xi1>, vector<16xf32>
      %add3A_375 = arith.constant 0 : i32
      %add3A_376 = vector.broadcast %add3A_375 : i32 to vector<16xi32>
      %add3A_377 = arith.addi %add3A_364, %add3A_376 : vector<16xi32>
      %select_n3A_378 = arith.select %gt3A_373, %add3A_377, %select_n3A_325 : vector<16xi1>, vector<16xi32>
      %mul3A_379 = arith.constant 64 : i32
      %mul3A_380 = arith.muli %scan3A_366, %mul3A_379 : i32
      %add3A_381 = arith.constant 16 : i32
      %add3A_382 = arith.addi %mul3A_380, %add3A_381 : i32
      %get3A_383 = arith.index_cast %add3A_382 : i32 to index
      %get3A_384 = tpu.vector_load %arg10[%get3A_383] {strides = array<i32>} : memref<12800xf32, #tpu.memory_space<vmem>>, vector<16xf32>,
      %gt3A_385 = arith.cmpf ogt, %get3A_384, %select_n3A_333 : vector<16xf32>
      %select_n3A_386 = arith.select %gt3A_385, %get3A_384, %select_n3A_333 : vector<16xi1>, vector<16xf32>
      %add3A_387 = arith.constant 16 : i32
      %add3A_388 = vector.broadcast %add3A_387 : i32 to vector<16xi32>
      %add3A_389 = arith.addi %add3A_364, %add3A_388 : vector<16xi32>
      %select_n3A_390 = arith.select %gt3A_385, %add3A_389, %select_n3A_337 : vector<16xi1>, vector<16xi32>
      %mul3A_391 = arith.constant 64 : i32
      %mul3A_392 = arith.muli %scan3A_366, %mul3A_391 : i32
      %add3A_393 = arith.constant 32 : i32
      %add3A_394 = arith.addi %mul3A_392, %add3A_393 : i32
      %get3A_395 = arith.index_cast %add3A_394 : i32 to index
      %get3A_396 = tpu.vector_load %arg10[%get3A_395] {strides = array<i32>} : memref<12800xf32, #tpu.memory_space<vmem>>, vector<16xf32>,
      %gt3A_397 = arith.cmpf ogt, %get3A_396, %select_n3A_345 : vector<16xf32>
      %select_n3A_398 = arith.select %gt3A_397, %get3A_396, %select_n3A_345 : vector<16xi1>, vector<16xf32>
      %add3A_399 = arith.constant 32 : i32
      %add3A_400 = vector.broadcast %add3A_399 : i32 to vector<16xi32>
      %add3A_401 = arith.addi %add3A_364, %add3A_400 : vector<16xi32>
      %select_n3A_402 = arith.select %gt3A_397, %add3A_401, %select_n3A_349 : vector<16xi1>, vector<16xi32>
      %mul3A_403 = arith.constant 64 : i32
      %mul3A_404 = arith.muli %scan3A_366, %mul3A_403 : i32
      %add3A_405 = arith.constant 48 : i32
      %add3A_406 = arith.addi %mul3A_404, %add3A_405 : i32
      %get3A_407 = arith.index_cast %add3A_406 : i32 to index
      %get3A_408 = tpu.vector_load %arg10[%get3A_407] {strides = array<i32>} : memref<12800xf32, #tpu.memory_space<vmem>>, vector<16xf32>,
      %gt3A_409 = arith.cmpf ogt, %get3A_408, %select_n3A_357 : vector<16xf32>
      %select_n3A_410 = arith.select %gt3A_409, %get3A_408, %select_n3A_357 : vector<16xi1>, vector<16xf32>
      %add3A_411 = arith.constant 48 : i32
      %add3A_412 = vector.broadcast %add3A_411 : i32 to vector<16xi32>
      %add3A_413 = arith.addi %add3A_364, %add3A_412 : vector<16xi32>
      %select_n3A_414 = arith.select %gt3A_409, %add3A_413, %select_n3A_361 : vector<16xi1>, vector<16xi32>
      %add3A_415 = arith.constant 64 : i32
      %add3A_416 = vector.broadcast %add3A_415 : i32 to vector<16xi32>
      %add3A_417 = arith.addi %add3A_364, %add3A_416 : vector<16xi32>
      %scan3A_418 = arith.constant 4 : i32
      %scan3A_419 = arith.addi %scan3A_198, %scan3A_418 : i32
      %mul3A_420 = arith.constant 64 : i32
      %mul3A_421 = arith.muli %scan3A_419, %mul3A_420 : i32
      %add3A_422 = arith.constant 0 : i32
      %add3A_423 = arith.addi %mul3A_421, %add3A_422 : i32
      %get3A_424 = arith.index_cast %add3A_423 : i32 to index
      %get3A_425 = tpu.vector_load %arg10[%get3A_424] {strides = array<i32>} : memref<12800xf32, #tpu.memory_space<vmem>>, vector<16xf32>,
      %gt3A_426 = arith.cmpf ogt, %get3A_425, %select_n3A_374 : vector<16xf32>
      %select_n3A_427 = arith.select %gt3A_426, %get3A_425, %select_n3A_374 : vector<16xi1>, vector<16xf32>
      %add3A_428 = arith.constant 0 : i32
      %add3A_429 = vector.broadcast %add3A_428 : i32 to vector<16xi32>
      %add3A_430 = arith.addi %add3A_417, %add3A_429 : vector<16xi32>
      %select_n3A_431 = arith.select %gt3A_426, %add3A_430, %select_n3A_378 : vector<16xi1>, vector<16xi32>
      %mul3A_432 = arith.constant 64 : i32
      %mul3A_433 = arith.muli %scan3A_419, %mul3A_432 : i32
      %add3A_434 = arith.constant 16 : i32
      %add3A_435 = arith.addi %mul3A_433, %add3A_434 : i32
      %get3A_436 = arith.index_cast %add3A_435 : i32 to index
      %get3A_437 = tpu.vector_load %arg10[%get3A_436] {strides = array<i32>} : memref<12800xf32, #tpu.memory_space<vmem>>, vector<16xf32>,
      %gt3A_438 = arith.cmpf ogt, %get3A_437, %select_n3A_386 : vector<16xf32>
      %select_n3A_439 = arith.select %gt3A_438, %get3A_437, %select_n3A_386 : vector<16xi1>, vector<16xf32>
      %add3A_440 = arith.constant 16 : i32
      %add3A_441 = vector.broadcast %add3A_440 : i32 to vector<16xi32>
      %add3A_442 = arith.addi %add3A_417, %add3A_441 : vector<16xi32>
      %select_n3A_443 = arith.select %gt3A_438, %add3A_442, %select_n3A_390 : vector<16xi1>, vector<16xi32>
      %mul3A_444 = arith.constant 64 : i32
      %mul3A_445 = arith.muli %scan3A_419, %mul3A_444 : i32
      %add3A_446 = arith.constant 32 : i32
      %add3A_447 = arith.addi %mul3A_445, %add3A_446 : i32
      %get3A_448 = arith.index_cast %add3A_447 : i32 to index
      %get3A_449 = tpu.vector_load %arg10[%get3A_448] {strides = array<i32>} : memref<12800xf32, #tpu.memory_space<vmem>>, vector<16xf32>,
      %gt3A_450 = arith.cmpf ogt, %get3A_449, %select_n3A_398 : vector<16xf32>
      %select_n3A_451 = arith.select %gt3A_450, %get3A_449, %select_n3A_398 : vector<16xi1>, vector<16xf32>
      %add3A_452 = arith.constant 32 : i32
      %add3A_453 = vector.broadcast %add3A_452 : i32 to vector<16xi32>
      %add3A_454 = arith.addi %add3A_417, %add3A_453 : vector<16xi32>
      %select_n3A_455 = arith.select %gt3A_450, %add3A_454, %select_n3A_402 : vector<16xi1>, vector<16xi32>
      %mul3A_456 = arith.constant 64 : i32
      %mul3A_457 = arith.muli %scan3A_419, %mul3A_456 : i32
      %add3A_458 = arith.constant 48 : i32
      %add3A_459 = arith.addi %mul3A_457, %add3A_458 : i32
      %get3A_460 = arith.index_cast %add3A_459 : i32 to index
      %get3A_461 = tpu.vector_load %arg10[%get3A_460] {strides = array<i32>} : memref<12800xf32, #tpu.memory_space<vmem>>, vector<16xf32>,
      %gt3A_462 = arith.cmpf ogt, %get3A_461, %select_n3A_410 : vector<16xf32>
      %select_n3A_463 = arith.select %gt3A_462, %get3A_461, %select_n3A_410 : vector<16xi1>, vector<16xf32>
      %add3A_464 = arith.constant 48 : i32
      %add3A_465 = vector.broadcast %add3A_464 : i32 to vector<16xi32>
      %add3A_466 = arith.addi %add3A_417, %add3A_465 : vector<16xi32>
      %select_n3A_467 = arith.select %gt3A_462, %add3A_466, %select_n3A_414 : vector<16xi1>, vector<16xi32>
      %add3A_468 = arith.constant 64 : i32
      %add3A_469 = vector.broadcast %add3A_468 : i32 to vector<16xi32>
      %add3A_470 = arith.addi %add3A_417, %add3A_469 : vector<16xi32>
      %scan3A_471 = arith.constant 5 : i32
      %scan3A_472 = arith.addi %scan3A_198, %scan3A_471 : i32
      %mul3A_473 = arith.constant 64 : i32
      %mul3A_474 = arith.muli %scan3A_472, %mul3A_473 : i32
      %add3A_475 = arith.constant 0 : i32
      %add3A_476 = arith.addi %mul3A_474, %add3A_475 : i32
      %get3A_477 = arith.index_cast %add3A_476 : i32 to index
      %get3A_478 = tpu.vector_load %arg10[%get3A_477] {strides = array<i32>} : memref<12800xf32, #tpu.memory_space<vmem>>, vector<16xf32>,
      %gt3A_479 = arith.cmpf ogt, %get3A_478, %select_n3A_427 : vector<16xf32>
      %select_n3A_480 = arith.select %gt3A_479, %get3A_478, %select_n3A_427 : vector<16xi1>, vector<16xf32>
      %add3A_481 = arith.constant 0 : i32
      %add3A_482 = vector.broadcast %add3A_481 : i32 to vector<16xi32>
      %add3A_483 = arith.addi %add3A_470, %add3A_482 : vector<16xi32>
      %select_n3A_484 = arith.select %gt3A_479, %add3A_483, %select_n3A_431 : vector<16xi1>, vector<16xi32>
      %mul3A_485 = arith.constant 64 : i32
      %mul3A_486 = arith.muli %scan3A_472, %mul3A_485 : i32
      %add3A_487 = arith.constant 16 : i32
      %add3A_488 = arith.addi %mul3A_486, %add3A_487 : i32
      %get3A_489 = arith.index_cast %add3A_488 : i32 to index
      %get3A_490 = tpu.vector_load %arg10[%get3A_489] {strides = array<i32>} : memref<12800xf32, #tpu.memory_space<vmem>>, vector<16xf32>,
      %gt3A_491 = arith.cmpf ogt, %get3A_490, %select_n3A_439 : vector<16xf32>
      %select_n3A_492 = arith.select %gt3A_491, %get3A_490, %select_n3A_439 : vector<16xi1>, vector<16xf32>
      %add3A_493 = arith.constant 16 : i32
      %add3A_494 = vector.broadcast %add3A_493 : i32 to vector<16xi32>
      %add3A_495 = arith.addi %add3A_470, %add3A_494 : vector<16xi32>
      %select_n3A_496 = arith.select %gt3A_491, %add3A_495, %select_n3A_443 : vector<16xi1>, vector<16xi32>
      %mul3A_497 = arith.constant 64 : i32
      %mul3A_498 = arith.muli %scan3A_472, %mul3A_497 : i32
      %add3A_499 = arith.constant 32 : i32
      %add3A_500 = arith.addi %mul3A_498, %add3A_499 : i32
      %get3A_501 = arith.index_cast %add3A_500 : i32 to index
      %get3A_502 = tpu.vector_load %arg10[%get3A_501] {strides = array<i32>} : memref<12800xf32, #tpu.memory_space<vmem>>, vector<16xf32>,
      %gt3A_503 = arith.cmpf ogt, %get3A_502, %select_n3A_451 : vector<16xf32>
      %select_n3A_504 = arith.select %gt3A_503, %get3A_502, %select_n3A_451 : vector<16xi1>, vector<16xf32>
      %add3A_505 = arith.constant 32 : i32
      %add3A_506 = vector.broadcast %add3A_505 : i32 to vector<16xi32>
      %add3A_507 = arith.addi %add3A_470, %add3A_506 : vector<16xi32>
      %select_n3A_508 = arith.select %gt3A_503, %add3A_507, %select_n3A_455 : vector<16xi1>, vector<16xi32>
      %mul3A_509 = arith.constant 64 : i32
      %mul3A_510 = arith.muli %scan3A_472, %mul3A_509 : i32
      %add3A_511 = arith.constant 48 : i32
      %add3A_512 = arith.addi %mul3A_510, %add3A_511 : i32
      %get3A_513 = arith.index_cast %add3A_512 : i32 to index
      %get3A_514 = tpu.vector_load %arg10[%get3A_513] {strides = array<i32>} : memref<12800xf32, #tpu.memory_space<vmem>>, vector<16xf32>,
      %gt3A_515 = arith.cmpf ogt, %get3A_514, %select_n3A_463 : vector<16xf32>
      %select_n3A_516 = arith.select %gt3A_515, %get3A_514, %select_n3A_463 : vector<16xi1>, vector<16xf32>
      %add3A_517 = arith.constant 48 : i32
      %add3A_518 = vector.broadcast %add3A_517 : i32 to vector<16xi32>
      %add3A_519 = arith.addi %add3A_470, %add3A_518 : vector<16xi32>
      %select_n3A_520 = arith.select %gt3A_515, %add3A_519, %select_n3A_467 : vector<16xi1>, vector<16xi32>
      %add3A_521 = arith.constant 64 : i32
      %add3A_522 = vector.broadcast %add3A_521 : i32 to vector<16xi32>
      %add3A_523 = arith.addi %add3A_470, %add3A_522 : vector<16xi32>
      %scan3A_524 = arith.constant 6 : i32
      %scan3A_525 = arith.addi %scan3A_198, %scan3A_524 : i32
      %mul3A_526 = arith.constant 64 : i32
      %mul3A_527 = arith.muli %scan3A_525, %mul3A_526 : i32
      %add3A_528 = arith.constant 0 : i32
      %add3A_529 = arith.addi %mul3A_527, %add3A_528 : i32
      %get3A_530 = arith.index_cast %add3A_529 : i32 to index
      %get3A_531 = tpu.vector_load %arg10[%get3A_530] {strides = array<i32>} : memref<12800xf32, #tpu.memory_space<vmem>>, vector<16xf32>,
      %gt3A_532 = arith.cmpf ogt, %get3A_531, %select_n3A_480 : vector<16xf32>
      %select_n3A_533 = arith.select %gt3A_532, %get3A_531, %select_n3A_480 : vector<16xi1>, vector<16xf32>
      %add3A_534 = arith.constant 0 : i32
      %add3A_535 = vector.broadcast %add3A_534 : i32 to vector<16xi32>
      %add3A_536 = arith.addi %add3A_523, %add3A_535 : vector<16xi32>
      %select_n3A_537 = arith.select %gt3A_532, %add3A_536, %select_n3A_484 : vector<16xi1>, vector<16xi32>
      %mul3A_538 = arith.constant 64 : i32
      %mul3A_539 = arith.muli %scan3A_525, %mul3A_538 : i32
      %add3A_540 = arith.constant 16 : i32
      %add3A_541 = arith.addi %mul3A_539, %add3A_540 : i32
      %get3A_542 = arith.index_cast %add3A_541 : i32 to index
      %get3A_543 = tpu.vector_load %arg10[%get3A_542] {strides = array<i32>} : memref<12800xf32, #tpu.memory_space<vmem>>, vector<16xf32>,
      %gt3A_544 = arith.cmpf ogt, %get3A_543, %select_n3A_492 : vector<16xf32>
      %select_n3A_545 = arith.select %gt3A_544, %get3A_543, %select_n3A_492 : vector<16xi1>, vector<16xf32>
      %add3A_546 = arith.constant 16 : i32
      %add3A_547 = vector.broadcast %add3A_546 : i32 to vector<16xi32>
      %add3A_548 = arith.addi %add3A_523, %add3A_547 : vector<16xi32>
      %select_n3A_549 = arith.select %gt3A_544, %add3A_548, %select_n3A_496 : vector<16xi1>, vector<16xi32>
      %mul3A_550 = arith.constant 64 : i32
      %mul3A_551 = arith.muli %scan3A_525, %mul3A_550 : i32
      %add3A_552 = arith.constant 32 : i32
      %add3A_553 = arith.addi %mul3A_551, %add3A_552 : i32
      %get3A_554 = arith.index_cast %add3A_553 : i32 to index
      %get3A_555 = tpu.vector_load %arg10[%get3A_554] {strides = array<i32>} : memref<12800xf32, #tpu.memory_space<vmem>>, vector<16xf32>,
      %gt3A_556 = arith.cmpf ogt, %get3A_555, %select_n3A_504 : vector<16xf32>
      %select_n3A_557 = arith.select %gt3A_556, %get3A_555, %select_n3A_504 : vector<16xi1>, vector<16xf32>
      %add3A_558 = arith.constant 32 : i32
      %add3A_559 = vector.broadcast %add3A_558 : i32 to vector<16xi32>
      %add3A_560 = arith.addi %add3A_523, %add3A_559 : vector<16xi32>
      %select_n3A_561 = arith.select %gt3A_556, %add3A_560, %select_n3A_508 : vector<16xi1>, vector<16xi32>
      %mul3A_562 = arith.constant 64 : i32
      %mul3A_563 = arith.muli %scan3A_525, %mul3A_562 : i32
      %add3A_564 = arith.constant 48 : i32
      %add3A_565 = arith.addi %mul3A_563, %add3A_564 : i32
      %get3A_566 = arith.index_cast %add3A_565 : i32 to index
      %get3A_567 = tpu.vector_load %arg10[%get3A_566] {strides = array<i32>} : memref<12800xf32, #tpu.memory_space<vmem>>, vector<16xf32>,
      %gt3A_568 = arith.cmpf ogt, %get3A_567, %select_n3A_516 : vector<16xf32>
      %select_n3A_569 = arith.select %gt3A_568, %get3A_567, %select_n3A_516 : vector<16xi1>, vector<16xf32>
      %add3A_570 = arith.constant 48 : i32
      %add3A_571 = vector.broadcast %add3A_570 : i32 to vector<16xi32>
      %add3A_572 = arith.addi %add3A_523, %add3A_571 : vector<16xi32>
      %select_n3A_573 = arith.select %gt3A_568, %add3A_572, %select_n3A_520 : vector<16xi1>, vector<16xi32>
      %add3A_574 = arith.constant 64 : i32
      %add3A_575 = vector.broadcast %add3A_574 : i32 to vector<16xi32>
      %add3A_576 = arith.addi %add3A_523, %add3A_575 : vector<16xi32>
      %scan3A_577 = arith.constant 7 : i32
      %scan3A_578 = arith.addi %scan3A_198, %scan3A_577 : i32
      %mul3A_579 = arith.constant 64 : i32
      %mul3A_580 = arith.muli %scan3A_578, %mul3A_579 : i32
      %add3A_581 = arith.constant 0 : i32
      %add3A_582 = arith.addi %mul3A_580, %add3A_581 : i32
      %get3A_583 = arith.index_cast %add3A_582 : i32 to index
      %get3A_584 = tpu.vector_load %arg10[%get3A_583] {strides = array<i32>} : memref<12800xf32, #tpu.memory_space<vmem>>, vector<16xf32>,
      %gt3A_585 = arith.cmpf ogt, %get3A_584, %select_n3A_533 : vector<16xf32>
      %select_n3A_586 = arith.select %gt3A_585, %get3A_584, %select_n3A_533 : vector<16xi1>, vector<16xf32>
      %add3A_587 = arith.constant 0 : i32
      %add3A_588 = vector.broadcast %add3A_587 : i32 to vector<16xi32>
      %add3A_589 = arith.addi %add3A_576, %add3A_588 : vector<16xi32>
      %select_n3A_590 = arith.select %gt3A_585, %add3A_589, %select_n3A_537 : vector<16xi1>, vector<16xi32>
      %mul3A_591 = arith.constant 64 : i32
      %mul3A_592 = arith.muli %scan3A_578, %mul3A_591 : i32
      %add3A_593 = arith.constant 16 : i32
      %add3A_594 = arith.addi %mul3A_592, %add3A_593 : i32
      %get3A_595 = arith.index_cast %add3A_594 : i32 to index
      %get3A_596 = tpu.vector_load %arg10[%get3A_595] {strides = array<i32>} : memref<12800xf32, #tpu.memory_space<vmem>>, vector<16xf32>,
      %gt3A_597 = arith.cmpf ogt, %get3A_596, %select_n3A_545 : vector<16xf32>
      %select_n3A_598 = arith.select %gt3A_597, %get3A_596, %select_n3A_545 : vector<16xi1>, vector<16xf32>
      %add3A_599 = arith.constant 16 : i32
      %add3A_600 = vector.broadcast %add3A_599 : i32 to vector<16xi32>
      %add3A_601 = arith.addi %add3A_576, %add3A_600 : vector<16xi32>
      %select_n3A_602 = arith.select %gt3A_597, %add3A_601, %select_n3A_549 : vector<16xi1>, vector<16xi32>
      %mul3A_603 = arith.constant 64 : i32
      %mul3A_604 = arith.muli %scan3A_578, %mul3A_603 : i32
      %add3A_605 = arith.constant 32 : i32
      %add3A_606 = arith.addi %mul3A_604, %add3A_605 : i32
      %get3A_607 = arith.index_cast %add3A_606 : i32 to index
      %get3A_608 = tpu.vector_load %arg10[%get3A_607] {strides = array<i32>} : memref<12800xf32, #tpu.memory_space<vmem>>, vector<16xf32>,
      %gt3A_609 = arith.cmpf ogt, %get3A_608, %select_n3A_557 : vector<16xf32>
      %select_n3A_610 = arith.select %gt3A_609, %get3A_608, %select_n3A_557 : vector<16xi1>, vector<16xf32>
      %add3A_611 = arith.constant 32 : i32
      %add3A_612 = vector.broadcast %add3A_611 : i32 to vector<16xi32>
      %add3A_613 = arith.addi %add3A_576, %add3A_612 : vector<16xi32>
      %select_n3A_614 = arith.select %gt3A_609, %add3A_613, %select_n3A_561 : vector<16xi1>, vector<16xi32>
      %mul3A_615 = arith.constant 64 : i32
      %mul3A_616 = arith.muli %scan3A_578, %mul3A_615 : i32
      %add3A_617 = arith.constant 48 : i32
      %add3A_618 = arith.addi %mul3A_616, %add3A_617 : i32
      %get3A_619 = arith.index_cast %add3A_618 : i32 to index
      %get3A_620 = tpu.vector_load %arg10[%get3A_619] {strides = array<i32>} : memref<12800xf32, #tpu.memory_space<vmem>>, vector<16xf32>,
      %gt3A_621 = arith.cmpf ogt, %get3A_620, %select_n3A_569 : vector<16xf32>
      %select_n3A_622 = arith.select %gt3A_621, %get3A_620, %select_n3A_569 : vector<16xi1>, vector<16xf32>
      %add3A_623 = arith.constant 48 : i32
      %add3A_624 = vector.broadcast %add3A_623 : i32 to vector<16xi32>
      %add3A_625 = arith.addi %add3A_576, %add3A_624 : vector<16xi32>
      %select_n3A_626 = arith.select %gt3A_621, %add3A_625, %select_n3A_573 : vector<16xi1>, vector<16xi32>
      %add3A_627 = arith.constant 64 : i32
      %add3A_628 = vector.broadcast %add3A_627 : i32 to vector<16xi32>
      %add3A_629 = arith.addi %add3A_576, %add3A_628 : vector<16xi32>
      scf.yield %select_n3A_586, %select_n3A_598, %select_n3A_610, %select_n3A_622, %select_n3A_590, %select_n3A_602, %select_n3A_614, %select_n3A_626, %add3A_629 : vector<16xf32>, vector<16xf32>, vector<16xf32>, vector<16xf32>, vector<16xi32>, vector<16xi32>, vector<16xi32>, vector<16xi32>, vector<16xi32>
    }
    %scan3A_115 = arith.constant 200 : i32
    %dma_wait3A_116 = tpu.memref_slice %arg2[%add3A_30, %sub3A_34, %add3A_62] : memref<16x16x100000xf32, #tpu.memory_space<hbm>> -> memref<1x1x12800xf32, #tpu.memory_space<hbm>>
    %dma_wait3A_117 = tpu.memref_squeeze %dma_wait3A_116 : memref<1x1x12800xf32, #tpu.memory_space<hbm>> -> memref<12800xf32, #tpu.memory_space<hbm>>
    %dma_wait3A_118 = tpu.memref_slice %arg2[%add3A_30, %sub3A_34, %add3A_62] : memref<16x16x100000xf32, #tpu.memory_space<hbm>> -> memref<1x1x12800xf32, #tpu.memory_space<hbm>>
    %dma_wait3A_119 = tpu.memref_squeeze %dma_wait3A_118 : memref<1x1x12800xf32, #tpu.memory_space<hbm>> -> memref<12800xf32, #tpu.memory_space<hbm>>
    tpu.wait_dma2 semaphore(%arg19 : memref<!tpu.dma_semaphore, #tpu.memory_space<semaphore_mem>>) src(%dma_wait3A_119 : memref<12800xf32, #tpu.memory_space<hbm>>) dst(%arg11 : memref<12800xf32, #tpu.memory_space<vmem>>)
    %add3A_120 = vector.broadcast %mul3A_39 : i32 to vector<16xi32>
    %add3A_121 = arith.addi %iota3A, %add3A_120 : vector<16xi32>
    %add3A_122 = arith.constant 38400 : i32
    %add3A_123 = vector.broadcast %add3A_122 : i32 to vector<16xi32>
    %add3A_124 = arith.addi %add3A_121, %add3A_123 : vector<16xi32>
    %scan3A_125 = arith.constant 0 : i32
    %scan3A_126 = arith.constant 200 : i32
    %scan3A_127 = arith.addi %scan3A_125, %scan3A_126 : i32
    %scan3A_128 = arith.constant 8 : i32
    %scan3A_129:9 = scf.for %scan3A_198 = %scan3A_125 to %scan3A_127 step %scan3A_128 iter_args(%scan3A_199 = %scan3A_114#0, %scan3A_200 = %scan3A_114#1, %scan3A_201 = %scan3A_114#2, %scan3A_202 = %scan3A_114#3, %scan3A_203 = %scan3A_114#4, %scan3A_204 = %scan3A_114#5, %scan3A_205 = %scan3A_114#6, %scan3A_206 = %scan3A_114#7, %scan3A_207 = %add3A_124) -> (vector<16xf32>, vector<16xf32>, vector<16xf32>, vector<16xf32>, vector<16xi32>, vector<16xi32>, vector<16xi32>, vector<16xi32>, vector<16xi32>)  : i32 {
      %mul3A_208 = arith.constant 64 : i32
      %mul3A_209 = arith.muli %scan3A_198, %mul3A_208 : i32
      %add3A_210 = arith.constant 0 : i32
      %add3A_211 = arith.addi %mul3A_209, %add3A_210 : i32
      %get3A_212 = arith.index_cast %add3A_211 : i32 to index
      %get3A_213 = tpu.vector_load %arg11[%get3A_212] {strides = array<i32>} : memref<12800xf32, #tpu.memory_space<vmem>>, vector<16xf32>,
      %gt3A_214 = arith.cmpf ogt, %get3A_213, %scan3A_199 : vector<16xf32>
      %select_n3A_215 = arith.select %gt3A_214, %get3A_213, %scan3A_199 : vector<16xi1>, vector<16xf32>
      %add3A_216 = arith.constant 0 : i32
      %add3A_217 = vector.broadcast %add3A_216 : i32 to vector<16xi32>
      %add3A_218 = arith.addi %scan3A_207, %add3A_217 : vector<16xi32>
      %select_n3A_219 = arith.select %gt3A_214, %add3A_218, %scan3A_203 : vector<16xi1>, vector<16xi32>
      %mul3A_220 = arith.constant 64 : i32
      %mul3A_221 = arith.muli %scan3A_198, %mul3A_220 : i32
      %add3A_222 = arith.constant 16 : i32
      %add3A_223 = arith.addi %mul3A_221, %add3A_222 : i32
      %get3A_224 = arith.index_cast %add3A_223 : i32 to index
      %get3A_225 = tpu.vector_load %arg11[%get3A_224] {strides = array<i32>} : memref<12800xf32, #tpu.memory_space<vmem>>, vector<16xf32>,
      %gt3A_226 = arith.cmpf ogt, %get3A_225, %scan3A_200 : vector<16xf32>
      %select_n3A_227 = arith.select %gt3A_226, %get3A_225, %scan3A_200 : vector<16xi1>, vector<16xf32>
      %add3A_228 = arith.constant 16 : i32
      %add3A_229 = vector.broadcast %add3A_228 : i32 to vector<16xi32>
      %add3A_230 = arith.addi %scan3A_207, %add3A_229 : vector<16xi32>
      %select_n3A_231 = arith.select %gt3A_226, %add3A_230, %scan3A_204 : vector<16xi1>, vector<16xi32>
      %mul3A_232 = arith.constant 64 : i32
      %mul3A_233 = arith.muli %scan3A_198, %mul3A_232 : i32
      %add3A_234 = arith.constant 32 : i32
      %add3A_235 = arith.addi %mul3A_233, %add3A_234 : i32
      %get3A_236 = arith.index_cast %add3A_235 : i32 to index
      %get3A_237 = tpu.vector_load %arg11[%get3A_236] {strides = array<i32>} : memref<12800xf32, #tpu.memory_space<vmem>>, vector<16xf32>,
      %gt3A_238 = arith.cmpf ogt, %get3A_237, %scan3A_201 : vector<16xf32>
      %select_n3A_239 = arith.select %gt3A_238, %get3A_237, %scan3A_201 : vector<16xi1>, vector<16xf32>
      %add3A_240 = arith.constant 32 : i32
      %add3A_241 = vector.broadcast %add3A_240 : i32 to vector<16xi32>
      %add3A_242 = arith.addi %scan3A_207, %add3A_241 : vector<16xi32>
      %select_n3A_243 = arith.select %gt3A_238, %add3A_242, %scan3A_205 : vector<16xi1>, vector<16xi32>
      %mul3A_244 = arith.constant 64 : i32
      %mul3A_245 = arith.muli %scan3A_198, %mul3A_244 : i32
      %add3A_246 = arith.constant 48 : i32
      %add3A_247 = arith.addi %mul3A_245, %add3A_246 : i32
      %get3A_248 = arith.index_cast %add3A_247 : i32 to index
      %get3A_249 = tpu.vector_load %arg11[%get3A_248] {strides = array<i32>} : memref<12800xf32, #tpu.memory_space<vmem>>, vector<16xf32>,
      %gt3A_250 = arith.cmpf ogt, %get3A_249, %scan3A_202 : vector<16xf32>
      %select_n3A_251 = arith.select %gt3A_250, %get3A_249, %scan3A_202 : vector<16xi1>, vector<16xf32>
      %add3A_252 = arith.constant 48 : i32
      %add3A_253 = vector.broadcast %add3A_252 : i32 to vector<16xi32>
      %add3A_254 = arith.addi %scan3A_207, %add3A_253 : vector<16xi32>
      %select_n3A_255 = arith.select %gt3A_250, %add3A_254, %scan3A_206 : vector<16xi1>, vector<16xi32>
      %add3A_256 = arith.constant 64 : i32
      %add3A_257 = vector.broadcast %add3A_256 : i32 to vector<16xi32>
      %add3A_258 = arith.addi %scan3A_207, %add3A_257 : vector<16xi32>
      %scan3A_259 = arith.constant 1 : i32
      %scan3A_260 = arith.addi %scan3A_198, %scan3A_259 : i32
      %mul3A_261 = arith.constant 64 : i32
      %mul3A_262 = arith.muli %scan3A_260, %mul3A_261 : i32
      %add3A_263 = arith.constant 0 : i32
      %add3A_264 = arith.addi %mul3A_262, %add3A_263 : i32
      %get3A_265 = arith.index_cast %add3A_264 : i32 to index
      %get3A_266 = tpu.vector_load %arg11[%get3A_265] {strides = array<i32>} : memref<12800xf32, #tpu.memory_space<vmem>>, vector<16xf32>,
      %gt3A_267 = arith.cmpf ogt, %get3A_266, %select_n3A_215 : vector<16xf32>
      %select_n3A_268 = arith.select %gt3A_267, %get3A_266, %select_n3A_215 : vector<16xi1>, vector<16xf32>
      %add3A_269 = arith.constant 0 : i32
      %add3A_270 = vector.broadcast %add3A_269 : i32 to vector<16xi32>
      %add3A_271 = arith.addi %add3A_258, %add3A_270 : vector<16xi32>
      %select_n3A_272 = arith.select %gt3A_267, %add3A_271, %select_n3A_219 : vector<16xi1>, vector<16xi32>
      %mul3A_273 = arith.constant 64 : i32
      %mul3A_274 = arith.muli %scan3A_260, %mul3A_273 : i32
      %add3A_275 = arith.constant 16 : i32
      %add3A_276 = arith.addi %mul3A_274, %add3A_275 : i32
      %get3A_277 = arith.index_cast %add3A_276 : i32 to index
      %get3A_278 = tpu.vector_load %arg11[%get3A_277] {strides = array<i32>} : memref<12800xf32, #tpu.memory_space<vmem>>, vector<16xf32>,
      %gt3A_279 = arith.cmpf ogt, %get3A_278, %select_n3A_227 : vector<16xf32>
      %select_n3A_280 = arith.select %gt3A_279, %get3A_278, %select_n3A_227 : vector<16xi1>, vector<16xf32>
      %add3A_281 = arith.constant 16 : i32
      %add3A_282 = vector.broadcast %add3A_281 : i32 to vector<16xi32>
      %add3A_283 = arith.addi %add3A_258, %add3A_282 : vector<16xi32>
      %select_n3A_284 = arith.select %gt3A_279, %add3A_283, %select_n3A_231 : vector<16xi1>, vector<16xi32>
      %mul3A_285 = arith.constant 64 : i32
      %mul3A_286 = arith.muli %scan3A_260, %mul3A_285 : i32
      %add3A_287 = arith.constant 32 : i32
      %add3A_288 = arith.addi %mul3A_286, %add3A_287 : i32
      %get3A_289 = arith.index_cast %add3A_288 : i32 to index
      %get3A_290 = tpu.vector_load %arg11[%get3A_289] {strides = array<i32>} : memref<12800xf32, #tpu.memory_space<vmem>>, vector<16xf32>,
      %gt3A_291 = arith.cmpf ogt, %get3A_290, %select_n3A_239 : vector<16xf32>
      %select_n3A_292 = arith.select %gt3A_291, %get3A_290, %select_n3A_239 : vector<16xi1>, vector<16xf32>
      %add3A_293 = arith.constant 32 : i32
      %add3A_294 = vector.broadcast %add3A_293 : i32 to vector<16xi32>
      %add3A_295 = arith.addi %add3A_258, %add3A_294 : vector<16xi32>
      %select_n3A_296 = arith.select %gt3A_291, %add3A_295, %select_n3A_243 : vector<16xi1>, vector<16xi32>
      %mul3A_297 = arith.constant 64 : i32
      %mul3A_298 = arith.muli %scan3A_260, %mul3A_297 : i32
      %add3A_299 = arith.constant 48 : i32
      %add3A_300 = arith.addi %mul3A_298, %add3A_299 : i32
      %get3A_301 = arith.index_cast %add3A_300 : i32 to index
      %get3A_302 = tpu.vector_load %arg11[%get3A_301] {strides = array<i32>} : memref<12800xf32, #tpu.memory_space<vmem>>, vector<16xf32>,
      %gt3A_303 = arith.cmpf ogt, %get3A_302, %select_n3A_251 : vector<16xf32>
      %select_n3A_304 = arith.select %gt3A_303, %get3A_302, %select_n3A_251 : vector<16xi1>, vector<16xf32>
      %add3A_305 = arith.constant 48 : i32
      %add3A_306 = vector.broadcast %add3A_305 : i32 to vector<16xi32>
      %add3A_307 = arith.addi %add3A_258, %add3A_306 : vector<16xi32>
      %select_n3A_308 = arith.select %gt3A_303, %add3A_307, %select_n3A_255 : vector<16xi1>, vector<16xi32>
      %add3A_309 = arith.constant 64 : i32
      %add3A_310 = vector.broadcast %add3A_309 : i32 to vector<16xi32>
      %add3A_311 = arith.addi %add3A_258, %add3A_310 : vector<16xi32>
      %scan3A_312 = arith.constant 2 : i32
      %scan3A_313 = arith.addi %scan3A_198, %scan3A_312 : i32
      %mul3A_314 = arith.constant 64 : i32
      %mul3A_315 = arith.muli %scan3A_313, %mul3A_314 : i32
      %add3A_316 = arith.constant 0 : i32
      %add3A_317 = arith.addi %mul3A_315, %add3A_316 : i32
      %get3A_318 = arith.index_cast %add3A_317 : i32 to index
      %get3A_319 = tpu.vector_load %arg11[%get3A_318] {strides = array<i32>} : memref<12800xf32, #tpu.memory_space<vmem>>, vector<16xf32>,
      %gt3A_320 = arith.cmpf ogt, %get3A_319, %select_n3A_268 : vector<16xf32>
      %select_n3A_321 = arith.select %gt3A_320, %get3A_319, %select_n3A_268 : vector<16xi1>, vector<16xf32>
      %add3A_322 = arith.constant 0 : i32
      %add3A_323 = vector.broadcast %add3A_322 : i32 to vector<16xi32>
      %add3A_324 = arith.addi %add3A_311, %add3A_323 : vector<16xi32>
      %select_n3A_325 = arith.select %gt3A_320, %add3A_324, %select_n3A_272 : vector<16xi1>, vector<16xi32>
      %mul3A_326 = arith.constant 64 : i32
      %mul3A_327 = arith.muli %scan3A_313, %mul3A_326 : i32
      %add3A_328 = arith.constant 16 : i32
      %add3A_329 = arith.addi %mul3A_327, %add3A_328 : i32
      %get3A_330 = arith.index_cast %add3A_329 : i32 to index
      %get3A_331 = tpu.vector_load %arg11[%get3A_330] {strides = array<i32>} : memref<12800xf32, #tpu.memory_space<vmem>>, vector<16xf32>,
      %gt3A_332 = arith.cmpf ogt, %get3A_331, %select_n3A_280 : vector<16xf32>
      %select_n3A_333 = arith.select %gt3A_332, %get3A_331, %select_n3A_280 : vector<16xi1>, vector<16xf32>
      %add3A_334 = arith.constant 16 : i32
      %add3A_335 = vector.broadcast %add3A_334 : i32 to vector<16xi32>
      %add3A_336 = arith.addi %add3A_311, %add3A_335 : vector<16xi32>
      %select_n3A_337 = arith.select %gt3A_332, %add3A_336, %select_n3A_284 : vector<16xi1>, vector<16xi32>
      %mul3A_338 = arith.constant 64 : i32
      %mul3A_339 = arith.muli %scan3A_313, %mul3A_338 : i32
      %add3A_340 = arith.constant 32 : i32
      %add3A_341 = arith.addi %mul3A_339, %add3A_340 : i32
      %get3A_342 = arith.index_cast %add3A_341 : i32 to index
      %get3A_343 = tpu.vector_load %arg11[%get3A_342] {strides = array<i32>} : memref<12800xf32, #tpu.memory_space<vmem>>, vector<16xf32>,
      %gt3A_344 = arith.cmpf ogt, %get3A_343, %select_n3A_292 : vector<16xf32>
      %select_n3A_345 = arith.select %gt3A_344, %get3A_343, %select_n3A_292 : vector<16xi1>, vector<16xf32>
      %add3A_346 = arith.constant 32 : i32
      %add3A_347 = vector.broadcast %add3A_346 : i32 to vector<16xi32>
      %add3A_348 = arith.addi %add3A_311, %add3A_347 : vector<16xi32>
      %select_n3A_349 = arith.select %gt3A_344, %add3A_348, %select_n3A_296 : vector<16xi1>, vector<16xi32>
      %mul3A_350 = arith.constant 64 : i32
      %mul3A_351 = arith.muli %scan3A_313, %mul3A_350 : i32
      %add3A_352 = arith.constant 48 : i32
      %add3A_353 = arith.addi %mul3A_351, %add3A_352 : i32
      %get3A_354 = arith.index_cast %add3A_353 : i32 to index
      %get3A_355 = tpu.vector_load %arg11[%get3A_354] {strides = array<i32>} : memref<12800xf32, #tpu.memory_space<vmem>>, vector<16xf32>,
      %gt3A_356 = arith.cmpf ogt, %get3A_355, %select_n3A_304 : vector<16xf32>
      %select_n3A_357 = arith.select %gt3A_356, %get3A_355, %select_n3A_304 : vector<16xi1>, vector<16xf32>
      %add3A_358 = arith.constant 48 : i32
      %add3A_359 = vector.broadcast %add3A_358 : i32 to vector<16xi32>
      %add3A_360 = arith.addi %add3A_311, %add3A_359 : vector<16xi32>
      %select_n3A_361 = arith.select %gt3A_356, %add3A_360, %select_n3A_308 : vector<16xi1>, vector<16xi32>
      %add3A_362 = arith.constant 64 : i32
      %add3A_363 = vector.broadcast %add3A_362 : i32 to vector<16xi32>
      %add3A_364 = arith.addi %add3A_311, %add3A_363 : vector<16xi32>
      %scan3A_365 = arith.constant 3 : i32
      %scan3A_366 = arith.addi %scan3A_198, %scan3A_365 : i32
      %mul3A_367 = arith.constant 64 : i32
      %mul3A_368 = arith.muli %scan3A_366, %mul3A_367 : i32
      %add3A_369 = arith.constant 0 : i32
      %add3A_370 = arith.addi %mul3A_368, %add3A_369 : i32
      %get3A_371 = arith.index_cast %add3A_370 : i32 to index
      %get3A_372 = tpu.vector_load %arg11[%get3A_371] {strides = array<i32>} : memref<12800xf32, #tpu.memory_space<vmem>>, vector<16xf32>,
      %gt3A_373 = arith.cmpf ogt, %get3A_372, %select_n3A_321 : vector<16xf32>
      %select_n3A_374 = arith.select %gt3A_373, %get3A_372, %select_n3A_321 : vector<16xi1>, vector<16xf32>
      %add3A_375 = arith.constant 0 : i32
      %add3A_376 = vector.broadcast %add3A_375 : i32 to vector<16xi32>
      %add3A_377 = arith.addi %add3A_364, %add3A_376 : vector<16xi32>
      %select_n3A_378 = arith.select %gt3A_373, %add3A_377, %select_n3A_325 : vector<16xi1>, vector<16xi32>
      %mul3A_379 = arith.constant 64 : i32
      %mul3A_380 = arith.muli %scan3A_366, %mul3A_379 : i32
      %add3A_381 = arith.constant 16 : i32
      %add3A_382 = arith.addi %mul3A_380, %add3A_381 : i32
      %get3A_383 = arith.index_cast %add3A_382 : i32 to index
      %get3A_384 = tpu.vector_load %arg11[%get3A_383] {strides = array<i32>} : memref<12800xf32, #tpu.memory_space<vmem>>, vector<16xf32>,
      %gt3A_385 = arith.cmpf ogt, %get3A_384, %select_n3A_333 : vector<16xf32>
      %select_n3A_386 = arith.select %gt3A_385, %get3A_384, %select_n3A_333 : vector<16xi1>, vector<16xf32>
      %add3A_387 = arith.constant 16 : i32
      %add3A_388 = vector.broadcast %add3A_387 : i32 to vector<16xi32>
      %add3A_389 = arith.addi %add3A_364, %add3A_388 : vector<16xi32>
      %select_n3A_390 = arith.select %gt3A_385, %add3A_389, %select_n3A_337 : vector<16xi1>, vector<16xi32>
      %mul3A_391 = arith.constant 64 : i32
      %mul3A_392 = arith.muli %scan3A_366, %mul3A_391 : i32
      %add3A_393 = arith.constant 32 : i32
      %add3A_394 = arith.addi %mul3A_392, %add3A_393 : i32
      %get3A_395 = arith.index_cast %add3A_394 : i32 to index
      %get3A_396 = tpu.vector_load %arg11[%get3A_395] {strides = array<i32>} : memref<12800xf32, #tpu.memory_space<vmem>>, vector<16xf32>,
      %gt3A_397 = arith.cmpf ogt, %get3A_396, %select_n3A_345 : vector<16xf32>
      %select_n3A_398 = arith.select %gt3A_397, %get3A_396, %select_n3A_345 : vector<16xi1>, vector<16xf32>
      %add3A_399 = arith.constant 32 : i32
      %add3A_400 = vector.broadcast %add3A_399 : i32 to vector<16xi32>
      %add3A_401 = arith.addi %add3A_364, %add3A_400 : vector<16xi32>
      %select_n3A_402 = arith.select %gt3A_397, %add3A_401, %select_n3A_349 : vector<16xi1>, vector<16xi32>
      %mul3A_403 = arith.constant 64 : i32
      %mul3A_404 = arith.muli %scan3A_366, %mul3A_403 : i32
      %add3A_405 = arith.constant 48 : i32
      %add3A_406 = arith.addi %mul3A_404, %add3A_405 : i32
      %get3A_407 = arith.index_cast %add3A_406 : i32 to index
      %get3A_408 = tpu.vector_load %arg11[%get3A_407] {strides = array<i32>} : memref<12800xf32, #tpu.memory_space<vmem>>, vector<16xf32>,
      %gt3A_409 = arith.cmpf ogt, %get3A_408, %select_n3A_357 : vector<16xf32>
      %select_n3A_410 = arith.select %gt3A_409, %get3A_408, %select_n3A_357 : vector<16xi1>, vector<16xf32>
      %add3A_411 = arith.constant 48 : i32
      %add3A_412 = vector.broadcast %add3A_411 : i32 to vector<16xi32>
      %add3A_413 = arith.addi %add3A_364, %add3A_412 : vector<16xi32>
      %select_n3A_414 = arith.select %gt3A_409, %add3A_413, %select_n3A_361 : vector<16xi1>, vector<16xi32>
      %add3A_415 = arith.constant 64 : i32
      %add3A_416 = vector.broadcast %add3A_415 : i32 to vector<16xi32>
      %add3A_417 = arith.addi %add3A_364, %add3A_416 : vector<16xi32>
      %scan3A_418 = arith.constant 4 : i32
      %scan3A_419 = arith.addi %scan3A_198, %scan3A_418 : i32
      %mul3A_420 = arith.constant 64 : i32
      %mul3A_421 = arith.muli %scan3A_419, %mul3A_420 : i32
      %add3A_422 = arith.constant 0 : i32
      %add3A_423 = arith.addi %mul3A_421, %add3A_422 : i32
      %get3A_424 = arith.index_cast %add3A_423 : i32 to index
      %get3A_425 = tpu.vector_load %arg11[%get3A_424] {strides = array<i32>} : memref<12800xf32, #tpu.memory_space<vmem>>, vector<16xf32>,
      %gt3A_426 = arith.cmpf ogt, %get3A_425, %select_n3A_374 : vector<16xf32>
      %select_n3A_427 = arith.select %gt3A_426, %get3A_425, %select_n3A_374 : vector<16xi1>, vector<16xf32>
      %add3A_428 = arith.constant 0 : i32
      %add3A_429 = vector.broadcast %add3A_428 : i32 to vector<16xi32>
      %add3A_430 = arith.addi %add3A_417, %add3A_429 : vector<16xi32>
      %select_n3A_431 = arith.select %gt3A_426, %add3A_430, %select_n3A_378 : vector<16xi1>, vector<16xi32>
      %mul3A_432 = arith.constant 64 : i32
      %mul3A_433 = arith.muli %scan3A_419, %mul3A_432 : i32
      %add3A_434 = arith.constant 16 : i32
      %add3A_435 = arith.addi %mul3A_433, %add3A_434 : i32
      %get3A_436 = arith.index_cast %add3A_435 : i32 to index
      %get3A_437 = tpu.vector_load %arg11[%get3A_436] {strides = array<i32>} : memref<12800xf32, #tpu.memory_space<vmem>>, vector<16xf32>,
      %gt3A_438 = arith.cmpf ogt, %get3A_437, %select_n3A_386 : vector<16xf32>
      %select_n3A_439 = arith.select %gt3A_438, %get3A_437, %select_n3A_386 : vector<16xi1>, vector<16xf32>
      %add3A_440 = arith.constant 16 : i32
      %add3A_441 = vector.broadcast %add3A_440 : i32 to vector<16xi32>
      %add3A_442 = arith.addi %add3A_417, %add3A_441 : vector<16xi32>
      %select_n3A_443 = arith.select %gt3A_438, %add3A_442, %select_n3A_390 : vector<16xi1>, vector<16xi32>
      %mul3A_444 = arith.constant 64 : i32
      %mul3A_445 = arith.muli %scan3A_419, %mul3A_444 : i32
      %add3A_446 = arith.constant 32 : i32
      %add3A_447 = arith.addi %mul3A_445, %add3A_446 : i32
      %get3A_448 = arith.index_cast %add3A_447 : i32 to index
      %get3A_449 = tpu.vector_load %arg11[%get3A_448] {strides = array<i32>} : memref<12800xf32, #tpu.memory_space<vmem>>, vector<16xf32>,
      %gt3A_450 = arith.cmpf ogt, %get3A_449, %select_n3A_398 : vector<16xf32>
      %select_n3A_451 = arith.select %gt3A_450, %get3A_449, %select_n3A_398 : vector<16xi1>, vector<16xf32>
      %add3A_452 = arith.constant 32 : i32
      %add3A_453 = vector.broadcast %add3A_452 : i32 to vector<16xi32>
      %add3A_454 = arith.addi %add3A_417, %add3A_453 : vector<16xi32>
      %select_n3A_455 = arith.select %gt3A_450, %add3A_454, %select_n3A_402 : vector<16xi1>, vector<16xi32>
      %mul3A_456 = arith.constant 64 : i32
      %mul3A_457 = arith.muli %scan3A_419, %mul3A_456 : i32
      %add3A_458 = arith.constant 48 : i32
      %add3A_459 = arith.addi %mul3A_457, %add3A_458 : i32
      %get3A_460 = arith.index_cast %add3A_459 : i32 to index
      %get3A_461 = tpu.vector_load %arg11[%get3A_460] {strides = array<i32>} : memref<12800xf32, #tpu.memory_space<vmem>>, vector<16xf32>,
      %gt3A_462 = arith.cmpf ogt, %get3A_461, %select_n3A_410 : vector<16xf32>
      %select_n3A_463 = arith.select %gt3A_462, %get3A_461, %select_n3A_410 : vector<16xi1>, vector<16xf32>
      %add3A_464 = arith.constant 48 : i32
      %add3A_465 = vector.broadcast %add3A_464 : i32 to vector<16xi32>
      %add3A_466 = arith.addi %add3A_417, %add3A_465 : vector<16xi32>
      %select_n3A_467 = arith.select %gt3A_462, %add3A_466, %select_n3A_414 : vector<16xi1>, vector<16xi32>
      %add3A_468 = arith.constant 64 : i32
      %add3A_469 = vector.broadcast %add3A_468 : i32 to vector<16xi32>
      %add3A_470 = arith.addi %add3A_417, %add3A_469 : vector<16xi32>
      %scan3A_471 = arith.constant 5 : i32
      %scan3A_472 = arith.addi %scan3A_198, %scan3A_471 : i32
      %mul3A_473 = arith.constant 64 : i32
      %mul3A_474 = arith.muli %scan3A_472, %mul3A_473 : i32
      %add3A_475 = arith.constant 0 : i32
      %add3A_476 = arith.addi %mul3A_474, %add3A_475 : i32
      %get3A_477 = arith.index_cast %add3A_476 : i32 to index
      %get3A_478 = tpu.vector_load %arg11[%get3A_477] {strides = array<i32>} : memref<12800xf32, #tpu.memory_space<vmem>>, vector<16xf32>,
      %gt3A_479 = arith.cmpf ogt, %get3A_478, %select_n3A_427 : vector<16xf32>
      %select_n3A_480 = arith.select %gt3A_479, %get3A_478, %select_n3A_427 : vector<16xi1>, vector<16xf32>
      %add3A_481 = arith.constant 0 : i32
      %add3A_482 = vector.broadcast %add3A_481 : i32 to vector<16xi32>
      %add3A_483 = arith.addi %add3A_470, %add3A_482 : vector<16xi32>
      %select_n3A_484 = arith.select %gt3A_479, %add3A_483, %select_n3A_431 : vector<16xi1>, vector<16xi32>
      %mul3A_485 = arith.constant 64 : i32
      %mul3A_486 = arith.muli %scan3A_472, %mul3A_485 : i32
      %add3A_487 = arith.constant 16 : i32
      %add3A_488 = arith.addi %mul3A_486, %add3A_487 : i32
      %get3A_489 = arith.index_cast %add3A_488 : i32 to index
      %get3A_490 = tpu.vector_load %arg11[%get3A_489] {strides = array<i32>} : memref<12800xf32, #tpu.memory_space<vmem>>, vector<16xf32>,
      %gt3A_491 = arith.cmpf ogt, %get3A_490, %select_n3A_439 : vector<16xf32>
      %select_n3A_492 = arith.select %gt3A_491, %get3A_490, %select_n3A_439 : vector<16xi1>, vector<16xf32>
      %add3A_493 = arith.constant 16 : i32
      %add3A_494 = vector.broadcast %add3A_493 : i32 to vector<16xi32>
      %add3A_495 = arith.addi %add3A_470, %add3A_494 : vector<16xi32>
      %select_n3A_496 = arith.select %gt3A_491, %add3A_495, %select_n3A_443 : vector<16xi1>, vector<16xi32>
      %mul3A_497 = arith.constant 64 : i32
      %mul3A_498 = arith.muli %scan3A_472, %mul3A_497 : i32
      %add3A_499 = arith.constant 32 : i32
      %add3A_500 = arith.addi %mul3A_498, %add3A_499 : i32
      %get3A_501 = arith.index_cast %add3A_500 : i32 to index
      %get3A_502 = tpu.vector_load %arg11[%get3A_501] {strides = array<i32>} : memref<12800xf32, #tpu.memory_space<vmem>>, vector<16xf32>,
      %gt3A_503 = arith.cmpf ogt, %get3A_502, %select_n3A_451 : vector<16xf32>
      %select_n3A_504 = arith.select %gt3A_503, %get3A_502, %select_n3A_451 : vector<16xi1>, vector<16xf32>
      %add3A_505 = arith.constant 32 : i32
      %add3A_506 = vector.broadcast %add3A_505 : i32 to vector<16xi32>
      %add3A_507 = arith.addi %add3A_470, %add3A_506 : vector<16xi32>
      %select_n3A_508 = arith.select %gt3A_503, %add3A_507, %select_n3A_455 : vector<16xi1>, vector<16xi32>
      %mul3A_509 = arith.constant 64 : i32
      %mul3A_510 = arith.muli %scan3A_472, %mul3A_509 : i32
      %add3A_511 = arith.constant 48 : i32
      %add3A_512 = arith.addi %mul3A_510, %add3A_511 : i32
      %get3A_513 = arith.index_cast %add3A_512 : i32 to index
      %get3A_514 = tpu.vector_load %arg11[%get3A_513] {strides = array<i32>} : memref<12800xf32, #tpu.memory_space<vmem>>, vector<16xf32>,
      %gt3A_515 = arith.cmpf ogt, %get3A_514, %select_n3A_463 : vector<16xf32>
      %select_n3A_516 = arith.select %gt3A_515, %get3A_514, %select_n3A_463 : vector<16xi1>, vector<16xf32>
      %add3A_517 = arith.constant 48 : i32
      %add3A_518 = vector.broadcast %add3A_517 : i32 to vector<16xi32>
      %add3A_519 = arith.addi %add3A_470, %add3A_518 : vector<16xi32>
      %select_n3A_520 = arith.select %gt3A_515, %add3A_519, %select_n3A_467 : vector<16xi1>, vector<16xi32>
      %add3A_521 = arith.constant 64 : i32
      %add3A_522 = vector.broadcast %add3A_521 : i32 to vector<16xi32>
      %add3A_523 = arith.addi %add3A_470, %add3A_522 : vector<16xi32>
      %scan3A_524 = arith.constant 6 : i32
      %scan3A_525 = arith.addi %scan3A_198, %scan3A_524 : i32
      %mul3A_526 = arith.constant 64 : i32
      %mul3A_527 = arith.muli %scan3A_525, %mul3A_526 : i32
      %add3A_528 = arith.constant 0 : i32
      %add3A_529 = arith.addi %mul3A_527, %add3A_528 : i32
      %get3A_530 = arith.index_cast %add3A_529 : i32 to index
      %get3A_531 = tpu.vector_load %arg11[%get3A_530] {strides = array<i32>} : memref<12800xf32, #tpu.memory_space<vmem>>, vector<16xf32>,
      %gt3A_532 = arith.cmpf ogt, %get3A_531, %select_n3A_480 : vector<16xf32>
      %select_n3A_533 = arith.select %gt3A_532, %get3A_531, %select_n3A_480 : vector<16xi1>, vector<16xf32>
      %add3A_534 = arith.constant 0 : i32
      %add3A_535 = vector.broadcast %add3A_534 : i32 to vector<16xi32>
      %add3A_536 = arith.addi %add3A_523, %add3A_535 : vector<16xi32>
      %select_n3A_537 = arith.select %gt3A_532, %add3A_536, %select_n3A_484 : vector<16xi1>, vector<16xi32>
      %mul3A_538 = arith.constant 64 : i32
      %mul3A_539 = arith.muli %scan3A_525, %mul3A_538 : i32
      %add3A_540 = arith.constant 16 : i32
      %add3A_541 = arith.addi %mul3A_539, %add3A_540 : i32
      %get3A_542 = arith.index_cast %add3A_541 : i32 to index
      %get3A_543 = tpu.vector_load %arg11[%get3A_542] {strides = array<i32>} : memref<12800xf32, #tpu.memory_space<vmem>>, vector<16xf32>,
      %gt3A_544 = arith.cmpf ogt, %get3A_543, %select_n3A_492 : vector<16xf32>
      %select_n3A_545 = arith.select %gt3A_544, %get3A_543, %select_n3A_492 : vector<16xi1>, vector<16xf32>
      %add3A_546 = arith.constant 16 : i32
      %add3A_547 = vector.broadcast %add3A_546 : i32 to vector<16xi32>
      %add3A_548 = arith.addi %add3A_523, %add3A_547 : vector<16xi32>
      %select_n3A_549 = arith.select %gt3A_544, %add3A_548, %select_n3A_496 : vector<16xi1>, vector<16xi32>
      %mul3A_550 = arith.constant 64 : i32
      %mul3A_551 = arith.muli %scan3A_525, %mul3A_550 : i32
      %add3A_552 = arith.constant 32 : i32
      %add3A_553 = arith.addi %mul3A_551, %add3A_552 : i32
      %get3A_554 = arith.index_cast %add3A_553 : i32 to index
      %get3A_555 = tpu.vector_load %arg11[%get3A_554] {strides = array<i32>} : memref<12800xf32, #tpu.memory_space<vmem>>, vector<16xf32>,
      %gt3A_556 = arith.cmpf ogt, %get3A_555, %select_n3A_504 : vector<16xf32>
      %select_n3A_557 = arith.select %gt3A_556, %get3A_555, %select_n3A_504 : vector<16xi1>, vector<16xf32>
      %add3A_558 = arith.constant 32 : i32
      %add3A_559 = vector.broadcast %add3A_558 : i32 to vector<16xi32>
      %add3A_560 = arith.addi %add3A_523, %add3A_559 : vector<16xi32>
      %select_n3A_561 = arith.select %gt3A_556, %add3A_560, %select_n3A_508 : vector<16xi1>, vector<16xi32>
      %mul3A_562 = arith.constant 64 : i32
      %mul3A_563 = arith.muli %scan3A_525, %mul3A_562 : i32
      %add3A_564 = arith.constant 48 : i32
      %add3A_565 = arith.addi %mul3A_563, %add3A_564 : i32
      %get3A_566 = arith.index_cast %add3A_565 : i32 to index
      %get3A_567 = tpu.vector_load %arg11[%get3A_566] {strides = array<i32>} : memref<12800xf32, #tpu.memory_space<vmem>>, vector<16xf32>,
      %gt3A_568 = arith.cmpf ogt, %get3A_567, %select_n3A_516 : vector<16xf32>
      %select_n3A_569 = arith.select %gt3A_568, %get3A_567, %select_n3A_516 : vector<16xi1>, vector<16xf32>
      %add3A_570 = arith.constant 48 : i32
      %add3A_571 = vector.broadcast %add3A_570 : i32 to vector<16xi32>
      %add3A_572 = arith.addi %add3A_523, %add3A_571 : vector<16xi32>
      %select_n3A_573 = arith.select %gt3A_568, %add3A_572, %select_n3A_520 : vector<16xi1>, vector<16xi32>
      %add3A_574 = arith.constant 64 : i32
      %add3A_575 = vector.broadcast %add3A_574 : i32 to vector<16xi32>
      %add3A_576 = arith.addi %add3A_523, %add3A_575 : vector<16xi32>
      %scan3A_577 = arith.constant 7 : i32
      %scan3A_578 = arith.addi %scan3A_198, %scan3A_577 : i32
      %mul3A_579 = arith.constant 64 : i32
      %mul3A_580 = arith.muli %scan3A_578, %mul3A_579 : i32
      %add3A_581 = arith.constant 0 : i32
      %add3A_582 = arith.addi %mul3A_580, %add3A_581 : i32
      %get3A_583 = arith.index_cast %add3A_582 : i32 to index
      %get3A_584 = tpu.vector_load %arg11[%get3A_583] {strides = array<i32>} : memref<12800xf32, #tpu.memory_space<vmem>>, vector<16xf32>,
      %gt3A_585 = arith.cmpf ogt, %get3A_584, %select_n3A_533 : vector<16xf32>
      %select_n3A_586 = arith.select %gt3A_585, %get3A_584, %select_n3A_533 : vector<16xi1>, vector<16xf32>
      %add3A_587 = arith.constant 0 : i32
      %add3A_588 = vector.broadcast %add3A_587 : i32 to vector<16xi32>
      %add3A_589 = arith.addi %add3A_576, %add3A_588 : vector<16xi32>
      %select_n3A_590 = arith.select %gt3A_585, %add3A_589, %select_n3A_537 : vector<16xi1>, vector<16xi32>
      %mul3A_591 = arith.constant 64 : i32
      %mul3A_592 = arith.muli %scan3A_578, %mul3A_591 : i32
      %add3A_593 = arith.constant 16 : i32
      %add3A_594 = arith.addi %mul3A_592, %add3A_593 : i32
      %get3A_595 = arith.index_cast %add3A_594 : i32 to index
      %get3A_596 = tpu.vector_load %arg11[%get3A_595] {strides = array<i32>} : memref<12800xf32, #tpu.memory_space<vmem>>, vector<16xf32>,
      %gt3A_597 = arith.cmpf ogt, %get3A_596, %select_n3A_545 : vector<16xf32>
      %select_n3A_598 = arith.select %gt3A_597, %get3A_596, %select_n3A_545 : vector<16xi1>, vector<16xf32>
      %add3A_599 = arith.constant 16 : i32
      %add3A_600 = vector.broadcast %add3A_599 : i32 to vector<16xi32>
      %add3A_601 = arith.addi %add3A_576, %add3A_600 : vector<16xi32>
      %select_n3A_602 = arith.select %gt3A_597, %add3A_601, %select_n3A_549 : vector<16xi1>, vector<16xi32>
      %mul3A_603 = arith.constant 64 : i32
      %mul3A_604 = arith.muli %scan3A_578, %mul3A_603 : i32
      %add3A_605 = arith.constant 32 : i32
      %add3A_606 = arith.addi %mul3A_604, %add3A_605 : i32
      %get3A_607 = arith.index_cast %add3A_606 : i32 to index
      %get3A_608 = tpu.vector_load %arg11[%get3A_607] {strides = array<i32>} : memref<12800xf32, #tpu.memory_space<vmem>>, vector<16xf32>,
      %gt3A_609 = arith.cmpf ogt, %get3A_608, %select_n3A_557 : vector<16xf32>
      %select_n3A_610 = arith.select %gt3A_609, %get3A_608, %select_n3A_557 : vector<16xi1>, vector<16xf32>
      %add3A_611 = arith.constant 32 : i32
      %add3A_612 = vector.broadcast %add3A_611 : i32 to vector<16xi32>
      %add3A_613 = arith.addi %add3A_576, %add3A_612 : vector<16xi32>
      %select_n3A_614 = arith.select %gt3A_609, %add3A_613, %select_n3A_561 : vector<16xi1>, vector<16xi32>
      %mul3A_615 = arith.constant 64 : i32
      %mul3A_616 = arith.muli %scan3A_578, %mul3A_615 : i32
      %add3A_617 = arith.constant 48 : i32
      %add3A_618 = arith.addi %mul3A_616, %add3A_617 : i32
      %get3A_619 = arith.index_cast %add3A_618 : i32 to index
      %get3A_620 = tpu.vector_load %arg11[%get3A_619] {strides = array<i32>} : memref<12800xf32, #tpu.memory_space<vmem>>, vector<16xf32>,
      %gt3A_621 = arith.cmpf ogt, %get3A_620, %select_n3A_569 : vector<16xf32>
      %select_n3A_622 = arith.select %gt3A_621, %get3A_620, %select_n3A_569 : vector<16xi1>, vector<16xf32>
      %add3A_623 = arith.constant 48 : i32
      %add3A_624 = vector.broadcast %add3A_623 : i32 to vector<16xi32>
      %add3A_625 = arith.addi %add3A_576, %add3A_624 : vector<16xi32>
      %select_n3A_626 = arith.select %gt3A_621, %add3A_625, %select_n3A_573 : vector<16xi1>, vector<16xi32>
      %add3A_627 = arith.constant 64 : i32
      %add3A_628 = vector.broadcast %add3A_627 : i32 to vector<16xi32>
      %add3A_629 = arith.addi %add3A_576, %add3A_628 : vector<16xi32>
      scf.yield %select_n3A_586, %select_n3A_598, %select_n3A_610, %select_n3A_622, %select_n3A_590, %select_n3A_602, %select_n3A_614, %select_n3A_626, %add3A_629 : vector<16xf32>, vector<16xf32>, vector<16xf32>, vector<16xf32>, vector<16xi32>, vector<16xi32>, vector<16xi32>, vector<16xi32>, vector<16xi32>
    }
    %scan3A_130 = arith.constant 200 : i32
    %dma_wait3A_131 = arith.constant 0 : i32
    %dma_wait3A_132 = tpu.memref_slice %arg3[%add3A_30, %sub3A_34, %dma_wait3A_131] : memref<16x16x32xf32, #tpu.memory_space<hbm>> -> memref<1x1x32xf32, #tpu.memory_space<hbm>>
    %dma_wait3A_133 = tpu.memref_squeeze %dma_wait3A_132 : memref<1x1x32xf32, #tpu.memory_space<hbm>> -> memref<32xf32, #tpu.memory_space<hbm>>
    %dma_wait3A_134 = arith.constant 0 : i32
    %dma_wait3A_135 = tpu.memref_slice %arg3[%add3A_30, %sub3A_34, %dma_wait3A_134] : memref<16x16x32xf32, #tpu.memory_space<hbm>> -> memref<1x1x32xf32, #tpu.memory_space<hbm>>
    %dma_wait3A_136 = tpu.memref_squeeze %dma_wait3A_135 : memref<1x1x32xf32, #tpu.memory_space<hbm>> -> memref<32xf32, #tpu.memory_space<hbm>>
    tpu.wait_dma2 semaphore(%arg20 : memref<!tpu.dma_semaphore, #tpu.memory_space<semaphore_mem>>) src(%dma_wait3A_136 : memref<32xf32, #tpu.memory_space<hbm>>) dst(%arg12 : memref<32xf32, #tpu.memory_space<vmem>>)
    %get3A = arith.constant 0 : index
    %get3A_137 = tpu.vector_load %arg12[%get3A] {strides = array<i32>} : memref<32xf32, #tpu.memory_space<vmem>>, vector<16xf32>,
    %add3A_138 = arith.constant 99968 : i32
    %add3A_139 = vector.broadcast %add3A_138 : i32 to vector<16xi32>
    %add3A_140 = arith.addi %iota3A, %add3A_139 : vector<16xi32>
    %gt3A = arith.cmpf ogt, %get3A_137, %scan3A_129#0 : vector<16xf32>
    %select_n3A_141 = arith.select %gt3A, %get3A_137, %scan3A_129#0 : vector<16xi1>, vector<16xf32>
    %select_n3A_142 = arith.select %gt3A, %add3A_140, %scan3A_129#4 : vector<16xi1>, vector<16xi32>
    %get3A_143 = arith.constant 16 : index
    %get3A_144 = tpu.vector_load %arg12[%get3A_143] {strides = array<i32>} : memref<32xf32, #tpu.memory_space<vmem>>, vector<16xf32>,
    %add3A_145 = arith.constant 99984 : i32
    %add3A_146 = vector.broadcast %add3A_145 : i32 to vector<16xi32>
    %add3A_147 = arith.addi %iota3A, %add3A_146 : vector<16xi32>
    %gt3A_148 = arith.cmpf ogt, %get3A_144, %scan3A_129#1 : vector<16xf32>
    %select_n3A_149 = arith.select %gt3A_148, %get3A_144, %scan3A_129#1 : vector<16xi1>, vector<16xf32>
    %select_n3A_150 = arith.select %gt3A_148, %add3A_147, %scan3A_129#5 : vector<16xi1>, vector<16xi32>
    %gt3A_151 = arith.cmpf ogt, %select_n3A_149, %select_n3A_141 : vector<16xf32>
    %eq3A_152 = arith.cmpf oeq, %select_n3A_149, %select_n3A_141 : vector<16xf32>
    %lt3A_153 = arith.cmpi slt, %select_n3A_150, %select_n3A_142 : vector<16xi32>
    %and3A_154 = arith.andi %eq3A_152, %lt3A_153 : vector<16xi1>
    %or3A = arith.ori %gt3A_151, %and3A_154 : vector<16xi1>
    %select_n3A_155 = arith.select %or3A, %select_n3A_149, %select_n3A_141 : vector<16xi1>, vector<16xf32>
    %select_n3A_156 = arith.select %or3A, %select_n3A_150, %select_n3A_142 : vector<16xi1>, vector<16xi32>
    %gt3A_157 = arith.cmpf ogt, %scan3A_129#3, %scan3A_129#2 : vector<16xf32>
    %eq3A_158 = arith.cmpf oeq, %scan3A_129#3, %scan3A_129#2 : vector<16xf32>
    %lt3A_159 = arith.cmpi slt, %scan3A_129#7, %scan3A_129#6 : vector<16xi32>
    %and3A_160 = arith.andi %eq3A_158, %lt3A_159 : vector<16xi1>
    %or3A_161 = arith.ori %gt3A_157, %and3A_160 : vector<16xi1>
    %select_n3A_162 = arith.select %or3A_161, %scan3A_129#3, %scan3A_129#2 : vector<16xi1>, vector<16xf32>
    %select_n3A_163 = arith.select %or3A_161, %scan3A_129#7, %scan3A_129#6 : vector<16xi1>, vector<16xi32>
    %gt3A_164 = arith.cmpf ogt, %select_n3A_162, %select_n3A_155 : vector<16xf32>
    %eq3A_165 = arith.cmpf oeq, %select_n3A_162, %select_n3A_155 : vector<16xf32>
    %lt3A_166 = arith.cmpi slt, %select_n3A_163, %select_n3A_156 : vector<16xi32>
    %and3A_167 = arith.andi %eq3A_165, %lt3A_166 : vector<16xi1>
    %or3A_168 = arith.ori %gt3A_164, %and3A_167 : vector<16xi1>
    %select_n3A_169 = arith.select %or3A_168, %select_n3A_162, %select_n3A_155 : vector<16xi1>, vector<16xf32>
    %select_n3A_170 = arith.select %or3A_168, %select_n3A_163, %select_n3A_156 : vector<16xi1>, vector<16xi32>
    %mul3A_171 = arith.constant 8 : i32
    %mul3A_172 = arith.muli %arg0, %mul3A_171 : i32
    %jit3A_173 = arith.constant 8 : i32
    %eq3A_174 = arith.constant 0 : i32
    %eq3A_175 = arith.cmpi eq, %jit3A_173, %eq3A_174 : i32
    %jit3A_176 = arith.constant 1 : i32
    %select_n3A_177 = arith.select %eq3A_175, %jit3A_176, %jit3A_173 : i32
    %rem3A_178 = arith.remsi %arg1, %select_n3A_177 : i32
    %ne3A_179 = arith.constant 0 : i32
    %ne3A_180 = arith.cmpi ne, %rem3A_178, %ne3A_179 : i32
    %lt3A_181 = arith.constant 0 : i32
    %lt3A_182 = arith.cmpi slt, %rem3A_178, %lt3A_181 : i32
    %lt3A_183 = arith.constant 0 : i32
    %lt3A_184 = arith.cmpi slt, %select_n3A_177, %lt3A_183 : i32
    %ne3A_185 = arith.xori %lt3A_182, %lt3A_184 : i1
    %and3A_186 = arith.andi %ne3A_185, %ne3A_180 : i1
    %add3A_187 = arith.addi %rem3A_178, %select_n3A_177 : i32
    %select_n3A_188 = arith.select %and3A_186, %add3A_187, %rem3A_178 : i32
    %add3A_189 = arith.addi %mul3A_172, %select_n3A_188 : i32
    %eq3A_190 = arith.constant 1 : i32
    %eq3A_191 = arith.cmpi eq, %select_n3A, %eq3A_190 : i32
    %convert_element_type3A = arith.extui %eq3A_191 : i1 to i32
    %cond3A = arith.constant 0 : i32
    %cond3A_192 = arith.cmpi ne, %convert_element_type3A, %cond3A : i32
    scf.if %cond3A_192 {
      %bitcast3A = vector.bitcast %select_n3A_169 : vector<16xf32> to vector<16xi32>
      %swap3A = arith.constant 0 : index
      %swap3A_198 = tpu.vector_load %arg13[%swap3A] {strides = array<i32>} : memref<32xi32, #tpu.memory_space<vmem>>, vector<16xi32>,
      tpu.vector_store %arg13[%swap3A], %bitcast3A {strides = array<i32>} : memref<32xi32, #tpu.memory_space<vmem>>, vector<16xi32>,
      %swap3A_199 = arith.constant 16 : index
      %swap3A_200 = tpu.vector_load %arg13[%swap3A_199] {strides = array<i32>} : memref<32xi32, #tpu.memory_space<vmem>>, vector<16xi32>,
      tpu.vector_store %arg13[%swap3A_199], %select_n3A_170 {strides = array<i32>} : memref<32xi32, #tpu.memory_space<vmem>>, vector<16xi32>,
      "tpu.region"() ({
        %run_scoped3A = tpu.sem_alloc : memref<!tpu.dma_semaphore, #tpu.memory_space<semaphore_mem>>
        %dma_start3A_201 = arith.constant 0 : i32
        %dma_start3A_202 = tpu.memref_slice %arg6[%add3A_189, %dma_start3A_201] : memref<16x32xi32, #tpu.memory_space<hbm>> -> memref<1x32xi32, #tpu.memory_space<hbm>>
        %dma_start3A_203 = tpu.memref_squeeze %dma_start3A_202 : memref<1x32xi32, #tpu.memory_space<hbm>> -> memref<32xi32, #tpu.memory_space<hbm>>
        %dma_start3A_204 = arith.constant 0 : i32
        %dma_start3A_205 = tpu.memref_slice %arg6[%add3A_189, %dma_start3A_204] : memref<16x32xi32, #tpu.memory_space<hbm>> -> memref<1x32xi32, #tpu.memory_space<hbm>>
        %dma_start3A_206 = tpu.memref_squeeze %dma_start3A_205 : memref<1x32xi32, #tpu.memory_space<hbm>> -> memref<32xi32, #tpu.memory_space<hbm>>
        tpu.enqueue_dma source(%arg13 : memref<32xi32, #tpu.memory_space<vmem>>) target(%dma_start3A_206 : memref<32xi32, #tpu.memory_space<hbm>>) target_semaphore(%run_scoped3A : memref<!tpu.dma_semaphore, #tpu.memory_space<semaphore_mem>>)
        %dma_wait3A_207 = arith.constant 0 : i32
        %dma_wait3A_208 = tpu.memref_slice %arg6[%add3A_189, %dma_wait3A_207] : memref<16x32xi32, #tpu.memory_space<hbm>> -> memref<1x32xi32, #tpu.memory_space<hbm>>
        %dma_wait3A_209 = tpu.memref_squeeze %dma_wait3A_208 : memref<1x32xi32, #tpu.memory_space<hbm>> -> memref<32xi32, #tpu.memory_space<hbm>>
        %dma_wait3A_210 = arith.constant 0 : i32
        %dma_wait3A_211 = tpu.memref_slice %arg6[%add3A_189, %dma_wait3A_210] : memref<16x32xi32, #tpu.memory_space<hbm>> -> memref<1x32xi32, #tpu.memory_space<hbm>>
        %dma_wait3A_212 = tpu.memref_squeeze %dma_wait3A_211 : memref<1x32xi32, #tpu.memory_space<hbm>> -> memref<32xi32, #tpu.memory_space<hbm>>
        tpu.wait_dma2 semaphore(%run_scoped3A : memref<!tpu.dma_semaphore, #tpu.memory_space<semaphore_mem>>) src(%arg13 : memref<32xi32, #tpu.memory_space<vmem>>) dst(%dma_wait3A_212 : memref<32xi32, #tpu.memory_space<hbm>>)
        tpu.yield
      }) : () -> ()
    } else {
    }
    %barrier3A = arith.constant 0 : index
    tpu.barrier barrier_id(%barrier3A)
    %lt3A_193 = arith.constant 8 : i32
    %lt3A_194 = arith.cmpi slt, %arg1, %lt3A_193 : i32
    %convert_element_type3A_195 = arith.extui %lt3A_194 : i1 to i32
    %cond3A_196 = arith.constant 0 : i32
    %cond3A_197 = arith.cmpi ne, %convert_element_type3A_195, %cond3A_196 : i32
    scf.if %cond3A_197 {
      "tpu.region"() ({
        %run_scoped3A = tpu.sem_alloc : memref<!tpu.dma_semaphore, #tpu.memory_space<semaphore_mem>>
        %dma_start3A_329 = arith.constant 0 : i32
        %dma_start3A_330 = tpu.memref_slice %arg6[%add3A_189, %dma_start3A_329] : memref<16x32xi32, #tpu.memory_space<hbm>> -> memref<1x32xi32, #tpu.memory_space<hbm>>
        %dma_start3A_331 = tpu.memref_squeeze %dma_start3A_330 : memref<1x32xi32, #tpu.memory_space<hbm>> -> memref<32xi32, #tpu.memory_space<hbm>>
        %dma_start3A_332 = arith.constant 0 : i32
        %dma_start3A_333 = tpu.memref_slice %arg6[%add3A_189, %dma_start3A_332] : memref<16x32xi32, #tpu.memory_space<hbm>> -> memref<1x32xi32, #tpu.memory_space<hbm>>
        %dma_start3A_334 = tpu.memref_squeeze %dma_start3A_333 : memref<1x32xi32, #tpu.memory_space<hbm>> -> memref<32xi32, #tpu.memory_space<hbm>>
        tpu.enqueue_dma source(%dma_start3A_334 : memref<32xi32, #tpu.memory_space<hbm>>) target(%arg14 : memref<32xi32, #tpu.memory_space<vmem>>) target_semaphore(%run_scoped3A : memref<!tpu.dma_semaphore, #tpu.memory_space<semaphore_mem>>)
        %dma_wait3A_335 = arith.constant 0 : i32
        %dma_wait3A_336 = tpu.memref_slice %arg6[%add3A_189, %dma_wait3A_335] : memref<16x32xi32, #tpu.memory_space<hbm>> -> memref<1x32xi32, #tpu.memory_space<hbm>>
        %dma_wait3A_337 = tpu.memref_squeeze %dma_wait3A_336 : memref<1x32xi32, #tpu.memory_space<hbm>> -> memref<32xi32, #tpu.memory_space<hbm>>
        %dma_wait3A_338 = arith.constant 0 : i32
        %dma_wait3A_339 = tpu.memref_slice %arg6[%add3A_189, %dma_wait3A_338] : memref<16x32xi32, #tpu.memory_space<hbm>> -> memref<1x32xi32, #tpu.memory_space<hbm>>
        %dma_wait3A_340 = tpu.memref_squeeze %dma_wait3A_339 : memref<1x32xi32, #tpu.memory_space<hbm>> -> memref<32xi32, #tpu.memory_space<hbm>>
        tpu.wait_dma2 semaphore(%run_scoped3A : memref<!tpu.dma_semaphore, #tpu.memory_space<semaphore_mem>>) src(%dma_wait3A_340 : memref<32xi32, #tpu.memory_space<hbm>>) dst(%arg14 : memref<32xi32, #tpu.memory_space<vmem>>)
        tpu.yield
      }) : () -> ()
      %get3A_198 = arith.constant 0 : index
      %get3A_199 = tpu.vector_load %arg14[%get3A_198] {strides = array<i32>} : memref<32xi32, #tpu.memory_space<vmem>>, vector<16xi32>,
      %bitcast3A = vector.bitcast %get3A_199 : vector<16xi32> to vector<16xf32>
      %get3A_200 = arith.constant 16 : index
      %get3A_201 = tpu.vector_load %arg14[%get3A_200] {strides = array<i32>} : memref<32xi32, #tpu.memory_space<vmem>>, vector<16xi32>,
      %gt3A_202 = arith.cmpf ogt, %bitcast3A, %select_n3A_169 : vector<16xf32>
      %eq3A_203 = arith.cmpf oeq, %bitcast3A, %select_n3A_169 : vector<16xf32>
      %lt3A_204 = arith.cmpi slt, %get3A_201, %select_n3A_170 : vector<16xi32>
      %and3A_205 = arith.andi %eq3A_203, %lt3A_204 : vector<16xi1>
      %or3A_206 = arith.ori %gt3A_202, %and3A_205 : vector<16xi1>
      %select_n3A_207 = arith.select %or3A_206, %bitcast3A, %select_n3A_169 : vector<16xi1>, vector<16xf32>
      %select_n3A_208 = arith.select %or3A_206, %get3A_201, %select_n3A_170 : vector<16xi1>, vector<16xi32>
      %xor3A = arith.constant 8 : i32
      %xor3A_209 = vector.broadcast %xor3A : i32 to vector<16xi32>
      %xor3A_210 = arith.xori %iota3A, %xor3A_209 : vector<16xi32>
      %lt3A_211 = arith.constant 0 : i32
      %lt3A_212 = vector.broadcast %lt3A_211 : i32 to vector<16xi32>
      %lt3A_213 = arith.cmpi slt, %xor3A_210, %lt3A_212 : vector<16xi32>
      %add3A_214 = arith.constant 16 : i32
      %add3A_215 = vector.broadcast %add3A_214 : i32 to vector<16xi32>
      %add3A_216 = arith.addi %xor3A_210, %add3A_215 : vector<16xi32>
      %select_n3A_217 = arith.select %lt3A_213, %add3A_216, %xor3A_210 : vector<16xi1>, vector<16xi32>
      %broadcast_in_dim3A_218 = vector.shape_cast %select_n3A_217 : vector<16xi32> to vector<16x1xi32>
      %gather3A_219 = vector.shape_cast %broadcast_in_dim3A_218 : vector<16x1xi32> to vector<16xi32>
      %gather3A_220 = tpu.dynamic_gather %select_n3A_207[%gather3A_219] in [0] : vector<16xf32>, vector<16xi32> -> vector<16xf32>
      %lt3A_221 = arith.constant 0 : i32
      %lt3A_222 = vector.broadcast %lt3A_221 : i32 to vector<16xi32>
      %lt3A_223 = arith.cmpi slt, %xor3A_210, %lt3A_222 : vector<16xi32>
      %add3A_224 = arith.constant 16 : i32
      %add3A_225 = vector.broadcast %add3A_224 : i32 to vector<16xi32>
      %add3A_226 = arith.addi %xor3A_210, %add3A_225 : vector<16xi32>
      %select_n3A_227 = arith.select %lt3A_223, %add3A_226, %xor3A_210 : vector<16xi1>, vector<16xi32>
      %broadcast_in_dim3A_228 = vector.shape_cast %select_n3A_227 : vector<16xi32> to vector<16x1xi32>
      %gather3A_229 = vector.shape_cast %broadcast_in_dim3A_228 : vector<16x1xi32> to vector<16xi32>
      %gather3A_230 = tpu.dynamic_gather %select_n3A_208[%gather3A_229] in [0] : vector<16xi32>, vector<16xi32> -> vector<16xi32>
      %gt3A_231 = arith.cmpf ogt, %gather3A_220, %select_n3A_207 : vector<16xf32>
      %eq3A_232 = arith.cmpf oeq, %gather3A_220, %select_n3A_207 : vector<16xf32>
      %lt3A_233 = arith.cmpi slt, %gather3A_230, %select_n3A_208 : vector<16xi32>
      %and3A_234 = arith.andi %eq3A_232, %lt3A_233 : vector<16xi1>
      %or3A_235 = arith.ori %gt3A_231, %and3A_234 : vector<16xi1>
      %select_n3A_236 = arith.select %or3A_235, %gather3A_220, %select_n3A_207 : vector<16xi1>, vector<16xf32>
      %select_n3A_237 = arith.select %or3A_235, %gather3A_230, %select_n3A_208 : vector<16xi1>, vector<16xi32>
      %xor3A_238 = arith.constant 4 : i32
      %xor3A_239 = vector.broadcast %xor3A_238 : i32 to vector<16xi32>
      %xor3A_240 = arith.xori %iota3A, %xor3A_239 : vector<16xi32>
      %lt3A_241 = arith.constant 0 : i32
      %lt3A_242 = vector.broadcast %lt3A_241 : i32 to vector<16xi32>
      %lt3A_243 = arith.cmpi slt, %xor3A_240, %lt3A_242 : vector<16xi32>
      %add3A_244 = arith.constant 16 : i32
      %add3A_245 = vector.broadcast %add3A_244 : i32 to vector<16xi32>
      %add3A_246 = arith.addi %xor3A_240, %add3A_245 : vector<16xi32>
      %select_n3A_247 = arith.select %lt3A_243, %add3A_246, %xor3A_240 : vector<16xi1>, vector<16xi32>
      %broadcast_in_dim3A_248 = vector.shape_cast %select_n3A_247 : vector<16xi32> to vector<16x1xi32>
      %gather3A_249 = vector.shape_cast %broadcast_in_dim3A_248 : vector<16x1xi32> to vector<16xi32>
      %gather3A_250 = tpu.dynamic_gather %select_n3A_236[%gather3A_249] in [0] : vector<16xf32>, vector<16xi32> -> vector<16xf32>
      %lt3A_251 = arith.constant 0 : i32
      %lt3A_252 = vector.broadcast %lt3A_251 : i32 to vector<16xi32>
      %lt3A_253 = arith.cmpi slt, %xor3A_240, %lt3A_252 : vector<16xi32>
      %add3A_254 = arith.constant 16 : i32
      %add3A_255 = vector.broadcast %add3A_254 : i32 to vector<16xi32>
      %add3A_256 = arith.addi %xor3A_240, %add3A_255 : vector<16xi32>
      %select_n3A_257 = arith.select %lt3A_253, %add3A_256, %xor3A_240 : vector<16xi1>, vector<16xi32>
      %broadcast_in_dim3A_258 = vector.shape_cast %select_n3A_257 : vector<16xi32> to vector<16x1xi32>
      %gather3A_259 = vector.shape_cast %broadcast_in_dim3A_258 : vector<16x1xi32> to vector<16xi32>
      %gather3A_260 = tpu.dynamic_gather %select_n3A_237[%gather3A_259] in [0] : vector<16xi32>, vector<16xi32> -> vector<16xi32>
      %gt3A_261 = arith.cmpf ogt, %gather3A_250, %select_n3A_236 : vector<16xf32>
      %eq3A_262 = arith.cmpf oeq, %gather3A_250, %select_n3A_236 : vector<16xf32>
      %lt3A_263 = arith.cmpi slt, %gather3A_260, %select_n3A_237 : vector<16xi32>
      %and3A_264 = arith.andi %eq3A_262, %lt3A_263 : vector<16xi1>
      %or3A_265 = arith.ori %gt3A_261, %and3A_264 : vector<16xi1>
      %select_n3A_266 = arith.select %or3A_265, %gather3A_250, %select_n3A_236 : vector<16xi1>, vector<16xf32>
      %select_n3A_267 = arith.select %or3A_265, %gather3A_260, %select_n3A_237 : vector<16xi1>, vector<16xi32>
      %xor3A_268 = arith.constant 2 : i32
      %xor3A_269 = vector.broadcast %xor3A_268 : i32 to vector<16xi32>
      %xor3A_270 = arith.xori %iota3A, %xor3A_269 : vector<16xi32>
      %lt3A_271 = arith.constant 0 : i32
      %lt3A_272 = vector.broadcast %lt3A_271 : i32 to vector<16xi32>
      %lt3A_273 = arith.cmpi slt, %xor3A_270, %lt3A_272 : vector<16xi32>
      %add3A_274 = arith.constant 16 : i32
      %add3A_275 = vector.broadcast %add3A_274 : i32 to vector<16xi32>
      %add3A_276 = arith.addi %xor3A_270, %add3A_275 : vector<16xi32>
      %select_n3A_277 = arith.select %lt3A_273, %add3A_276, %xor3A_270 : vector<16xi1>, vector<16xi32>
      %broadcast_in_dim3A_278 = vector.shape_cast %select_n3A_277 : vector<16xi32> to vector<16x1xi32>
      %gather3A_279 = vector.shape_cast %broadcast_in_dim3A_278 : vector<16x1xi32> to vector<16xi32>
      %gather3A_280 = tpu.dynamic_gather %select_n3A_266[%gather3A_279] in [0] : vector<16xf32>, vector<16xi32> -> vector<16xf32>
      %lt3A_281 = arith.constant 0 : i32
      %lt3A_282 = vector.broadcast %lt3A_281 : i32 to vector<16xi32>
      %lt3A_283 = arith.cmpi slt, %xor3A_270, %lt3A_282 : vector<16xi32>
      %add3A_284 = arith.constant 16 : i32
      %add3A_285 = vector.broadcast %add3A_284 : i32 to vector<16xi32>
      %add3A_286 = arith.addi %xor3A_270, %add3A_285 : vector<16xi32>
      %select_n3A_287 = arith.select %lt3A_283, %add3A_286, %xor3A_270 : vector<16xi1>, vector<16xi32>
      %broadcast_in_dim3A_288 = vector.shape_cast %select_n3A_287 : vector<16xi32> to vector<16x1xi32>
      %gather3A_289 = vector.shape_cast %broadcast_in_dim3A_288 : vector<16x1xi32> to vector<16xi32>
      %gather3A_290 = tpu.dynamic_gather %select_n3A_267[%gather3A_289] in [0] : vector<16xi32>, vector<16xi32> -> vector<16xi32>
      %gt3A_291 = arith.cmpf ogt, %gather3A_280, %select_n3A_266 : vector<16xf32>
      %eq3A_292 = arith.cmpf oeq, %gather3A_280, %select_n3A_266 : vector<16xf32>
      %lt3A_293 = arith.cmpi slt, %gather3A_290, %select_n3A_267 : vector<16xi32>
      %and3A_294 = arith.andi %eq3A_292, %lt3A_293 : vector<16xi1>
      %or3A_295 = arith.ori %gt3A_291, %and3A_294 : vector<16xi1>
      %select_n3A_296 = arith.select %or3A_295, %gather3A_280, %select_n3A_266 : vector<16xi1>, vector<16xf32>
      %select_n3A_297 = arith.select %or3A_295, %gather3A_290, %select_n3A_267 : vector<16xi1>, vector<16xi32>
      %xor3A_298 = arith.constant 1 : i32
      %xor3A_299 = vector.broadcast %xor3A_298 : i32 to vector<16xi32>
      %xor3A_300 = arith.xori %iota3A, %xor3A_299 : vector<16xi32>
      %lt3A_301 = arith.constant 0 : i32
      %lt3A_302 = vector.broadcast %lt3A_301 : i32 to vector<16xi32>
      %lt3A_303 = arith.cmpi slt, %xor3A_300, %lt3A_302 : vector<16xi32>
      %add3A_304 = arith.constant 16 : i32
      %add3A_305 = vector.broadcast %add3A_304 : i32 to vector<16xi32>
      %add3A_306 = arith.addi %xor3A_300, %add3A_305 : vector<16xi32>
      %select_n3A_307 = arith.select %lt3A_303, %add3A_306, %xor3A_300 : vector<16xi1>, vector<16xi32>
      %broadcast_in_dim3A_308 = vector.shape_cast %select_n3A_307 : vector<16xi32> to vector<16x1xi32>
      %gather3A_309 = vector.shape_cast %broadcast_in_dim3A_308 : vector<16x1xi32> to vector<16xi32>
      %gather3A_310 = tpu.dynamic_gather %select_n3A_296[%gather3A_309] in [0] : vector<16xf32>, vector<16xi32> -> vector<16xf32>
      %lt3A_311 = arith.constant 0 : i32
      %lt3A_312 = vector.broadcast %lt3A_311 : i32 to vector<16xi32>
      %lt3A_313 = arith.cmpi slt, %xor3A_300, %lt3A_312 : vector<16xi32>
      %add3A_314 = arith.constant 16 : i32
      %add3A_315 = vector.broadcast %add3A_314 : i32 to vector<16xi32>
      %add3A_316 = arith.addi %xor3A_300, %add3A_315 : vector<16xi32>
      %select_n3A_317 = arith.select %lt3A_313, %add3A_316, %xor3A_300 : vector<16xi1>, vector<16xi32>
      %broadcast_in_dim3A_318 = vector.shape_cast %select_n3A_317 : vector<16xi32> to vector<16x1xi32>
      %gather3A_319 = vector.shape_cast %broadcast_in_dim3A_318 : vector<16x1xi32> to vector<16xi32>
      %gather3A_320 = tpu.dynamic_gather %select_n3A_297[%gather3A_319] in [0] : vector<16xi32>, vector<16xi32> -> vector<16xi32>
      %gt3A_321 = arith.cmpf ogt, %gather3A_310, %select_n3A_296 : vector<16xf32>
      %eq3A_322 = arith.cmpf oeq, %gather3A_310, %select_n3A_296 : vector<16xf32>
      %lt3A_323 = arith.cmpi slt, %gather3A_320, %select_n3A_297 : vector<16xi32>
      %and3A_324 = arith.andi %eq3A_322, %lt3A_323 : vector<16xi1>
      %or3A_325 = arith.ori %gt3A_321, %and3A_324 : vector<16xi1>
      %select_n3A_326 = arith.select %or3A_325, %gather3A_310, %select_n3A_296 : vector<16xi1>, vector<16xf32>
      %select_n3A_327 = arith.select %or3A_325, %gather3A_320, %select_n3A_297 : vector<16xi1>, vector<16xi32>
      %swap3A = arith.constant 0 : index
      %swap3A_328 = tpu.vector_load %arg15[%swap3A] {strides = array<i32>} : memref<16xi32, #tpu.memory_space<vmem>>, vector<16xi32>,
      tpu.vector_store %arg15[%swap3A], %select_n3A_327 {strides = array<i32>} : memref<16xi32, #tpu.memory_space<vmem>>, vector<16xi32>,
      "tpu.region"() ({
        %run_scoped3A = tpu.sem_alloc : memref<!tpu.dma_semaphore, #tpu.memory_space<semaphore_mem>>
        %dma_start3A_329 = arith.constant 0 : i32
        %dma_start3A_330 = tpu.memref_slice %arg5[%add3A_30, %dma_start3A_329] : memref<16x16xi32, #tpu.memory_space<hbm>> -> memref<1x16xi32, #tpu.memory_space<hbm>>
        %dma_start3A_331 = tpu.memref_squeeze %dma_start3A_330 : memref<1x16xi32, #tpu.memory_space<hbm>> -> memref<16xi32, #tpu.memory_space<hbm>>
        %dma_start3A_332 = arith.constant 0 : i32
        %dma_start3A_333 = tpu.memref_slice %arg5[%add3A_30, %dma_start3A_332] : memref<16x16xi32, #tpu.memory_space<hbm>> -> memref<1x16xi32, #tpu.memory_space<hbm>>
        %dma_start3A_334 = tpu.memref_squeeze %dma_start3A_333 : memref<1x16xi32, #tpu.memory_space<hbm>> -> memref<16xi32, #tpu.memory_space<hbm>>
        tpu.enqueue_dma source(%arg15 : memref<16xi32, #tpu.memory_space<vmem>>) target(%dma_start3A_334 : memref<16xi32, #tpu.memory_space<hbm>>) target_semaphore(%run_scoped3A : memref<!tpu.dma_semaphore, #tpu.memory_space<semaphore_mem>>)
        %dma_wait3A_335 = arith.constant 0 : i32
        %dma_wait3A_336 = tpu.memref_slice %arg5[%add3A_30, %dma_wait3A_335] : memref<16x16xi32, #tpu.memory_space<hbm>> -> memref<1x16xi32, #tpu.memory_space<hbm>>
        %dma_wait3A_337 = tpu.memref_squeeze %dma_wait3A_336 : memref<1x16xi32, #tpu.memory_space<hbm>> -> memref<16xi32, #tpu.memory_space<hbm>>
        %dma_wait3A_338 = arith.constant 0 : i32
        %dma_wait3A_339 = tpu.memref_slice %arg5[%add3A_30, %dma_wait3A_338] : memref<16x16xi32, #tpu.memory_space<hbm>> -> memref<1x16xi32, #tpu.memory_space<hbm>>
        %dma_wait3A_340 = tpu.memref_squeeze %dma_wait3A_339 : memref<1x16xi32, #tpu.memory_space<hbm>> -> memref<16xi32, #tpu.memory_space<hbm>>
        tpu.wait_dma2 semaphore(%run_scoped3A : memref<!tpu.dma_semaphore, #tpu.memory_space<semaphore_mem>>) src(%arg15 : memref<16xi32, #tpu.memory_space<vmem>>) dst(%dma_wait3A_340 : memref<16xi32, #tpu.memory_space<hbm>>)
        tpu.yield
      }) : () -> ()
    } else {
    }
    return
  }
}

</mosaic_0001>

<sc_bundles>
// kernel: kernel.3.cloned.1.call-start
scs
__scs_entry_jumppad:
0x0: {  	(pc) =	sbr.rel $0x88, $3  }
0x1: {  	(tag) =	ssettag $0x0;
	lr =	simm.s32 $0x1  }
0x2: {  	[smem:$0x3F9F] =	sst lr;
	_ =	strace $0xD0000000  }
0x3: {  	_ = 	snop  }
0x4: {  	_ = 	snop  }
0x5: {  	_ = 	snop  }
0x6: {  	_ = 	snop  }
0x7: {  	_ = 	snop  }
__scs_overlays_trampoline_lowered:
0x8: {  	[smem:$0x3FAE] =	sst s0  }
0x9: {  	[smem:$0x3FAF] =	sst s1  }
0xa: {  	[smem:$0x3FB0] =	sst s2  }
0xb: {  	[smem:$0x3FB1] =	sst s3  }
0xc: {  	[smem:$0x3FB2] =	sst s4  }
0xd: {  	[smem:$0x3FB3] =	sst s5  }
0xe: {  	[smem:$0x3FB4] =	sst s6  }
0xf: {  	[smem:$0x3FB5] =	sst s7  }
0x10: {  	[smem:$0x3FB6] =	sst s8  }
0x11: {  	[smem:$0x3FB7] =	sst s9;
	s0 =	simm.s32 @!p0 $0x0  }
0x12: {  	s1 =	sld [smem:$0x3F9D];
	s0 =	simm.s32 @p0 $0x1  }
0x13: {  	[smem:$0x3FB8] =	sst s0;
	s0 =	simm.s32 @!p1 $0x0  }
0x14: {  	s2 =	sld [smem:$0x3F9C];
	s0 =	simm.s32 @p1 $0x1  }
0x15: {  	[smem:$0x3FB9] =	sst s0;
	s0 =	simm.s32 @!p2 $0x0  }
0x16: {  	s3 =	sld [smem:$0x3FDB];
	s0 =	simm.s32 @p2 $0x1  }
0x17: {  	s4 =	simm.s32 $0x1BF5;
	[smem:$0x3FBB] =	sst s0  }
0x18: {  	s0 =	sld [smem:$0x3F9E];
	_ =	swait.ge [sflag:s4], $0x0  }
0x19: {  	s7 =	sld [smem:$0x3F9F]  }
0x1a: {  	s8 =	sadd.s32 $0xFFFFE003, lr  }
0x1b: {  	s9 =	sadd.s32 $0xFFFFFEF7, lr;
	s5 =	simm.s32 $0xFFFFFFFF;
	p2 =	slt.u32 s8, $0xFFFFF086  }
0x1c: {  	p1 =	slt.u32 s9, $0xF7A;
	s5 =	simm.s32 @!p2 $0x0  }
0x1d: {  	s5 =	simm.s32 @p1 $0x1;
	p0 =	seq.s32 s7, s2  }
0x1e: {  	s7 =	smul.u32 @!p0 $0xF7A, s2;
	p2 =	seq.s32 @!p0 s5, $0x0  }
0x1f: {  	s9 =	smul.u32 $0xF7A, s1;
	s8 =	simm.s32 @!p0 $0x1BF5;
	p2 =	por !p2, p0  }
0x20: {  	[sflag:s8] =	ssyncset.s32 @!p0 $0xFFFFF086;
	s6 =	sadd.s32 @!p0 s3, s7;
	s7 =	simm.s32 @!p0 $0x108  }
0x21: {  	s3 =	sadd.s32 s3, s9;
	s6 =	sadd.s32 @!p0 $0x88, s6;
	s7 =	simm.s32 @p2 $0x1082  }
0x22: {  	[simem:s7], [sflag:s8] =	dma.local @!p0 [hbm:s6], $0xF7A  }
0x23: {  	s9 =	sor.u32 $0xD0000000, s2;
	s6 =	simm.s32 $0x108;
	_ =	swait.ge @!p0 [sflag:s8], $0x0  }
0x24: {  	s3 =	sadd.s32 $0x88, s3;
	s6 =	simm.s32 @!p1 $0x1082;
	[sflag:s4] =	ssyncset.s32 $0xFFFFF086  }
0x25: {  	[simem:s6], [sflag:s4] =	dma.local [hbm:s3], $0xF7A  }
0x26: {  	[smem:$0x3F9F] =	sst s1;
	(tag) =	ssettag s2;
	_ =	strace s9  }
0x27: {  	s1 =	sld [smem:$0x3FAF]  }
0x28: {  	s2 =	sld [smem:$0x3FB0]  }
0x29: {  	s4 =	sld [smem:$0x3FB2]  }
0x2a: {  	p0 =	seq.s32 s5, $0x0;
	s5 =	sld [smem:$0x3FB3]  }
0x2b: {  	s6 =	sld [smem:$0x3FB4]  }
0x2c: {  	s7 =	sld [smem:$0x3FB5]  }
0x2d: {  	s3 =	simm.s32 $0x108;
	s8 =	sld [smem:$0x3FB6]  }
0x2e: {  	s3 =	simm.s32 @!p0 $0x1082;
	s9 =	sld [smem:$0x3FB7]  }
0x2f: {  	lr =	sadd.s32 s0, s3;
	s0 =	sld [smem:$0x3FAE]  }
0x30: {  	s3 =	sld [smem:$0x3FB1]  }
0x31: {  	[smem:$0x3FBA] =	sst s10  }
0x32: {  	s10 =	sld [smem:$0x3FB8];
	_ =	sdelay $0x3  }
0x33: {  	p0 =	seq.s32 s10, $0x1;
	s10 =	sld [smem:$0x3FBA];
	_ =	sdelay $0x3  }
0x34: {  	[smem:$0x3FBA] =	sst s10  }
0x35: {  	s10 =	sld [smem:$0x3FB9];
	_ =	sdelay $0x3  }
0x36: {  	p1 =	seq.s32 s10, $0x1;
	s10 =	sld [smem:$0x3FBA];
	_ =	sdelay $0x3  }
0x37: {  	[smem:$0x3FBA] =	sst s10  }
0x38: {  	s10 =	sld [smem:$0x3FBB]  }
0x39: {  	_ = 	snop;
	(pc) =	sbr.ind lr, $3  }
0x3a: {  	_ = 	snop  }
0x3b: {  	_ = 	snop  }
0x3c: {  	p2 =	seq.s32 s10, $0x1;
	s10 =	sld [smem:$0x3FBA]  }
0x3d: {  	_ =	shalt  }
0x3e: {  	_ =	shalt  }
0x3f: {  	_ =	shalt  }
0x40: {  	_ =	shalt  }
0x41: {  	_ =	shalt  }
0x42: {  	_ =	shalt  }
0x43: {  	_ =	shalt  }
0x44: {  	_ =	shalt  }
0x45: {  	_ =	shalt  }
0x46: {  	_ =	shalt  }
0x47: {  	_ =	shalt  }
0x48: {  	_ =	shalt  }
0x49: {  	_ =	shalt  }
0x4a: {  	_ =	shalt  }
0x4b: {  	_ =	shalt  }
0x4c: {  	_ =	shalt  }
0x4d: {  	_ =	shalt  }
0x4e: {  	_ =	shalt  }
0x4f: {  	_ =	shalt  }
0x50: {  	_ =	shalt  }
0x51: {  	_ =	shalt  }
0x52: {  	_ =	shalt  }
0x53: {  	_ =	shalt  }
0x54: {  	_ =	shalt  }
0x55: {  	_ =	shalt  }
0x56: {  	_ =	shalt  }
0x57: {  	_ =	shalt  }
0x58: {  	_ =	shalt  }
0x59: {  	_ =	shalt  }
0x5a: {  	_ =	shalt  }
0x5b: {  	_ =	shalt  }
0x5c: {  	_ =	shalt  }
0x5d: {  	_ =	shalt  }
0x5e: {  	_ =	shalt  }
0x5f: {  	_ =	shalt  }
0x60: {  	_ =	shalt  }
0x61: {  	_ =	shalt  }
0x62: {  	_ =	shalt  }
0x63: {  	_ =	shalt  }
0x64: {  	_ =	shalt  }
0x65: {  	_ =	shalt  }
0x66: {  	_ =	shalt  }
0x67: {  	_ =	shalt  }
0x68: {  	_ =	shalt  }
0x69: {  	_ =	shalt  }
0x6a: {  	_ =	shalt  }
0x6b: {  	_ =	shalt  }
0x6c: {  	_ =	shalt  }
0x6d: {  	_ =	shalt  }
0x6e: {  	_ =	shalt  }
0x6f: {  	_ =	shalt  }
0x70: {  	_ =	shalt  }
0x71: {  	_ =	shalt  }
0x72: {  	_ =	shalt  }
0x73: {  	_ =	shalt  }
0x74: {  	_ =	shalt  }
0x75: {  	_ =	shalt  }
0x76: {  	_ =	shalt  }
0x77: {  	_ =	shalt  }
0x78: {  	_ =	shalt  }
0x79: {  	_ =	shalt  }
0x7a: {  	_ =	shalt  }
0x7b: {  	_ =	shalt  }
0x7c: {  	_ =	shalt  }
0x7d: {  	_ =	shalt  }
0x7e: {  	_ =	shalt  }
0x7f: {  	_ =	shalt  }
0x80: {  	_ =	shalt  }
0x81: {  	_ =	shalt  }
0x82: {  	_ =	shalt  }
0x83: {  	_ =	shalt  }
0x84: {  	_ =	shalt  }
0x85: {  	_ =	shalt  }
0x86: {  	_ =	shalt  }
0x87: {  	_ =	shalt  }
.Lfunc_end0:
.L_simem_size_0:
called_computation_lowered:
.L_overlay_start_0:
0x88: {  	s2 =	sld [smem:$0x3FD9]  }
0x89: {  	s3 =	sld [smem:$0x3FFE];
	_ =	sdelay $0x1  }
0x8a: {  	s1 =	srdreg.scid  }
0x8b: {  	s0 =	sand.u32 $0x1, s1  }
0x8c: {  	s17 =	sshll.u32 s0, $0xA;
	s2 =	sadd.s32 s3, s2  }
0x8d: {  	s2 =	sadd.s32 s2, s17  }
0x8e: {  	[smem:$0x3FC6] =	sst s2  }
0x8f: {  	_ = 	snop  }
0x90: {  	s2 =	sld [smem:$0x3FC9]  }
0x91: {  	s18 =	sld [smem:$0x3FC8];
	(tm) =	ssettm $0x1  }
0x92: {  	s4 =	sld [smem:$0x3FFB];
	_ =	sdelay $0x3  }
0x93: {  	_ =	strace s4  }
0x94: {  	s4 =	sld [smem:$0x3FFC];
	_ =	sdelay $0x3  }
0x95: {  	_ =	strace s4  }
0x96: {  	s4 =	sld [smem:$0x3FFD];
	_ =	sdelay $0x3  }
0x97: {  	_ =	strace s4  }
0x98: {  	_ =	strace $0x8FFFFFFF  }
0x99: {  	s19 =	sld [smem:$0x3FDB];
	_ =	sdelay $0x1  }
0x9a: {  	s5 =	simm.s32 $_scs_section_size  }
0x9b: {  	s6 =	simm.s32 $_size__tile_overlayer_lowered;
	s7 =	simm.s32 $_tile_overlayer_lowered  }
0x9c: {  	s22 =	simm.s32 $0x1BFF;
	s21 =	sshll.u32 s7, $0x1;
	s4 =	sadd.s32 s5, s19  }
0x9d: {  	s8 =	simm.s32 $0x0;
	s20 =	sshll.u32 s6, $0x1;
	s6 =	sadd.s32 s21, s4  }
0x9e: {  	[timem:s8], [sflag:s22] =	dma.local [hbm:s6], s20  }
0x9f: {  	_ =	swait.ge [sflag:s22], s20  }
0xa0: {  	s5 =	ssub.s32 $0x0, s20;
	[sflag:s22] =	ssyncset.done $0x0  }
0xa1: {  	[sflag:s22] =	ssyncadd.s32 s5;
	_ =	sdelay $0x1  }
0xa2: {  	s23 =	simm.s32 $0x1B8B  }
0xa3: {  	_ =	swait.ge [sflag:s23], $0x1  }
0xa4: {  	[sflag:s23] =	ssyncset.done $0x0  }
0xa5: {  	s25 =	simm.s32 $0x1B8E;
	s24 =	sld [smem:$0x3FFE];
	[sflag:s23] =	ssyncadd.s32 $0xFFFFFFFF  }
0xa6: {  	s26 =	simm.s32 $execute0_lowered;
	[smem:$0x3FD2] =	sst s25  }
0xa7: {  	s6 =	sshll.u32 s26, $0x1;
	_ =	strace $0x80000046;
	[dreg:$0x1] =	wrdreg $0xFFFFFFFF  }
0xa8: {  	s28 =	simm.s32 $_size_execute0_lowered;
	s4 =	sadd.s32 s4, s6;
	[dreg:$0x0] =	wrdreg $0x0  }
0xa9: {  	s6 =	sshll.u32 s28, $0x1;
	[dreg:$0x2] =	wrdreg s4  }
0xaa: {  	[dreg:$0x3] =	wrdreg s6  }
0xab: {  	[dreg:$0x4] =	wrdreg $0xC0  }
0xac: {  	_ =	task [dreg:s8], $0x5FFFF  }
0xad: {  	[dreg:$0x1] =	wrdreg $0xFFFFFFFF  }
0xae: {  	[dreg:$0x0] =	wrdreg $0x60  }
0xaf: {  	[dreg:$0x2] =	wrdreg s2  }
0xb0: {  	[dreg:$0x3] =	wrdreg s24  }
0xb1: {  	[dreg:$0x4] =	wrdreg s18  }
0xb2: {  	[dreg:$0x5] =	wrdreg $0x9  }
0xb3: {  	_ =	task.clear_ibuf [dreg:s8], $0x6FFFF;
	_ =	strace $0x90000046  }
0xb4: {  	s29 =	simm.s32 $0x9;
	_ =	strace $0x80000048  }
0xb5: {  	_ =	swait.ge [sflag:s29], $0x1  }
0xb6: {  	[sflag:s29] =	ssyncadd.s32 $0xFFFFFFFF  }
0xb7: {  	_ =	strace $0x90000048  }
0xb8: {  	_ =	sfence  }
0xb9: {  	s30 =	sld [smem:$0x0];
	_ =	sdelay $0x2  }
0xba: {  	s31 =	sshll.u32 s1, $0xD;
	s1 =	sshrl.u32 s1, $0x2  }
0xbb: {  	s3 =	sand.u32 $0x4000, s31;
	s1 =	sadd.s32 s1, s30  }
0xbc: {  	s0 =	sor.u32 s3, s0;
	s1 =	sshll.u32 s1, $0x11  }
0xbd: {  	s0 =	sor.u32 s1, s0  }
0xbe: {  	s0 =	sadd.s32 $0x8F2B, s0  }
0xbf: {  	[sflag:s0] =	ssyncadd.remote.s32 $0x1  }
0xc0: {  	_ =	sfence.sel $0xFFFF  }
0xc1: {  	[dreg:$0x0] =	wrdreg $0xFFFFFFFF;
	(pc) =	sbr.abs _section_cstart, $3  }
0xc2: {  	[dreg:$0x1] =	wrdreg $0xFFFFFFFF  }
0xc3: {  	_ =	task.clear_ibuf [dreg:s8], $0x2FFFF;
	_ =	strace $0x9FFFFFFF  }
0xc4: {  	(tm) =	ssettm $0x7FFFFFFF  }
0xc5: {  	_ =	shalt  }
tec
execute0_lowered:
.L_overlay_start_1:
0x0: {  	(tag) =	ssettag $0x1  }
0x1: {  	s1 =	rddreg [dreg:$0x0]  }
0x2: {  	s8 =	rddreg [dreg:$0x1]  }
0x3: {  	s2 =	rddreg [dreg:$0x2];
	s4 =	simm.s32 $0x0;
	s0 =	srdreg.scid  }
0x4: {  	s26 =	stileid.u32;
	v1 =	vimm.s32 $0xBA98FEDC;
	s18 =	simm.s32 $0x80;
	s19 =	simm.s32 $0x3280  }
0x5: {  	v2 =	vimm.s32 $0x32107654;
	s20 =	simm.s32 $0x6480;
	s21 =	simm.s32 $0x9680;
	s22 =	simm.s32 $0xC880  }
0x6: {  	v6 =	vimm.s32 $0x76543210;
	s23 =	simm.s32 $0x1;
	s24 =	simm.s32 $0x2;
	s25 =	simm.s32 $0x3;
	v4 =	vunpack.c.l.s4.s8 v1;
	v5 =	vunpack.c.l.s4.s8 v2  }
0x7: {  	v0 =	vlaneseq.u32;
	v7 =	vimm.s32 $0xFEDCBA98;
	v10 =	vimm.s32 $0x67452301;
	s28 =	simm.s32 $0x5;
	s31 =	simm.s32 $0x0;
	[smem:$0x7FF] =	sst s4  }
0x8: {  	s5 =	sadd.s32 $0x800, s8;
	s6 =	sand.u32 $0x1, s0;
	s3 =	sshrl.u32 s26, $0x3;
	v7 =	vunpack.c.l.s4.s8 v7;
	v4 =	vunpack.c.0.s8.s32 v4;
	v5 =	vunpack.c.0.s8.s32 v5  }
0x9: {  	v8 =	vimm.s32 $0xDCFE98BA;
	s12 =	sand.u32 $0x7, s26;
	s9 =	sshll.u32 s26, $0x4;
	v3 =	vor.u32 $0x3200, v0;
	s15 =	sadd.s32 $0x1800, s8;
	v10 =	vunpack.c.l.s4.s8 v10  }
0xa: {  	v6 =	vunpack.c.l.s4.s8 v6;
	p1 =	sgt.u32 s26, $0x7;
	s26 =	simm.s32 $0x4;
	_ =	strace $0x80000047;
	v7 =	vunpack.c.0.s8.s32 v7;
	v9 =	vcombine.low v5, v4  }
0xb: {  	s7 =	sshll.u32 s6, $0x3;
	s29 =	smul.u32 $0xBE80, s3;
	s13 =	sshll.u32 s6, $0x7;
	v4 =	vunpack.c.l.s4.s8 v8;
	v5 =	vimm.s32 $0x54761032;
	v8 =	vimm.s32 $0xEFCDAB89  }
0xc: {  	s30 =	ssub.s32 $0x2, s6;
	p0 =	seq.s32 s3, $0x0;
	s11 =	sor.u32 s12, s7;
	v10 =	vunpack.c.0.s8.s32 v10;
	v5 =	vunpack.c.l.s4.s8 v5;
	v8 =	vunpack.c.l.s4.s8 v8  }
0xd: {  	s14 =	sadd.s32 s9, s13;
	s10 =	sshrl.u32 s30, $0x1;
	s7 =	smul.u32 $0x5F400, s3;
	v6 =	vunpack.c.0.s8.s32 v6;
	v1 =	vmov s11;
	v7 =	vand.u32 $0xF, v7  }
0xe: {  	s12 =	sshll.u32 s12, $0x4;
	s13 =	sadd.s32 s15, s13;
	s6 =	smul.u32 $0x187000, s11;
	v4 =	vunpack.c.0.s8.s32 v4;
	v5 =	vunpack.c.0.s8.s32 v5;
	v8 =	vunpack.c.0.s8.s32 v8  }
0xf: {  	v2 =	vor.u32 s29, v0;
	v3 =	vadd.s32 s29, v3;
	s16 =	sadd.s32 s14, s8;
	s17 =	ssub.s32 s30, s10;
	s11 =	sshll.u32 s11, $0xB;
	v6 =	vcombine.low v7, v6  }
0x10: {  	s12 =	sadd.s32 s12, s13;
	s13 =	sadd.s32 s15, s14;
	s8 =	sadd.s32 $0x19000, s7;
	v11 =	vcombine.low v5, v4;
	v4 =	vor.u32 $0x6400, v0;
	v10 =	vcombine.low v10, v8  }
0x11: {  	s9 =	sadd.s32 $0x32000, s7;
	s10 =	sadd.s32 $0x4B000, s7;
	s14 =	sadd.s32 $0x1A00, s16;
	v7 =	vand.u32 $0xF, v9;
	v5 =	vor.u32 $0x9600, v0;
	v4 =	vadd.s32 s29, v4  }
0x12: {  	s15 =	smax.u32 s17, $0x1;
	s16 =	simm.s32 $0x6;
	s17 =	simm.s32 $0x400;
	v5 =	vadd.s32 s29, v5;
	v8 =	vand.u32 $0xF, v11;
	v9 =	vand.u32 $0xF, v10  }
.LBB2_1:
0x13: {  	[tilespmem:s4], [sflag:$0x6] =	stream.linear.gather [hbm4b:s2+s4], $0x80, $0x38;
	[tilespmem:$0xCA80] =	vst v63  }
0x14: {  	_ =	swait.ge [sflag:s16], $0x80  }
0x15: {  	[sflag:s16] =	ssyncset.done $0x0  }
0x16: {  	[sflag:s16] =	ssyncadd.s32 $0xFFFFFF80  }
0x17: {  	v10 =	vld.idx.msk [tilespmem:v1+s4+$0x0], $0xffff;
	_ =	sdelay $0x4  }
0x18: {  	(v2sf) =	vpush v10, $0x0;
	_ =	sdelay $0xe  }
0x19: {  	s0 =	spop (v2sf)  }
0x1a: {  	s0 =	sadd.s32 $0xFFFFFFFF, s0  }
0x1b: {  	s3 =	sshrl.u32 s0, $0x3  }
0x1c: {  	s29 =	smul.u32 $0xC3800, s3;
	_ =	sdelay $0x1  }
0x1d: {  	s0 =	sshll.u32 s0, $0x7;
	s29 =	sadd.s32 s6, s29  }
0x1e: {  	s0 =	sand.u32 $0x380, s0;
	s30 =	sadd.s32 s7, s29  }
0x1f: {  	s30 =	sor.u32 s0, s30  }
0x20: {  	s30 =	sshrl.u32 s30, $0x3  }
0x21: {  	s30 =	sadd.s32 s1, s30  }
0x22: {  	[tilespmem:s18], [sflag:$0x1] =	stream.strided.gather [hbm4b:s30+s18], $0x3200, s17, s18, $0x38;
	[tilespmem:$0xCA80] =	vst v63  }
0x23: {  	s30 =	sadd.s32 s8, s29  }
0x24: {  	s30 =	sor.u32 s0, s30  }
0x25: {  	s30 =	sshrl.u32 s30, $0x3  }
0x26: {  	s30 =	sadd.s32 s1, s30  }
0x27: {  	[tilespmem:s19], [sflag:$0x2] =	stream.strided.gather [hbm4b:s30+s18], $0x3200, s17, s18, $0x38;
	[tilespmem:$0xCA80] =	vst v63  }
0x28: {  	s30 =	sadd.s32 s9, s29  }
0x29: {  	s3 =	sshll.u32 s3, $0xA;
	s29 =	sadd.s32 s10, s29;
	s30 =	sor.u32 s0, s30  }
0x2a: {  	s3 =	sadd.s32 s11, s3;
	s29 =	sor.u32 s0, s29;
	s30 =	sshrl.u32 s30, $0x3  }
0x2b: {  	s0 =	sor.u32 s0, s3;
	s29 =	sshrl.u32 s29, $0x3;
	s30 =	sadd.s32 s1, s30  }
0x2c: {  	[tilespmem:s20], [sflag:$0x3] =	stream.strided.gather [hbm4b:s30+s18], $0x3200, s17, s18, $0x38;
	[tilespmem:$0xCA80] =	vst v63  }
0x2d: {  	s0 =	sshrl.u32 s0, $0x3;
	s29 =	sadd.s32 s1, s29  }
0x2e: {  	[tilespmem:s21], [sflag:$0x4] =	stream.strided.gather [hbm4b:s29+s18], $0x3200, s17, s18, $0x38;
	[tilespmem:$0xCA80] =	vst v63  }
0x2f: {  	s0 =	sadd.s32 s5, s0  }
0x30: {  	[tilespmem:s22], [sflag:$0x5] =	stream.linear.gather [hbm4b:s0+s4], $0x80, $0x38;
	[tilespmem:$0xCA80] =	vst v63  }
0x31: {  	_ =	swait.ge [sflag:s23], $0x3200  }
0x32: {  	[sflag:s23] =	ssyncset.done $0x0  }
0x33: {  	s30 =	simm.s32 $0x180;
	[sflag:s23] =	ssyncadd.s32 $0xFFFFCE00  }
0x34: {  	v22 =	vimm.f32 $-Inf;
	v17 =	vld [tilespmem:s30+$0xFFFFFF00]  }
0x35: {  	v23 =	vimm.s32 $0x0;
	v21 =	vadd.s32 $0x1C0, v2;
	v13 =	vadd.s32 $0x200, v2  }
0x36: {  	v11 =	vadd.s32 $0x1E0, v2;
	v12 =	vadd.s32 $0x1F0, v2;
	v24 =	vadd.s32 $0x180, v2;
	v19 =	vld [tilespmem:s30+$0xFFFFFF40]  }
0x37: {  	v14 =	vadd.s32 $0x190, v2;
	v15 =	vadd.s32 $0x1A0, v2;
	v25 =	vadd.s32 $0x140, v2  }
0x38: {  	v16 =	vadd.s32 $0x1B0, v2;
	v29 =	vadd.s32 $0x40, v2;
	v18 =	vadd.s32 $0x160, v2;
	v20 =	vld [tilespmem:s30+$0xFFFFFF80]  }
0x39: {  	v31 =	vadd.s32 $0x80, v2;
	v32 =	vadd.s32 $0x100, v2;
	vm0 =	vgt.f32 v17, v22  }
0x3a: {  	v34 =	vadd.s32 $0xC0, v2;
	v35 =	vadd.s32 $0x120, v2;
	v28 =	vld [tilespmem:s30+$0xFFFFFFC0];
	v26 =	vsel vm0, v17, v22  }
0x3b: {  	v37 =	vadd.s32 $0xD0, v2;
	v30 =	vld [tilespmem:s30+$0xC0];
	v27 =	vsel vm0, v2, v23;
	vm0 =	vgt.f32 v19, v26  }
0x3c: {  	v38 =	vadd.s32 $0xE0, v2;
	v26 =	vsel vm0, v19, v26;
	v27 =	vsel vm0, v29, v27;
	v29 =	vld [tilespmem:s30+$0x0]  }
0x3d: {  	v40 =	vadd.s32 $0xF0, v2;
	v41 =	vadd.s32 $0xA0, v2;
	v42 =	vld [tilespmem:s30+$0xFFFFFF30];
	vm0 =	vgt.f32 v20, v26  }
0x3e: {  	v43 =	vadd.s32 $0xB0, v2;
	v44 =	vadd.s32 $0x60, v2;
	v33 =	vld [tilespmem:s30+$0x40];
	v20 =	vsel vm0, v20, v26  }
0x3f: {  	v46 =	vadd.s32 $0x70, v2;
	v58 =	vld [tilespmem:s30+$0x80];
	v26 =	vsel vm0, v31, v27;
	vm0 =	vgt.f32 v28, v20  }
0x40: {  	v61 =	vadd.s32 $0x20, v2;
	v48 =	vadd.s32 $0x30, v2;
	v36 =	vld [tilespmem:s30+$0xFFFFFF90];
	v20 =	vsel vm0, v28, v20  }
0x41: {  	v10 =	vadd.s32 $0x1D0, v2;
	v59 =	vld [tilespmem:s30+$0xFFFFFF50];
	v26 =	vsel vm0, v34, v26;
	vm0 =	vgt.f32 v29, v20  }
0x42: {  	vm5 =	vgt.f32 v42, v22;
	v17 =	vadd.s32 $0x150, v2;
	v20 =	vsel vm0, v29, v20;
	v29 =	vld [tilespmem:s30+$0xFFFFFF20]  }
0x43: {  	v39 =	vld [tilespmem:s30+$0xFFFFFF10];
	v19 =	vadd.s32 $0x170, v2;
	v26 =	vsel vm0, v32, v26;
	vm0 =	vgt.f32 v33, v20  }
0x44: {  	v60 =	vld [tilespmem:s30+$0xFFFFFF60];
	v27 =	vadd.s32 $0x110, v2;
	v28 =	vadd.s32 $0x130, v2;
	v20 =	vsel vm0, v33, v20  }
0x45: {  	v45 =	vld [tilespmem:s30+$0xFFFFFF70];
	v32 =	vadd.s32 $0x90, v2;
	v25 =	vsel vm0, v25, v26;
	vm0 =	vgt.f32 v58, v20  }
0x46: {  	v47 =	vld [tilespmem:s30+$0xFFFFFFA0];
	v26 =	vadd.s32 $0x50, v2;
	v20 =	vsel vm0, v58, v20;
	v24 =	vsel vm0, v24, v25  }
0x47: {  	v49 =	vld [tilespmem:s30+$0xFFFFFFB0];
	v25 =	vadd.s32 $0x10, v2;
	vm0 =	vgt.f32 v30, v20;
	vm4 =	vgt.f32 v29, v22  }
0x48: {  	v62 =	vld [tilespmem:s30+$0xFFFFFFE0];
	v20 =	vsel vm0, v30, v20;
	v21 =	vsel vm0, v21, v24;
	vm0 =	vgt.f32 v39, v22  }
0x49: {  	v63 =	vld [tilespmem:s30+$0xFFFFFFF0];
	v29 =	vsel vm4, v29, v22;
	v31 =	vsel vm4, v61, v23;
	v39 =	vsel vm0, v39, v22  }
0x4a: {  	v50 =	vld [tilespmem:s30+$0x10];
	v22 =	vsel vm5, v42, v22;
	vm7 =	vgt.f32 v60, v29;
	v25 =	vsel vm0, v25, v23  }
0x4b: {  	v52 =	vld [tilespmem:s30+$0x20];
	v23 =	vsel vm5, v48, v23;
	vm6 =	vgt.f32 v59, v39;
	vm8 =	vgt.f32 v45, v22  }
0x4c: {  	v24 =	vld [tilespmem:s30+$0xFFFFFFD0];
	v29 =	vsel vm7, v60, v29;
	v34 =	vsel vm6, v59, v39;
	v22 =	vsel vm8, v45, v22  }
0x4d: {  	v53 =	vld [tilespmem:s30+$0x30];
	vm2 =	vgt.f32 v47, v29;
	v25 =	vsel vm6, v26, v25;
	v26 =	vsel vm7, v44, v31  }
0x4e: {  	v54 =	vld [tilespmem:s30+$0x50];
	v23 =	vsel vm8, v46, v23;
	vm9 =	vgt.f32 v36, v34;
	vm1 =	vgt.f32 v49, v22  }
0x4f: {  	v55 =	vld [tilespmem:s30+$0x60];
	v29 =	vsel vm2, v47, v29;
	v26 =	vsel vm2, v41, v26;
	v34 =	vsel vm9, v36, v34  }
0x50: {  	v56 =	vld [tilespmem:s30+$0x70];
	v22 =	vsel vm1, v49, v22;
	vm4 =	vgt.f32 v62, v29;
	v25 =	vsel vm9, v32, v25  }
0x51: {  	v57 =	vld [tilespmem:s30+$0x90];
	v23 =	vsel vm1, v43, v23;
	vm3 =	vgt.f32 v24, v34;
	vm5 =	vgt.f32 v63, v22  }
0x52: {  	v58 =	vld [tilespmem:s30+$0xA0];
	v29 =	vsel vm4, v62, v29;
	v26 =	vsel vm4, v38, v26;
	v24 =	vsel vm3, v24, v34  }
0x53: {  	v61 =	vld [tilespmem:s30+$0xE0];
	v22 =	vsel vm5, v63, v22;
	vm11 =	vgt.f32 v52, v29;
	v25 =	vsel vm3, v37, v25  }
0x54: {  	v59 =	vld [tilespmem:s30+$0xB0];
	v23 =	vsel vm5, v40, v23;
	vm10 =	vgt.f32 v50, v24;
	vm14 =	vgt.f32 v53, v22  }
0x55: {  	v60 =	vld [tilespmem:s30+$0xD0];
	v29 =	vsel vm11, v52, v29;
	v24 =	vsel vm10, v50, v24;
	v22 =	vsel vm14, v53, v22  }
0x56: {  	v62 =	vld [tilespmem:s30+$0xF0];
	vm2 =	vgt.f32 v55, v29;
	v25 =	vsel vm10, v27, v25;
	v27 =	vsel vm11, v35, v26  }
0x57: {  	v26 =	vsel vm14, v28, v23;
	vm0 =	vgt.f32 v54, v24;
	vm1 =	vgt.f32 v56, v22  }
0x58: {  	v29 =	vsel vm2, v55, v29;
	v24 =	vsel vm0, v54, v24;
	v22 =	vsel vm1, v56, v22  }
0x59: {  	vm7 =	vgt.f32 v58, v29;
	vm6 =	vgt.f32 v57, v24;
	vm8 =	vgt.f32 v59, v22  }
0x5a: {  	v29 =	vsel vm7, v58, v29;
	v24 =	vsel vm6, v57, v24;
	v63 =	vsel vm8, v59, v22  }
0x5b: {  	vm13 =	vgt.f32 v61, v29;
	vm12 =	vgt.f32 v60, v24;
	vm14 =	vgt.f32 v62, v63  }
0x5c: {  	s3 =	simm.s32 $0x380;
	s0 =	simm.s32 $0x0;
	v23 =	vsel vm13, v61, v29;
	v22 =	vsel vm12, v60, v24;
	v24 =	vsel vm14, v62, v63  }
.LBB2_2:
0x5d: {  	v29 =	vld [tilespmem:s3+$0xFFFFFF00]  }
0x5e: {  	v19 =	vsel vm1, v19, v26  }
0x5f: {  	v16 =	vsel vm8, v16, v19;
	v19 =	vld [tilespmem:s3+$0xFFFFFF40];
	_ =	sdelay $0x1  }
0x60: {  	v31 =	vld [tilespmem:s3+$0xFFFFFF80]  }
0x61: {  	v17 =	vsel vm0, v17, v25;
	vm0 =	vgt.f32 v29, v20  }
0x62: {  	v34 =	vmov v13;
	v32 =	vld [tilespmem:s3+$0xFFFFFFC0];
	v20 =	vsel vm0, v29, v20  }
0x63: {  	v21 =	vsel vm0, v34, v21;
	vm0 =	vgt.f32 v19, v20  }
0x64: {  	v40 =	vld [tilespmem:s3+$0x0];
	v29 =	vadd.s32 $0x40, v34;
	v20 =	vsel vm0, v19, v20  }
0x65: {  	v21 =	vsel vm0, v29, v21;
	vm0 =	vgt.f32 v31, v20  }
0x66: {  	v39 =	vld [tilespmem:s3+$0x40];
	v29 =	vadd.s32 $0x80, v34;
	v20 =	vsel vm0, v31, v20  }
0x67: {  	v21 =	vsel vm0, v29, v21;
	vm0 =	vgt.f32 v32, v20  }
0x68: {  	v36 =	vld [tilespmem:s3+$0x80];
	v44 =	vadd.s32 $0xC0, v34;
	v20 =	vsel vm0, v32, v20  }
0x69: {  	v21 =	vsel vm0, v44, v21;
	vm0 =	vgt.f32 v40, v20  }
0x6a: {  	v33 =	vld [tilespmem:s3+$0xC0];
	v41 =	vadd.s32 $0x100, v34;
	v20 =	vsel vm0, v40, v20  }
0x6b: {  	v49 =	vld [tilespmem:s3+$0xFFFFFF10];
	v21 =	vsel vm0, v41, v21;
	vm0 =	vgt.f32 v39, v20  }
0x6c: {  	v38 =	vadd.s32 $0x140, v34;
	v20 =	vsel vm0, v39, v20  }
0x6d: {  	v44 =	vld [tilespmem:s3+$0xFFFFFF50];
	v21 =	vsel vm0, v38, v21;
	vm0 =	vgt.f32 v36, v20  }
0x6e: {  	v37 =	vadd.s32 $0x180, v34;
	v20 =	vsel vm0, v36, v20  }
0x6f: {  	v46 =	vld [tilespmem:s3+$0xFFFFFF90];
	v35 =	vadd.s32 $0x1C0, v34;
	v21 =	vsel vm0, v37, v21;
	vm0 =	vgt.f32 v33, v20  }
0x70: {  	v20 =	vsel vm0, v33, v20;
	v21 =	vsel vm0, v35, v21;
	vm0 =	vgt.f32 v49, v22  }
0x71: {  	v45 =	vld [tilespmem:s3+$0xFFFFFFD0];
	v62 =	vimm.s32 $0x0;
	v22 =	vsel vm0, v49, v22  }
0x72: {  	v43 =	vld [tilespmem:s3+$0x10];
	v33 =	vsel vm0, $0xFFFFFFFF, v62;
	vm0 =	vgt.f32 v44, v22  }
0x73: {  	v61 =	vld [tilespmem:s3+$0xFFFFFF20];
	v60 =	vimm.s32 $0x0;
	v22 =	vsel vm0, v44, v22  }
0x74: {  	v40 =	vsel vm0, $0xFFFFFFFF, v60;
	vm0 =	vgt.f32 v46, v22  }
0x75: {  	v42 =	vld [tilespmem:s3+$0x50];
	v22 =	vsel vm0, v46, v22  }
0x76: {  	vm9 =	vgt.f32 v45, v22  }
0x77: {  	v30 =	vld [tilespmem:s3+$0x90];
	v22 =	vsel vm9, v45, v22  }
0x78: {  	v63 =	vimm.s32 $0x0;
	vm1 =	vgt.f32 v61, v23;
	vm3 =	vgt.f32 v43, v22  }
0x79: {  	v28 =	vld [tilespmem:s3+$0xD0];
	[tilespmem:$0x1FF70] =	vst v33;
	v33 =	vsel vm1, $0xFFFFFFFF, v63;
	v63 =	vimm.s32 $0x0;
	v22 =	vsel vm3, v43, v22  }
0x7a: {  	v44 =	vsel vm0, $0xFFFFFFFF, v63;
	vm0 =	vgt.f32 v42, v22  }
0x7b: {  	v22 =	vsel vm0, v42, v22  }
0x7c: {  	v14 =	vsel vm6, v14, v17;
	vm6 =	vgt.f32 v30, v22  }
0x7d: {  	v22 =	vsel vm6, v30, v22  }
0x7e: {  	v25 =	vsel vm12, v10, v14;
	vm12 =	vgt.f32 v28, v22  }
0x7f: {  	v22 =	vsel vm12, v28, v22;
	v28 =	vld [tilespmem:$0x1FF70];
	_ =	sdelay $0x1  }
0x80: {  	v52 =	vld [tilespmem:s3+$0xFFFFFF30];
	_ =	sdelay $0x1  }
0x81: {  	[tilespmem:$0x1FF80] =	vst v33  }
0x82: {  	vm15 =	vnez.u8 v28;
	v28 =	vld [tilespmem:$0x1FF80];
	_ =	sdelay $0x1  }
0x83: {  	v18 =	vsel vm2, v18, v27;
	v59 =	vimm.s32 $0x0;
	vm2 =	vgt.f32 v52, v24  }
0x84: {  	v15 =	vsel vm7, v15, v18;
	v17 =	vadd.s32 $0x150, v34;
	v33 =	vsel vm2, $0xFFFFFFFF, v59  }
0x85: {  	v18 =	vadd.s32 $0x160, v34;
	v47 =	vadd.s32 $0xD0, v34;
	v36 =	vadd.s32 $0x10, v34;
	[tilespmem:$0x1FF90] =	vst v33  }
0x86: {  	v48 =	vadd.s32 $0xE0, v34;
	v25 =	vsel vm15, v36, v25;
	vm15 =	vnez.u8 v28;
	v28 =	vld [tilespmem:$0x1FF90]  }
0x87: {  	v50 =	vadd.s32 $0xF0, v34;
	v51 =	vadd.s32 $0xA0, v34;
	v53 =	vadd.s32 $0xB0, v34  }
0x88: {  	v54 =	vadd.s32 $0x60, v34;
	v56 =	vadd.s32 $0x70, v34;
	v26 =	vsel vm13, v11, v15;
	v39 =	vld [tilespmem:s3+$0xFFFFFF60]  }
0x89: {  	v27 =	vsel vm14, v12, v16;
	v10 =	vadd.s32 $0x1D0, v34;
	v11 =	vadd.s32 $0x1E0, v34  }
0x8a: {  	v12 =	vadd.s32 $0x1F0, v34;
	v14 =	vadd.s32 $0x190, v34;
	v37 =	vadd.s32 $0x20, v34;
	[tilespmem:$0x1FFA0] =	vst v40  }
0x8b: {  	v15 =	vadd.s32 $0x1A0, v34;
	v26 =	vsel vm15, v37, v26;
	vm15 =	vnez.u8 v28;
	v28 =	vld [tilespmem:$0x1FFA0]  }
0x8c: {  	v16 =	vadd.s32 $0x1B0, v34;
	v23 =	vsel vm1, v61, v23;
	v61 =	vimm.s32 $0x0  }
0x8d: {  	v55 =	vld [tilespmem:s3+$0xFFFFFF70];
	v19 =	vadd.s32 $0x170, v34;
	v29 =	vadd.s32 $0x110, v34;
	vm1 =	vgt.f32 v39, v23  }
0x8e: {  	v31 =	vadd.s32 $0x120, v34;
	v32 =	vadd.s32 $0x130, v34;
	v40 =	vsel vm1, $0xFFFFFFFF, v61  }
0x8f: {  	v41 =	vadd.s32 $0x90, v34;
	v38 =	vadd.s32 $0x50, v34;
	v34 =	vadd.s32 $0x30, v34;
	[tilespmem:$0x1FFB0] =	vst v40  }
0x90: {  	v27 =	vsel vm15, v34, v27;
	vm15 =	vnez.u8 v28;
	v28 =	vld [tilespmem:$0x1FFB0]  }
0x91: {  	v24 =	vsel vm2, v52, v24  }
0x92: {  	v62 =	vimm.s32 $0x0;
	vm2 =	vgt.f32 v55, v24  }
0x93: {  	v40 =	vsel vm2, $0xFFFFFFFF, v62  }
0x94: {  	[tilespmem:$0x1FFC0] =	vst v40  }
0x95: {  	v25 =	vsel vm15, v38, v25;
	vm15 =	vnez.u8 v28;
	v28 =	vld [tilespmem:$0x1FFC0]  }
0x96: {  	v57 =	vld [tilespmem:s3+$0xFFFFFFA0]  }
0x97: {  	v58 =	vld [tilespmem:s3+$0xFFFFFFB0]  }
0x98: {  	v35 =	vld [tilespmem:s3+$0xFFFFFFF0]  }
0x99: {  	v23 =	vsel vm1, v39, v23;
	v39 =	vld [tilespmem:s3+$0x30];
	[tilespmem:$0x1FFD0] =	vst v44  }
0x9a: {  	v26 =	vsel vm15, v54, v26;
	vm15 =	vnez.u8 v28;
	v28 =	vld [tilespmem:$0x1FFD0]  }
0x9b: {  	v59 =	vld [tilespmem:s3+$0x70]  }
0x9c: {  	v49 =	vimm.s32 $0x0;
	v33 =	vld [tilespmem:s3+$0xFFFFFFE0];
	v24 =	vsel vm2, v55, v24;
	vm1 =	vgt.f32 v57, v23  }
0x9d: {  	v60 =	vld [tilespmem:s3+$0xA0];
	vm2 =	vgt.f32 v58, v24;
	v44 =	vsel vm1, $0xFFFFFFFF, v49  }
0x9e: {  	v40 =	vld [tilespmem:s3+$0x20];
	v24 =	vsel vm2, v58, v24;
	[tilespmem:$0x1FFE0] =	vst v44  }
0x9f: {  	vm11 =	vgt.f32 v35, v24;
	v27 =	vsel vm15, v56, v27;
	vm15 =	vnez.u8 v28;
	v28 =	vld [tilespmem:$0x1FFE0]  }
0xa0: {  	v55 =	vld [tilespmem:s3+$0x60];
	v23 =	vsel vm1, v57, v23;
	v24 =	vsel vm11, v35, v24  }
0xa1: {  	v52 =	vimm.s32 $0x0;
	v61 =	vld [tilespmem:s3+$0xB0];
	vm10 =	vgt.f32 v33, v23;
	vm5 =	vgt.f32 v39, v24  }
0xa2: {  	v62 =	vld [tilespmem:s3+$0xE0];
	v44 =	vsel vm2, $0xFFFFFFFF, v52;
	v23 =	vsel vm10, v33, v23;
	v24 =	vsel vm5, v39, v24  }
0xa3: {  	v63 =	vld [tilespmem:s3+$0xF0];
	[tilespmem:$0x1FFF0] =	vst v44;
	vm4 =	vgt.f32 v40, v23;
	vm1 =	vgt.f32 v59, v24  }
0xa4: {  	v23 =	vsel vm4, v40, v23;
	v25 =	vsel vm15, v41, v25;
	vm15 =	vnez.u8 v28;
	v28 =	vld [tilespmem:$0x1FFF0]  }
0xa5: {  	v24 =	vsel vm1, v59, v24;
	vm2 =	vgt.f32 v55, v23  }
0xa6: {  	s0 =	sadd.s32 $0x8, s0;
	vm8 =	vgt.f32 v61, v24;
	v23 =	vsel vm2, v55, v23  }
0xa7: {  	p2 =	slt.u32 s0, $0xC0;
	v24 =	vsel vm8, v61, v24;
	vm7 =	vgt.f32 v60, v23  }
.Ltmp0:
0xa8: {  	v13 =	vadd.s32 $0x200, v13;
	vm14 =	vgt.f32 v63, v24;
	v23 =	vsel vm7, v60, v23;
	(pc) =	sbr.rel @p2 .LBB2_2-.Ltmp0, $4  }
0xa9: {  	vm13 =	vgt.f32 v62, v23;
	v26 =	vsel vm15, v51, v26;
	vm15 =	vnez.u8 v28  }
0xaa: {  	v24 =	vsel vm14, v63, v24;
	v23 =	vsel vm13, v62, v23;
	v27 =	vsel vm15, v53, v27  }
0xab: {  	v25 =	vsel vm9, v47, v25;
	v26 =	vsel vm10, v48, v26;
	v28 =	vsel vm11, v50, v27  }
0xac: {  	s3 =	sadd.s32 $0x200, s3;
	v25 =	vsel vm3, v29, v25;
	v27 =	vsel vm4, v31, v26;
	v26 =	vsel vm5, v32, v28  }
0xad: {  	v13 =	vsel vm0, v17, v25;
	v17 =	vsel vm2, v18, v27  }
0xae: {  	v18 =	vsel vm1, v19, v26;
	v28 =	vadd.s32 $0x1C0, v3;
	v30 =	vadd.s32 $0x180, v3  }
0xaf: {  	_ =	swait.ge [sflag:s24], $0x3200;
	v31 =	vadd.s32 $0x140, v3;
	v33 =	vadd.s32 $0x40, v3;
	v35 =	vadd.s32 $0x80, v3  }
0xb0: {  	v36 =	vadd.s32 $0x100, v3;
	v38 =	vadd.s32 $0xC0, v3;
	v39 =	vadd.s32 $0x120, v3;
	[sflag:s24] =	ssyncset.done $0x0  }
0xb1: {  	s0 =	simm.s32 $0x3380;
	v41 =	vadd.s32 $0xD0, v3;
	v42 =	vadd.s32 $0xE0, v3;
	v44 =	vadd.s32 $0xF0, v3;
	[sflag:s24] =	ssyncadd.s32 $0xFFFFCE00  }
0xb2: {  	v45 =	vadd.s32 $0xA0, v3;
	v13 =	vsel vm6, v14, v13;
	v14 =	vsel vm7, v15, v17;
	v17 =	vld [tilespmem:s0+$0xFFFFFF00]  }
0xb3: {  	v47 =	vadd.s32 $0xB0, v3;
	v58 =	vadd.s32 $0x50, v3;
	v48 =	vadd.s32 $0x60, v3;
	v19 =	vld [tilespmem:s0+$0xFFFFFF40]  }
0xb4: {  	v50 =	vadd.s32 $0x70, v3;
	v60 =	vadd.s32 $0x10, v3;
	v61 =	vadd.s32 $0x20, v3;
	v57 =	vld [tilespmem:s0+$0xFFFFFF20]  }
0xb5: {  	v52 =	vadd.s32 $0x30, v3;
	v15 =	vsel vm8, v16, v18;
	v16 =	vadd.s32 $0x1B0, v3;
	v46 =	vld [tilespmem:s0+$0xFFFFFF30]  }
0xb6: {  	v18 =	vadd.s32 $0x160, v3;
	v25 =	vsel vm12, v10, v13;
	v26 =	vsel vm13, v11, v14;
	v29 =	vld [tilespmem:s0+$0xFFFFFF80]  }
0xb7: {  	v27 =	vsel vm14, v12, v15;
	v13 =	vadd.s32 $0x200, v3;
	v10 =	vadd.s32 $0x1D0, v3;
	v32 =	vld [tilespmem:s0+$0xFFFFFFC0]  }
0xb8: {  	v11 =	vadd.s32 $0x1E0, v3;
	v12 =	vadd.s32 $0x1F0, v3;
	v14 =	vadd.s32 $0x190, v3;
	v59 =	vld [tilespmem:s0+$0xFFFFFF60]  }
0xb9: {  	v15 =	vadd.s32 $0x1A0, v3;
	v49 =	vld [tilespmem:s0+$0xFFFFFF70];
	vm0 =	vgt.f32 v17, v20;
	vm4 =	vgt.f32 v57, v23  }
0xba: {  	v54 =	vld [tilespmem:s0+$0x0];
	vm5 =	vgt.f32 v46, v24;
	v20 =	vsel vm0, v17, v20;
	v21 =	vsel vm0, v3, v21  }
0xbb: {  	v34 =	vld [tilespmem:s0+$0xC0];
	v17 =	vadd.s32 $0x150, v3;
	v23 =	vsel vm4, v57, v23;
	vm0 =	vgt.f32 v19, v20  }
0xbc: {  	v37 =	vld [tilespmem:s0+$0x40];
	v24 =	vsel vm5, v46, v24;
	v26 =	vsel vm4, v61, v26;
	v20 =	vsel vm0, v19, v20  }
0xbd: {  	v51 =	vld [tilespmem:s0+$0xFFFFFFA0];
	v27 =	vsel vm5, v52, v27;
	v21 =	vsel vm0, v33, v21;
	vm0 =	vgt.f32 v29, v20  }
0xbe: {  	v53 =	vld [tilespmem:s0+$0xFFFFFFB0];
	vm7 =	vgt.f32 v59, v23;
	vm8 =	vgt.f32 v49, v24;
	v20 =	vsel vm0, v29, v20  }
0xbf: {  	v55 =	vld [tilespmem:s0+$0x80];
	v19 =	vadd.s32 $0x170, v3;
	v21 =	vsel vm0, v35, v21;
	vm0 =	vgt.f32 v32, v20  }
0xc0: {  	v40 =	vld [tilespmem:s0+$0xFFFFFF90];
	v23 =	vsel vm7, v59, v23;
	v24 =	vsel vm8, v49, v24;
	v20 =	vsel vm0, v32, v20  }
0xc1: {  	v56 =	vld [tilespmem:s0+$0xFFFFFF50];
	v26 =	vsel vm7, v48, v26;
	v21 =	vsel vm0, v38, v21;
	vm0 =	vgt.f32 v54, v20  }
0xc2: {  	v62 =	vld [tilespmem:s0+$0xFFFFFFE0];
	v27 =	vsel vm8, v50, v27;
	vm2 =	vgt.f32 v51, v23;
	v20 =	vsel vm0, v54, v20  }
0xc3: {  	v43 =	vld [tilespmem:s0+$0xFFFFFF10];
	vm1 =	vgt.f32 v53, v24;
	v21 =	vsel vm0, v36, v21;
	vm0 =	vgt.f32 v37, v20  }
0xc4: {  	v63 =	vld [tilespmem:s0+$0xFFFFFFF0];
	v29 =	vadd.s32 $0x110, v3;
	v23 =	vsel vm2, v51, v23;
	v20 =	vsel vm0, v37, v20  }
0xc5: {  	v46 =	vld [tilespmem:s0+$0x10];
	v24 =	vsel vm1, v53, v24;
	v21 =	vsel vm0, v31, v21;
	vm0 =	vgt.f32 v55, v20  }
0xc6: {  	v57 =	vld [tilespmem:s0+$0x70];
	v26 =	vsel vm2, v45, v26;
	v27 =	vsel vm1, v47, v27;
	v20 =	vsel vm0, v55, v20  }
0xc7: {  	v49 =	vld [tilespmem:s0+$0x20];
	vm4 =	vgt.f32 v62, v23;
	v21 =	vsel vm0, v30, v21;
	vm0 =	vgt.f32 v34, v20  }
0xc8: {  	v54 =	vld [tilespmem:s0+$0x30];
	v20 =	vsel vm0, v34, v20;
	v21 =	vsel vm0, v28, v21;
	vm0 =	vgt.f32 v43, v22  }
0xc9: {  	vm5 =	vgt.f32 v63, v24;
	v32 =	vadd.s32 $0x130, v3;
	v28 =	vld [tilespmem:s0+$0xFFFFFFD0];
	v22 =	vsel vm0, v43, v22  }
0xca: {  	v59 =	vld [tilespmem:s0+$0xB0];
	v23 =	vsel vm4, v62, v23;
	v24 =	vsel vm5, v63, v24;
	vm6 =	vgt.f32 v56, v22  }
0xcb: {  	v62 =	vld [tilespmem:s0+$0xF0];
	v26 =	vsel vm4, v42, v26;
	v63 =	vsel vm5, v44, v27;
	v22 =	vsel vm6, v56, v22  }
0xcc: {  	vm11 =	vgt.f32 v49, v23;
	v36 =	vadd.s32 $0x90, v3;
	v55 =	vld [tilespmem:s0+$0x50];
	vm9 =	vgt.f32 v40, v22  }
0xcd: {  	vm14 =	vgt.f32 v54, v24;
	v25 =	vsel vm0, v60, v25;
	v56 =	vld [tilespmem:s0+$0x60];
	v22 =	vsel vm9, v40, v22  }
0xce: {  	v24 =	vsel vm14, v54, v24;
	v25 =	vsel vm6, v58, v25;
	v58 =	vld [tilespmem:s0+$0xA0];
	vm3 =	vgt.f32 v28, v22  }
0xcf: {  	v23 =	vsel vm11, v49, v23;
	vm1 =	vgt.f32 v57, v24;
	v22 =	vsel vm3, v28, v22;
	v28 =	vld [tilespmem:s0+$0x90]  }
0xd0: {  	v61 =	vld [tilespmem:s0+$0xE0];
	v27 =	vsel vm11, v39, v26;
	v24 =	vsel vm1, v57, v24;
	vm10 =	vgt.f32 v46, v22  }
0xd1: {  	v26 =	vsel vm14, v32, v63;
	v60 =	vld [tilespmem:s0+$0xD0];
	vm8 =	vgt.f32 v59, v24;
	v22 =	vsel vm10, v46, v22  }
0xd2: {  	v24 =	vsel vm8, v59, v24;
	vm2 =	vgt.f32 v56, v23;
	vm0 =	vgt.f32 v55, v22  }
0xd3: {  	v25 =	vsel vm9, v36, v25;
	v23 =	vsel vm2, v56, v23;
	v22 =	vsel vm0, v55, v22  }
0xd4: {  	vm14 =	vgt.f32 v62, v24;
	vm7 =	vgt.f32 v58, v23;
	vm6 =	vgt.f32 v28, v22  }
0xd5: {  	v24 =	vsel vm14, v62, v24;
	v23 =	vsel vm7, v58, v23;
	v22 =	vsel vm6, v28, v22  }
0xd6: {  	v25 =	vsel vm3, v41, v25;
	vm13 =	vgt.f32 v61, v23;
	vm12 =	vgt.f32 v60, v22  }
0xd7: {  	s3 =	simm.s32 $0x3580;
	s0 =	simm.s32 $0x0;
	v25 =	vsel vm10, v29, v25;
	v23 =	vsel vm13, v61, v23;
	v22 =	vsel vm12, v60, v22  }
.LBB2_4:
0xd8: {  	v29 =	vld [tilespmem:s3+$0xFFFFFF00]  }
0xd9: {  	v19 =	vsel vm1, v19, v26  }
0xda: {  	v16 =	vsel vm8, v16, v19;
	v19 =	vld [tilespmem:s3+$0xFFFFFF40];
	_ =	sdelay $0x1  }
0xdb: {  	v31 =	vld [tilespmem:s3+$0xFFFFFF80]  }
0xdc: {  	v17 =	vsel vm0, v17, v25;
	vm0 =	vgt.f32 v29, v20  }
0xdd: {  	v34 =	vmov v13;
	v32 =	vld [tilespmem:s3+$0xFFFFFFC0];
	v20 =	vsel vm0, v29, v20  }
0xde: {  	v21 =	vsel vm0, v34, v21;
	vm0 =	vgt.f32 v19, v20  }
0xdf: {  	v40 =	vld [tilespmem:s3+$0x0];
	v29 =	vadd.s32 $0x40, v34;
	v20 =	vsel vm0, v19, v20  }
0xe0: {  	v21 =	vsel vm0, v29, v21;
	vm0 =	vgt.f32 v31, v20  }
0xe1: {  	v39 =	vld [tilespmem:s3+$0x40];
	v29 =	vadd.s32 $0x80, v34;
	v20 =	vsel vm0, v31, v20  }
0xe2: {  	v21 =	vsel vm0, v29, v21;
	vm0 =	vgt.f32 v32, v20  }
0xe3: {  	v36 =	vld [tilespmem:s3+$0x80];
	v44 =	vadd.s32 $0xC0, v34;
	v20 =	vsel vm0, v32, v20  }
0xe4: {  	v21 =	vsel vm0, v44, v21;
	vm0 =	vgt.f32 v40, v20  }
0xe5: {  	v33 =	vld [tilespmem:s3+$0xC0];
	v41 =	vadd.s32 $0x100, v34;
	v20 =	vsel vm0, v40, v20  }
0xe6: {  	v49 =	vld [tilespmem:s3+$0xFFFFFF10];
	v21 =	vsel vm0, v41, v21;
	vm0 =	vgt.f32 v39, v20  }
0xe7: {  	v38 =	vadd.s32 $0x140, v34;
	v20 =	vsel vm0, v39, v20  }
0xe8: {  	v44 =	vld [tilespmem:s3+$0xFFFFFF50];
	v21 =	vsel vm0, v38, v21;
	vm0 =	vgt.f32 v36, v20  }
0xe9: {  	v37 =	vadd.s32 $0x180, v34;
	v20 =	vsel vm0, v36, v20  }
0xea: {  	v46 =	vld [tilespmem:s3+$0xFFFFFF90];
	v35 =	vadd.s32 $0x1C0, v34;
	v21 =	vsel vm0, v37, v21;
	vm0 =	vgt.f32 v33, v20  }
0xeb: {  	v20 =	vsel vm0, v33, v20;
	v21 =	vsel vm0, v35, v21;
	vm0 =	vgt.f32 v49, v22  }
0xec: {  	v45 =	vld [tilespmem:s3+$0xFFFFFFD0];
	v62 =	vimm.s32 $0x0;
	v22 =	vsel vm0, v49, v22  }
0xed: {  	v43 =	vld [tilespmem:s3+$0x10];
	v33 =	vsel vm0, $0xFFFFFFFF, v62;
	vm0 =	vgt.f32 v44, v22  }
0xee: {  	v61 =	vld [tilespmem:s3+$0xFFFFFF20];
	v60 =	vimm.s32 $0x0;
	v22 =	vsel vm0, v44, v22  }
0xef: {  	v40 =	vsel vm0, $0xFFFFFFFF, v60;
	vm0 =	vgt.f32 v46, v22  }
0xf0: {  	v42 =	vld [tilespmem:s3+$0x50];
	v22 =	vsel vm0, v46, v22  }
0xf1: {  	vm9 =	vgt.f32 v45, v22  }
0xf2: {  	v30 =	vld [tilespmem:s3+$0x90];
	v22 =	vsel vm9, v45, v22  }
0xf3: {  	v63 =	vimm.s32 $0x0;
	vm1 =	vgt.f32 v61, v23;
	vm3 =	vgt.f32 v43, v22  }
0xf4: {  	v28 =	vld [tilespmem:s3+$0xD0];
	[tilespmem:$0x1FEE0] =	vst v33;
	v33 =	vsel vm1, $0xFFFFFFFF, v63;
	v63 =	vimm.s32 $0x0;
	v22 =	vsel vm3, v43, v22  }
0xf5: {  	v44 =	vsel vm0, $0xFFFFFFFF, v63;
	vm0 =	vgt.f32 v42, v22  }
0xf6: {  	v22 =	vsel vm0, v42, v22  }
0xf7: {  	v14 =	vsel vm6, v14, v17;
	vm6 =	vgt.f32 v30, v22  }
0xf8: {  	v22 =	vsel vm6, v30, v22  }
0xf9: {  	v25 =	vsel vm12, v10, v14;
	vm12 =	vgt.f32 v28, v22  }
0xfa: {  	v22 =	vsel vm12, v28, v22;
	v28 =	vld [tilespmem:$0x1FEE0];
	_ =	sdelay $0x1  }
0xfb: {  	v52 =	vld [tilespmem:s3+$0xFFFFFF30];
	_ =	sdelay $0x1  }
0xfc: {  	[tilespmem:$0x1FEF0] =	vst v33  }
0xfd: {  	vm15 =	vnez.u8 v28;
	v28 =	vld [tilespmem:$0x1FEF0];
	_ =	sdelay $0x1  }
0xfe: {  	v18 =	vsel vm2, v18, v27;
	v59 =	vimm.s32 $0x0;
	vm2 =	vgt.f32 v52, v24  }
0xff: {  	v15 =	vsel vm7, v15, v18;
	v17 =	vadd.s32 $0x150, v34;
	v33 =	vsel vm2, $0xFFFFFFFF, v59  }
0x100: {  	v18 =	vadd.s32 $0x160, v34;
	v47 =	vadd.s32 $0xD0, v34;
	v36 =	vadd.s32 $0x10, v34;
	[tilespmem:$0x1FF00] =	vst v33  }
0x101: {  	v48 =	vadd.s32 $0xE0, v34;
	v25 =	vsel vm15, v36, v25;
	vm15 =	vnez.u8 v28;
	v28 =	vld [tilespmem:$0x1FF00]  }
0x102: {  	v50 =	vadd.s32 $0xF0, v34;
	v51 =	vadd.s32 $0xA0, v34;
	v53 =	vadd.s32 $0xB0, v34  }
0x103: {  	v54 =	vadd.s32 $0x60, v34;
	v56 =	vadd.s32 $0x70, v34;
	v26 =	vsel vm13, v11, v15;
	v39 =	vld [tilespmem:s3+$0xFFFFFF60]  }
0x104: {  	v27 =	vsel vm14, v12, v16;
	v10 =	vadd.s32 $0x1D0, v34;
	v11 =	vadd.s32 $0x1E0, v34  }
0x105: {  	v12 =	vadd.s32 $0x1F0, v34;
	v14 =	vadd.s32 $0x190, v34;
	v37 =	vadd.s32 $0x20, v34;
	[tilespmem:$0x1FF10] =	vst v40  }
0x106: {  	v15 =	vadd.s32 $0x1A0, v34;
	v26 =	vsel vm15, v37, v26;
	vm15 =	vnez.u8 v28;
	v28 =	vld [tilespmem:$0x1FF10]  }
0x107: {  	v16 =	vadd.s32 $0x1B0, v34;
	v23 =	vsel vm1, v61, v23;
	v61 =	vimm.s32 $0x0  }
0x108: {  	v55 =	vld [tilespmem:s3+$0xFFFFFF70];
	v19 =	vadd.s32 $0x170, v34;
	v29 =	vadd.s32 $0x110, v34;
	vm1 =	vgt.f32 v39, v23  }
0x109: {  	v31 =	vadd.s32 $0x120, v34;
	v32 =	vadd.s32 $0x130, v34;
	v40 =	vsel vm1, $0xFFFFFFFF, v61  }
0x10a: {  	v41 =	vadd.s32 $0x90, v34;
	v38 =	vadd.s32 $0x50, v34;
	v34 =	vadd.s32 $0x30, v34;
	[tilespmem:$0x1FF20] =	vst v40  }
0x10b: {  	v27 =	vsel vm15, v34, v27;
	vm15 =	vnez.u8 v28;
	v28 =	vld [tilespmem:$0x1FF20]  }
0x10c: {  	v24 =	vsel vm2, v52, v24  }
0x10d: {  	v62 =	vimm.s32 $0x0;
	vm2 =	vgt.f32 v55, v24  }
0x10e: {  	v40 =	vsel vm2, $0xFFFFFFFF, v62  }
0x10f: {  	[tilespmem:$0x1FF30] =	vst v40  }
0x110: {  	v25 =	vsel vm15, v38, v25;
	vm15 =	vnez.u8 v28;
	v28 =	vld [tilespmem:$0x1FF30]  }
0x111: {  	v57 =	vld [tilespmem:s3+$0xFFFFFFA0]  }
0x112: {  	v58 =	vld [tilespmem:s3+$0xFFFFFFB0]  }
0x113: {  	v35 =	vld [tilespmem:s3+$0xFFFFFFF0]  }
0x114: {  	v23 =	vsel vm1, v39, v23;
	v39 =	vld [tilespmem:s3+$0x30];
	[tilespmem:$0x1FF40] =	vst v44  }
0x115: {  	v26 =	vsel vm15, v54, v26;
	vm15 =	vnez.u8 v28;
	v28 =	vld [tilespmem:$0x1FF40]  }
0x116: {  	v59 =	vld [tilespmem:s3+$0x70]  }
0x117: {  	v49 =	vimm.s32 $0x0;
	v33 =	vld [tilespmem:s3+$0xFFFFFFE0];
	v24 =	vsel vm2, v55, v24;
	vm1 =	vgt.f32 v57, v23  }
0x118: {  	v60 =	vld [tilespmem:s3+$0xA0];
	vm2 =	vgt.f32 v58, v24;
	v44 =	vsel vm1, $0xFFFFFFFF, v49  }
0x119: {  	v40 =	vld [tilespmem:s3+$0x20];
	v24 =	vsel vm2, v58, v24;
	[tilespmem:$0x1FF50] =	vst v44  }
0x11a: {  	vm11 =	vgt.f32 v35, v24;
	v27 =	vsel vm15, v56, v27;
	vm15 =	vnez.u8 v28;
	v28 =	vld [tilespmem:$0x1FF50]  }
0x11b: {  	v55 =	vld [tilespmem:s3+$0x60];
	v23 =	vsel vm1, v57, v23;
	v24 =	vsel vm11, v35, v24  }
0x11c: {  	v52 =	vimm.s32 $0x0;
	v61 =	vld [tilespmem:s3+$0xB0];
	vm10 =	vgt.f32 v33, v23;
	vm5 =	vgt.f32 v39, v24  }
0x11d: {  	v62 =	vld [tilespmem:s3+$0xE0];
	v44 =	vsel vm2, $0xFFFFFFFF, v52;
	v23 =	vsel vm10, v33, v23;
	v24 =	vsel vm5, v39, v24  }
0x11e: {  	v63 =	vld [tilespmem:s3+$0xF0];
	[tilespmem:$0x1FF60] =	vst v44;
	vm4 =	vgt.f32 v40, v23;
	vm1 =	vgt.f32 v59, v24  }
0x11f: {  	v23 =	vsel vm4, v40, v23;
	v25 =	vsel vm15, v41, v25;
	vm15 =	vnez.u8 v28;
	v28 =	vld [tilespmem:$0x1FF60]  }
0x120: {  	v24 =	vsel vm1, v59, v24;
	vm2 =	vgt.f32 v55, v23  }
0x121: {  	s0 =	sadd.s32 $0x8, s0;
	vm8 =	vgt.f32 v61, v24;
	v23 =	vsel vm2, v55, v23  }
0x122: {  	p2 =	slt.u32 s0, $0xC0;
	v24 =	vsel vm8, v61, v24;
	vm7 =	vgt.f32 v60, v23  }
.Ltmp1:
0x123: {  	v13 =	vadd.s32 $0x200, v13;
	vm14 =	vgt.f32 v63, v24;
	v23 =	vsel vm7, v60, v23;
	(pc) =	sbr.rel @p2 .LBB2_4-.Ltmp1, $4  }
0x124: {  	vm13 =	vgt.f32 v62, v23;
	v26 =	vsel vm15, v51, v26;
	vm15 =	vnez.u8 v28  }
0x125: {  	v24 =	vsel vm14, v63, v24;
	v23 =	vsel vm13, v62, v23;
	v27 =	vsel vm15, v53, v27  }
0x126: {  	v25 =	vsel vm9, v47, v25;
	v26 =	vsel vm10, v48, v26;
	v28 =	vsel vm11, v50, v27  }
0x127: {  	s3 =	sadd.s32 $0x200, s3;
	v25 =	vsel vm3, v29, v25;
	v27 =	vsel vm4, v31, v26;
	v26 =	vsel vm5, v32, v28  }
0x128: {  	v13 =	vsel vm0, v17, v25;
	v17 =	vsel vm2, v18, v27  }
0x129: {  	v18 =	vsel vm1, v19, v26;
	v28 =	vadd.s32 $0x1C0, v4;
	v30 =	vadd.s32 $0x180, v4  }
0x12a: {  	_ =	swait.ge [sflag:s25], $0x3200;
	v31 =	vadd.s32 $0x140, v4;
	v33 =	vadd.s32 $0x40, v4;
	v35 =	vadd.s32 $0x80, v4  }
0x12b: {  	v36 =	vadd.s32 $0x100, v4;
	v38 =	vadd.s32 $0xC0, v4;
	v39 =	vadd.s32 $0x120, v4;
	[sflag:s25] =	ssyncset.done $0x0  }
0x12c: {  	s0 =	simm.s32 $0x6580;
	v41 =	vadd.s32 $0xD0, v4;
	v42 =	vadd.s32 $0xE0, v4;
	v44 =	vadd.s32 $0xF0, v4;
	[sflag:s25] =	ssyncadd.s32 $0xFFFFCE00  }
0x12d: {  	v45 =	vadd.s32 $0xA0, v4;
	v13 =	vsel vm6, v14, v13;
	v14 =	vsel vm7, v15, v17;
	v17 =	vld [tilespmem:s0+$0xFFFFFF00]  }
0x12e: {  	v47 =	vadd.s32 $0xB0, v4;
	v58 =	vadd.s32 $0x50, v4;
	v48 =	vadd.s32 $0x60, v4;
	v19 =	vld [tilespmem:s0+$0xFFFFFF40]  }
0x12f: {  	v50 =	vadd.s32 $0x70, v4;
	v60 =	vadd.s32 $0x10, v4;
	v61 =	vadd.s32 $0x20, v4;
	v57 =	vld [tilespmem:s0+$0xFFFFFF20]  }
0x130: {  	v52 =	vadd.s32 $0x30, v4;
	v15 =	vsel vm8, v16, v18;
	v16 =	vadd.s32 $0x1B0, v4;
	v46 =	vld [tilespmem:s0+$0xFFFFFF30]  }
0x131: {  	v18 =	vadd.s32 $0x160, v4;
	v25 =	vsel vm12, v10, v13;
	v26 =	vsel vm13, v11, v14;
	v29 =	vld [tilespmem:s0+$0xFFFFFF80]  }
0x132: {  	v27 =	vsel vm14, v12, v15;
	v13 =	vadd.s32 $0x200, v4;
	v10 =	vadd.s32 $0x1D0, v4;
	v32 =	vld [tilespmem:s0+$0xFFFFFFC0]  }
0x133: {  	v11 =	vadd.s32 $0x1E0, v4;
	v12 =	vadd.s32 $0x1F0, v4;
	v14 =	vadd.s32 $0x190, v4;
	v59 =	vld [tilespmem:s0+$0xFFFFFF60]  }
0x134: {  	v15 =	vadd.s32 $0x1A0, v4;
	v49 =	vld [tilespmem:s0+$0xFFFFFF70];
	vm0 =	vgt.f32 v17, v20;
	vm4 =	vgt.f32 v57, v23  }
0x135: {  	v54 =	vld [tilespmem:s0+$0x0];
	vm5 =	vgt.f32 v46, v24;
	v20 =	vsel vm0, v17, v20;
	v21 =	vsel vm0, v4, v21  }
0x136: {  	v34 =	vld [tilespmem:s0+$0xC0];
	v17 =	vadd.s32 $0x150, v4;
	v23 =	vsel vm4, v57, v23;
	vm0 =	vgt.f32 v19, v20  }
0x137: {  	v37 =	vld [tilespmem:s0+$0x40];
	v24 =	vsel vm5, v46, v24;
	v26 =	vsel vm4, v61, v26;
	v20 =	vsel vm0, v19, v20  }
0x138: {  	v51 =	vld [tilespmem:s0+$0xFFFFFFA0];
	v27 =	vsel vm5, v52, v27;
	v21 =	vsel vm0, v33, v21;
	vm0 =	vgt.f32 v29, v20  }
0x139: {  	v53 =	vld [tilespmem:s0+$0xFFFFFFB0];
	vm7 =	vgt.f32 v59, v23;
	vm8 =	vgt.f32 v49, v24;
	v20 =	vsel vm0, v29, v20  }
0x13a: {  	v55 =	vld [tilespmem:s0+$0x80];
	v19 =	vadd.s32 $0x170, v4;
	v21 =	vsel vm0, v35, v21;
	vm0 =	vgt.f32 v32, v20  }
0x13b: {  	v40 =	vld [tilespmem:s0+$0xFFFFFF90];
	v23 =	vsel vm7, v59, v23;
	v24 =	vsel vm8, v49, v24;
	v20 =	vsel vm0, v32, v20  }
0x13c: {  	v56 =	vld [tilespmem:s0+$0xFFFFFF50];
	v26 =	vsel vm7, v48, v26;
	v21 =	vsel vm0, v38, v21;
	vm0 =	vgt.f32 v54, v20  }
0x13d: {  	v62 =	vld [tilespmem:s0+$0xFFFFFFE0];
	v27 =	vsel vm8, v50, v27;
	vm2 =	vgt.f32 v51, v23;
	v20 =	vsel vm0, v54, v20  }
0x13e: {  	v43 =	vld [tilespmem:s0+$0xFFFFFF10];
	vm1 =	vgt.f32 v53, v24;
	v21 =	vsel vm0, v36, v21;
	vm0 =	vgt.f32 v37, v20  }
0x13f: {  	v63 =	vld [tilespmem:s0+$0xFFFFFFF0];
	v29 =	vadd.s32 $0x110, v4;
	v23 =	vsel vm2, v51, v23;
	v20 =	vsel vm0, v37, v20  }
0x140: {  	v46 =	vld [tilespmem:s0+$0x10];
	v24 =	vsel vm1, v53, v24;
	v21 =	vsel vm0, v31, v21;
	vm0 =	vgt.f32 v55, v20  }
0x141: {  	v57 =	vld [tilespmem:s0+$0x70];
	v26 =	vsel vm2, v45, v26;
	v27 =	vsel vm1, v47, v27;
	v20 =	vsel vm0, v55, v20  }
0x142: {  	v49 =	vld [tilespmem:s0+$0x20];
	vm4 =	vgt.f32 v62, v23;
	v21 =	vsel vm0, v30, v21;
	vm0 =	vgt.f32 v34, v20  }
0x143: {  	v54 =	vld [tilespmem:s0+$0x30];
	v20 =	vsel vm0, v34, v20;
	v21 =	vsel vm0, v28, v21;
	vm0 =	vgt.f32 v43, v22  }
0x144: {  	vm5 =	vgt.f32 v63, v24;
	v32 =	vadd.s32 $0x130, v4;
	v28 =	vld [tilespmem:s0+$0xFFFFFFD0];
	v22 =	vsel vm0, v43, v22  }
0x145: {  	v59 =	vld [tilespmem:s0+$0xB0];
	v23 =	vsel vm4, v62, v23;
	v24 =	vsel vm5, v63, v24;
	vm6 =	vgt.f32 v56, v22  }
0x146: {  	v62 =	vld [tilespmem:s0+$0xF0];
	v26 =	vsel vm4, v42, v26;
	v63 =	vsel vm5, v44, v27;
	v22 =	vsel vm6, v56, v22  }
0x147: {  	vm11 =	vgt.f32 v49, v23;
	v36 =	vadd.s32 $0x90, v4;
	v55 =	vld [tilespmem:s0+$0x50];
	vm9 =	vgt.f32 v40, v22  }
0x148: {  	vm14 =	vgt.f32 v54, v24;
	v25 =	vsel vm0, v60, v25;
	v56 =	vld [tilespmem:s0+$0x60];
	v22 =	vsel vm9, v40, v22  }
0x149: {  	v24 =	vsel vm14, v54, v24;
	v25 =	vsel vm6, v58, v25;
	v58 =	vld [tilespmem:s0+$0xA0];
	vm3 =	vgt.f32 v28, v22  }
0x14a: {  	v23 =	vsel vm11, v49, v23;
	vm1 =	vgt.f32 v57, v24;
	v22 =	vsel vm3, v28, v22;
	v28 =	vld [tilespmem:s0+$0x90]  }
0x14b: {  	v61 =	vld [tilespmem:s0+$0xE0];
	v27 =	vsel vm11, v39, v26;
	v24 =	vsel vm1, v57, v24;
	vm10 =	vgt.f32 v46, v22  }
0x14c: {  	v26 =	vsel vm14, v32, v63;
	v60 =	vld [tilespmem:s0+$0xD0];
	vm8 =	vgt.f32 v59, v24;
	v22 =	vsel vm10, v46, v22  }
0x14d: {  	v24 =	vsel vm8, v59, v24;
	vm2 =	vgt.f32 v56, v23;
	vm0 =	vgt.f32 v55, v22  }
0x14e: {  	v25 =	vsel vm9, v36, v25;
	v23 =	vsel vm2, v56, v23;
	v22 =	vsel vm0, v55, v22  }
0x14f: {  	vm14 =	vgt.f32 v62, v24;
	vm7 =	vgt.f32 v58, v23;
	vm6 =	vgt.f32 v28, v22  }
0x150: {  	v24 =	vsel vm14, v62, v24;
	v23 =	vsel vm7, v58, v23;
	v22 =	vsel vm6, v28, v22  }
0x151: {  	v25 =	vsel vm3, v41, v25;
	vm13 =	vgt.f32 v61, v23;
	vm12 =	vgt.f32 v60, v22  }
0x152: {  	s3 =	simm.s32 $0x6780;
	s0 =	simm.s32 $0x0;
	v25 =	vsel vm10, v29, v25;
	v23 =	vsel vm13, v61, v23;
	v22 =	vsel vm12, v60, v22  }
.LBB2_6:
0x153: {  	v29 =	vld [tilespmem:s3+$0xFFFFFF00]  }
0x154: {  	v19 =	vsel vm1, v19, v26  }
0x155: {  	v16 =	vsel vm8, v16, v19;
	v19 =	vld [tilespmem:s3+$0xFFFFFF40];
	_ =	sdelay $0x1  }
0x156: {  	v31 =	vld [tilespmem:s3+$0xFFFFFF80]  }
0x157: {  	v17 =	vsel vm0, v17, v25;
	vm0 =	vgt.f32 v29, v20  }
0x158: {  	v34 =	vmov v13;
	v32 =	vld [tilespmem:s3+$0xFFFFFFC0];
	v20 =	vsel vm0, v29, v20  }
0x159: {  	v21 =	vsel vm0, v34, v21;
	vm0 =	vgt.f32 v19, v20  }
0x15a: {  	v40 =	vld [tilespmem:s3+$0x0];
	v29 =	vadd.s32 $0x40, v34;
	v20 =	vsel vm0, v19, v20  }
0x15b: {  	v21 =	vsel vm0, v29, v21;
	vm0 =	vgt.f32 v31, v20  }
0x15c: {  	v39 =	vld [tilespmem:s3+$0x40];
	v29 =	vadd.s32 $0x80, v34;
	v20 =	vsel vm0, v31, v20  }
0x15d: {  	v21 =	vsel vm0, v29, v21;
	vm0 =	vgt.f32 v32, v20  }
0x15e: {  	v36 =	vld [tilespmem:s3+$0x80];
	v44 =	vadd.s32 $0xC0, v34;
	v20 =	vsel vm0, v32, v20  }
0x15f: {  	v21 =	vsel vm0, v44, v21;
	vm0 =	vgt.f32 v40, v20  }
0x160: {  	v33 =	vld [tilespmem:s3+$0xC0];
	v41 =	vadd.s32 $0x100, v34;
	v20 =	vsel vm0, v40, v20  }
0x161: {  	v49 =	vld [tilespmem:s3+$0xFFFFFF10];
	v21 =	vsel vm0, v41, v21;
	vm0 =	vgt.f32 v39, v20  }
0x162: {  	v38 =	vadd.s32 $0x140, v34;
	v20 =	vsel vm0, v39, v20  }
0x163: {  	v44 =	vld [tilespmem:s3+$0xFFFFFF50];
	v21 =	vsel vm0, v38, v21;
	vm0 =	vgt.f32 v36, v20  }
0x164: {  	v37 =	vadd.s32 $0x180, v34;
	v20 =	vsel vm0, v36, v20  }
0x165: {  	v46 =	vld [tilespmem:s3+$0xFFFFFF90];
	v35 =	vadd.s32 $0x1C0, v34;
	v21 =	vsel vm0, v37, v21;
	vm0 =	vgt.f32 v33, v20  }
0x166: {  	v20 =	vsel vm0, v33, v20;
	v21 =	vsel vm0, v35, v21;
	vm0 =	vgt.f32 v49, v22  }
0x167: {  	v45 =	vld [tilespmem:s3+$0xFFFFFFD0];
	v62 =	vimm.s32 $0x0;
	v22 =	vsel vm0, v49, v22  }
0x168: {  	v43 =	vld [tilespmem:s3+$0x10];
	v33 =	vsel vm0, $0xFFFFFFFF, v62;
	vm0 =	vgt.f32 v44, v22  }
0x169: {  	v61 =	vld [tilespmem:s3+$0xFFFFFF20];
	v60 =	vimm.s32 $0x0;
	v22 =	vsel vm0, v44, v22  }
0x16a: {  	v40 =	vsel vm0, $0xFFFFFFFF, v60;
	vm0 =	vgt.f32 v46, v22  }
0x16b: {  	v42 =	vld [tilespmem:s3+$0x50];
	v22 =	vsel vm0, v46, v22  }
0x16c: {  	vm9 =	vgt.f32 v45, v22  }
0x16d: {  	v30 =	vld [tilespmem:s3+$0x90];
	v22 =	vsel vm9, v45, v22  }
0x16e: {  	v63 =	vimm.s32 $0x0;
	vm1 =	vgt.f32 v61, v23;
	vm3 =	vgt.f32 v43, v22  }
0x16f: {  	v28 =	vld [tilespmem:s3+$0xD0];
	[tilespmem:$0x1FE50] =	vst v33;
	v33 =	vsel vm1, $0xFFFFFFFF, v63;
	v63 =	vimm.s32 $0x0;
	v22 =	vsel vm3, v43, v22  }
0x170: {  	v44 =	vsel vm0, $0xFFFFFFFF, v63;
	vm0 =	vgt.f32 v42, v22  }
0x171: {  	v22 =	vsel vm0, v42, v22  }
0x172: {  	v14 =	vsel vm6, v14, v17;
	vm6 =	vgt.f32 v30, v22  }
0x173: {  	v22 =	vsel vm6, v30, v22  }
0x174: {  	v25 =	vsel vm12, v10, v14;
	vm12 =	vgt.f32 v28, v22  }
0x175: {  	v22 =	vsel vm12, v28, v22;
	v28 =	vld [tilespmem:$0x1FE50];
	_ =	sdelay $0x1  }
0x176: {  	v52 =	vld [tilespmem:s3+$0xFFFFFF30];
	_ =	sdelay $0x1  }
0x177: {  	[tilespmem:$0x1FE60] =	vst v33  }
0x178: {  	vm15 =	vnez.u8 v28;
	v28 =	vld [tilespmem:$0x1FE60];
	_ =	sdelay $0x1  }
0x179: {  	v18 =	vsel vm2, v18, v27;
	v59 =	vimm.s32 $0x0;
	vm2 =	vgt.f32 v52, v24  }
0x17a: {  	v15 =	vsel vm7, v15, v18;
	v17 =	vadd.s32 $0x150, v34;
	v33 =	vsel vm2, $0xFFFFFFFF, v59  }
0x17b: {  	v18 =	vadd.s32 $0x160, v34;
	v47 =	vadd.s32 $0xD0, v34;
	v36 =	vadd.s32 $0x10, v34;
	[tilespmem:$0x1FE70] =	vst v33  }
0x17c: {  	v48 =	vadd.s32 $0xE0, v34;
	v25 =	vsel vm15, v36, v25;
	vm15 =	vnez.u8 v28;
	v28 =	vld [tilespmem:$0x1FE70]  }
0x17d: {  	v50 =	vadd.s32 $0xF0, v34;
	v51 =	vadd.s32 $0xA0, v34;
	v53 =	vadd.s32 $0xB0, v34  }
0x17e: {  	v54 =	vadd.s32 $0x60, v34;
	v56 =	vadd.s32 $0x70, v34;
	v26 =	vsel vm13, v11, v15;
	v39 =	vld [tilespmem:s3+$0xFFFFFF60]  }
0x17f: {  	v27 =	vsel vm14, v12, v16;
	v10 =	vadd.s32 $0x1D0, v34;
	v11 =	vadd.s32 $0x1E0, v34  }
0x180: {  	v12 =	vadd.s32 $0x1F0, v34;
	v14 =	vadd.s32 $0x190, v34;
	v37 =	vadd.s32 $0x20, v34;
	[tilespmem:$0x1FE80] =	vst v40  }
0x181: {  	v15 =	vadd.s32 $0x1A0, v34;
	v26 =	vsel vm15, v37, v26;
	vm15 =	vnez.u8 v28;
	v28 =	vld [tilespmem:$0x1FE80]  }
0x182: {  	v16 =	vadd.s32 $0x1B0, v34;
	v23 =	vsel vm1, v61, v23;
	v61 =	vimm.s32 $0x0  }
0x183: {  	v55 =	vld [tilespmem:s3+$0xFFFFFF70];
	v19 =	vadd.s32 $0x170, v34;
	v29 =	vadd.s32 $0x110, v34;
	vm1 =	vgt.f32 v39, v23  }
0x184: {  	v31 =	vadd.s32 $0x120, v34;
	v32 =	vadd.s32 $0x130, v34;
	v40 =	vsel vm1, $0xFFFFFFFF, v61  }
0x185: {  	v41 =	vadd.s32 $0x90, v34;
	v38 =	vadd.s32 $0x50, v34;
	v34 =	vadd.s32 $0x30, v34;
	[tilespmem:$0x1FE90] =	vst v40  }
0x186: {  	v27 =	vsel vm15, v34, v27;
	vm15 =	vnez.u8 v28;
	v28 =	vld [tilespmem:$0x1FE90]  }
0x187: {  	v24 =	vsel vm2, v52, v24  }
0x188: {  	v62 =	vimm.s32 $0x0;
	vm2 =	vgt.f32 v55, v24  }
0x189: {  	v40 =	vsel vm2, $0xFFFFFFFF, v62  }
0x18a: {  	[tilespmem:$0x1FEA0] =	vst v40  }
0x18b: {  	v25 =	vsel vm15, v38, v25;
	vm15 =	vnez.u8 v28;
	v28 =	vld [tilespmem:$0x1FEA0]  }
0x18c: {  	v57 =	vld [tilespmem:s3+$0xFFFFFFA0]  }
0x18d: {  	v58 =	vld [tilespmem:s3+$0xFFFFFFB0]  }
0x18e: {  	v35 =	vld [tilespmem:s3+$0xFFFFFFF0]  }
0x18f: {  	v23 =	vsel vm1, v39, v23;
	v39 =	vld [tilespmem:s3+$0x30];
	[tilespmem:$0x1FEB0] =	vst v44  }
0x190: {  	v26 =	vsel vm15, v54, v26;
	vm15 =	vnez.u8 v28;
	v28 =	vld [tilespmem:$0x1FEB0]  }
0x191: {  	v59 =	vld [tilespmem:s3+$0x70]  }
0x192: {  	v49 =	vimm.s32 $0x0;
	v33 =	vld [tilespmem:s3+$0xFFFFFFE0];
	v24 =	vsel vm2, v55, v24;
	vm1 =	vgt.f32 v57, v23  }
0x193: {  	v60 =	vld [tilespmem:s3+$0xA0];
	vm2 =	vgt.f32 v58, v24;
	v44 =	vsel vm1, $0xFFFFFFFF, v49  }
0x194: {  	v40 =	vld [tilespmem:s3+$0x20];
	v24 =	vsel vm2, v58, v24;
	[tilespmem:$0x1FEC0] =	vst v44  }
0x195: {  	vm11 =	vgt.f32 v35, v24;
	v27 =	vsel vm15, v56, v27;
	vm15 =	vnez.u8 v28;
	v28 =	vld [tilespmem:$0x1FEC0]  }
0x196: {  	v55 =	vld [tilespmem:s3+$0x60];
	v23 =	vsel vm1, v57, v23;
	v24 =	vsel vm11, v35, v24  }
0x197: {  	v52 =	vimm.s32 $0x0;
	v61 =	vld [tilespmem:s3+$0xB0];
	vm10 =	vgt.f32 v33, v23;
	vm5 =	vgt.f32 v39, v24  }
0x198: {  	v62 =	vld [tilespmem:s3+$0xE0];
	v44 =	vsel vm2, $0xFFFFFFFF, v52;
	v23 =	vsel vm10, v33, v23;
	v24 =	vsel vm5, v39, v24  }
0x199: {  	v63 =	vld [tilespmem:s3+$0xF0];
	[tilespmem:$0x1FED0] =	vst v44;
	vm4 =	vgt.f32 v40, v23;
	vm1 =	vgt.f32 v59, v24  }
0x19a: {  	v23 =	vsel vm4, v40, v23;
	v25 =	vsel vm15, v41, v25;
	vm15 =	vnez.u8 v28;
	v28 =	vld [tilespmem:$0x1FED0]  }
0x19b: {  	v24 =	vsel vm1, v59, v24;
	vm2 =	vgt.f32 v55, v23  }
0x19c: {  	s0 =	sadd.s32 $0x8, s0;
	vm8 =	vgt.f32 v61, v24;
	v23 =	vsel vm2, v55, v23  }
0x19d: {  	p2 =	slt.u32 s0, $0xC0;
	v24 =	vsel vm8, v61, v24;
	vm7 =	vgt.f32 v60, v23  }
.Ltmp2:
0x19e: {  	v13 =	vadd.s32 $0x200, v13;
	vm14 =	vgt.f32 v63, v24;
	v23 =	vsel vm7, v60, v23;
	(pc) =	sbr.rel @p2 .LBB2_6-.Ltmp2, $4  }
0x19f: {  	vm13 =	vgt.f32 v62, v23;
	v26 =	vsel vm15, v51, v26;
	vm15 =	vnez.u8 v28  }
0x1a0: {  	v24 =	vsel vm14, v63, v24;
	v23 =	vsel vm13, v62, v23;
	v27 =	vsel vm15, v53, v27  }
0x1a1: {  	v25 =	vsel vm9, v47, v25;
	v26 =	vsel vm10, v48, v26;
	v28 =	vsel vm11, v50, v27  }
0x1a2: {  	s3 =	sadd.s32 $0x200, s3;
	v25 =	vsel vm3, v29, v25;
	v27 =	vsel vm4, v31, v26;
	v26 =	vsel vm5, v32, v28  }
0x1a3: {  	v13 =	vsel vm0, v17, v25;
	v17 =	vsel vm2, v18, v27  }
0x1a4: {  	v18 =	vsel vm1, v19, v26;
	v28 =	vadd.s32 $0x1C0, v5;
	v30 =	vadd.s32 $0x180, v5  }
0x1a5: {  	_ =	swait.ge [sflag:s26], $0x3200;
	v31 =	vadd.s32 $0x140, v5;
	v33 =	vadd.s32 $0x40, v5;
	v35 =	vadd.s32 $0x80, v5  }
0x1a6: {  	v36 =	vadd.s32 $0x100, v5;
	v38 =	vadd.s32 $0xC0, v5;
	v39 =	vadd.s32 $0x120, v5;
	[sflag:s26] =	ssyncset.done $0x0  }
0x1a7: {  	s0 =	simm.s32 $0x9780;
	v41 =	vadd.s32 $0xD0, v5;
	v42 =	vadd.s32 $0xE0, v5;
	v44 =	vadd.s32 $0xF0, v5;
	[sflag:s26] =	ssyncadd.s32 $0xFFFFCE00  }
0x1a8: {  	v45 =	vadd.s32 $0xA0, v5;
	v13 =	vsel vm6, v14, v13;
	v14 =	vsel vm7, v15, v17;
	v17 =	vld [tilespmem:s0+$0xFFFFFF00]  }
0x1a9: {  	v47 =	vadd.s32 $0xB0, v5;
	v48 =	vadd.s32 $0x60, v5;
	v50 =	vadd.s32 $0x70, v5;
	v19 =	vld [tilespmem:s0+$0xFFFFFF40]  }
0x1aa: {  	v63 =	vadd.s32 $0x10, v5;
	v51 =	vadd.s32 $0x20, v5;
	v53 =	vadd.s32 $0x30, v5;
	v61 =	vld [tilespmem:s0+$0xFFFFFF20]  }
0x1ab: {  	v15 =	vsel vm8, v16, v18;
	v16 =	vadd.s32 $0x1B0, v5;
	v18 =	vadd.s32 $0x160, v5;
	v46 =	vld [tilespmem:s0+$0xFFFFFF30]  }
0x1ac: {  	v25 =	vsel vm12, v10, v13;
	v26 =	vsel vm13, v11, v14;
	v27 =	vsel vm14, v12, v15;
	v29 =	vld [tilespmem:s0+$0xFFFFFF80]  }
0x1ad: {  	v13 =	vadd.s32 $0x200, v5;
	v12 =	vadd.s32 $0x1D0, v5;
	v10 =	vadd.s32 $0x1E0, v5;
	v32 =	vld [tilespmem:s0+$0xFFFFFFC0]  }
0x1ae: {  	v11 =	vadd.s32 $0x1F0, v5;
	v14 =	vadd.s32 $0x190, v5;
	v58 =	vld [tilespmem:s0+$0x0];
	vm0 =	vgt.f32 v17, v20  }
0x1af: {  	v15 =	vadd.s32 $0x1A0, v5;
	v62 =	vld [tilespmem:s0+$0xFFFFFF60];
	vm4 =	vgt.f32 v61, v23;
	v20 =	vsel vm0, v17, v20  }
0x1b0: {  	v49 =	vld [tilespmem:s0+$0xFFFFFF70];
	vm5 =	vgt.f32 v46, v24;
	v21 =	vsel vm0, v5, v21;
	vm0 =	vgt.f32 v19, v20  }
0x1b1: {  	v34 =	vld [tilespmem:s0+$0xC0];
	v17 =	vadd.s32 $0x150, v5;
	v23 =	vsel vm4, v61, v23;
	v20 =	vsel vm0, v19, v20  }
0x1b2: {  	v37 =	vld [tilespmem:s0+$0x40];
	v24 =	vsel vm5, v46, v24;
	v21 =	vsel vm0, v33, v21;
	vm0 =	vgt.f32 v29, v20  }
0x1b3: {  	v52 =	vld [tilespmem:s0+$0xFFFFFFA0];
	v26 =	vsel vm4, v51, v26;
	v27 =	vsel vm5, v53, v27;
	v20 =	vsel vm0, v29, v20  }
0x1b4: {  	v54 =	vld [tilespmem:s0+$0xFFFFFFB0];
	vm7 =	vgt.f32 v62, v23;
	v21 =	vsel vm0, v35, v21;
	vm0 =	vgt.f32 v32, v20  }
0x1b5: {  	v59 =	vld [tilespmem:s0+$0x80];
	vm8 =	vgt.f32 v49, v24;
	v19 =	vadd.s32 $0x170, v5;
	v20 =	vsel vm0, v32, v20  }
0x1b6: {  	v40 =	vld [tilespmem:s0+$0xFFFFFF90];
	v23 =	vsel vm7, v62, v23;
	v21 =	vsel vm0, v38, v21;
	vm0 =	vgt.f32 v58, v20  }
0x1b7: {  	v60 =	vld [tilespmem:s0+$0xFFFFFF50];
	v24 =	vsel vm8, v49, v24;
	v26 =	vsel vm7, v48, v26;
	v20 =	vsel vm0, v58, v20  }
0x1b8: {  	v43 =	vld [tilespmem:s0+$0xFFFFFF10];
	v27 =	vsel vm8, v50, v27;
	v21 =	vsel vm0, v36, v21;
	vm0 =	vgt.f32 v37, v20  }
0x1b9: {  	v46 =	vld [tilespmem:s0+$0xFFFFFFF0];
	vm1 =	vgt.f32 v52, v23;
	vm2 =	vgt.f32 v54, v24;
	v20 =	vsel vm0, v37, v20  }
0x1ba: {  	v55 =	vld [tilespmem:s0+$0x10];
	v29 =	vadd.s32 $0x110, v5;
	v21 =	vsel vm0, v31, v21;
	vm0 =	vgt.f32 v59, v20  }
0x1bb: {  	v57 =	vld [tilespmem:s0+$0x30];
	v23 =	vsel vm1, v52, v23;
	v24 =	vsel vm2, v54, v24;
	v20 =	vsel vm0, v59, v20  }
0x1bc: {  	v56 =	vld [tilespmem:s0+$0x20];
	v26 =	vsel vm1, v45, v26;
	v30 =	vsel vm0, v30, v21;
	vm0 =	vgt.f32 v34, v20  }
0x1bd: {  	v21 =	vsel vm0, v34, v20;
	v20 =	vsel vm0, v28, v30;
	vm0 =	vgt.f32 v43, v22;
	v30 =	vld [tilespmem:s0+$0xFFFFFFE0]  }
0x1be: {  	v27 =	vsel vm2, v47, v27;
	vm5 =	vgt.f32 v46, v24;
	v28 =	vld [tilespmem:s0+$0xFFFFFFD0];
	v22 =	vsel vm0, v43, v22  }
0x1bf: {  	v32 =	vadd.s32 $0x130, v5;
	v24 =	vsel vm5, v46, v24;
	v58 =	vld [tilespmem:s0+$0x50];
	vm6 =	vgt.f32 v60, v22  }
0x1c0: {  	v27 =	vsel vm5, v44, v27;
	vm11 =	vgt.f32 v57, v24;
	v59 =	vld [tilespmem:s0+$0x60];
	v22 =	vsel vm6, v60, v22  }
0x1c1: {  	v31 =	vadd.s32 $0x50, v5;
	v25 =	vsel vm0, v63, v25;
	v60 =	vld [tilespmem:s0+$0x70];
	vm9 =	vgt.f32 v40, v22  }
0x1c2: {  	v25 =	vsel vm6, v31, v25;
	v31 =	vld [tilespmem:s0+$0xB0];
	v22 =	vsel vm9, v40, v22;
	vm4 =	vgt.f32 v30, v23  }
0x1c3: {  	v36 =	vadd.s32 $0x90, v5;
	vm3 =	vgt.f32 v28, v22;
	v23 =	vsel vm4, v30, v23;
	v30 =	vld [tilespmem:s0+$0xA0]  }
0x1c4: {  	v24 =	vsel vm11, v57, v24;
	v25 =	vsel vm9, v36, v25;
	v22 =	vsel vm3, v28, v22;
	v28 =	vld [tilespmem:s0+$0x90]  }
0x1c5: {  	v61 =	vld [tilespmem:s0+$0xD0];
	v26 =	vsel vm4, v42, v26;
	vm10 =	vgt.f32 v56, v23;
	vm6 =	vgt.f32 v55, v22  }
0x1c6: {  	v62 =	vld [tilespmem:s0+$0xE0];
	v25 =	vsel vm3, v41, v25;
	v23 =	vsel vm10, v56, v23;
	v22 =	vsel vm6, v55, v22  }
0x1c7: {  	v63 =	vld [tilespmem:s0+$0xF0];
	vm2 =	vgt.f32 v60, v24;
	vm1 =	vgt.f32 v59, v23;
	vm0 =	vgt.f32 v58, v22  }
0x1c8: {  	v24 =	vsel vm2, v60, v24;
	v23 =	vsel vm1, v59, v23;
	v22 =	vsel vm0, v58, v22  }
0x1c9: {  	vm8 =	vgt.f32 v31, v24;
	vm7 =	vgt.f32 v30, v23;
	vm3 =	vgt.f32 v28, v22  }
0x1ca: {  	v23 =	vsel vm7, v30, v23;
	v30 =	vsel vm8, v31, v24;
	v24 =	vsel vm6, v29, v25  }
0x1cb: {  	v25 =	vsel vm10, v39, v26;
	v26 =	vsel vm11, v32, v27;
	v22 =	vsel vm3, v28, v22  }
0x1cc: {  	vm13 =	vgt.f32 v62, v23;
	vm14 =	vgt.f32 v63, v30;
	vm12 =	vgt.f32 v61, v22  }
0x1cd: {  	s3 =	simm.s32 $0x9980;
	s0 =	simm.s32 $0x0;
	v28 =	vsel vm12, v61, v22;
	v22 =	vsel vm13, v62, v23;
	v23 =	vsel vm14, v63, v30  }
.LBB2_8:
0x1ce: {  	v29 =	vld [tilespmem:s3+$0xFFFFFF00]  }
0x1cf: {  	v19 =	vsel vm2, v19, v26  }
0x1d0: {  	v16 =	vsel vm8, v16, v19;
	v19 =	vld [tilespmem:s3+$0xFFFFFF40];
	_ =	sdelay $0x1  }
0x1d1: {  	v31 =	vld [tilespmem:s3+$0xFFFFFF80]  }
0x1d2: {  	v17 =	vsel vm0, v17, v24;
	vm0 =	vgt.f32 v29, v21  }
0x1d3: {  	v34 =	vmov v13;
	v32 =	vld [tilespmem:s3+$0xFFFFFFC0];
	v21 =	vsel vm0, v29, v21  }
0x1d4: {  	v20 =	vsel vm0, v34, v20;
	vm0 =	vgt.f32 v19, v21  }
0x1d5: {  	v40 =	vld [tilespmem:s3+$0x0];
	v29 =	vadd.s32 $0x40, v34;
	v21 =	vsel vm0, v19, v21  }
0x1d6: {  	v20 =	vsel vm0, v29, v20;
	vm0 =	vgt.f32 v31, v21  }
0x1d7: {  	v39 =	vld [tilespmem:s3+$0x40];
	v29 =	vadd.s32 $0x80, v34;
	v21 =	vsel vm0, v31, v21  }
0x1d8: {  	v20 =	vsel vm0, v29, v20;
	vm0 =	vgt.f32 v32, v21  }
0x1d9: {  	v36 =	vld [tilespmem:s3+$0x80];
	v44 =	vadd.s32 $0xC0, v34;
	v21 =	vsel vm0, v32, v21  }
0x1da: {  	v20 =	vsel vm0, v44, v20;
	vm0 =	vgt.f32 v40, v21  }
0x1db: {  	v33 =	vld [tilespmem:s3+$0xC0];
	v41 =	vadd.s32 $0x100, v34;
	v21 =	vsel vm0, v40, v21  }
0x1dc: {  	v49 =	vld [tilespmem:s3+$0xFFFFFF10];
	v20 =	vsel vm0, v41, v20;
	vm0 =	vgt.f32 v39, v21  }
0x1dd: {  	v38 =	vadd.s32 $0x140, v34;
	v21 =	vsel vm0, v39, v21  }
0x1de: {  	v44 =	vld [tilespmem:s3+$0xFFFFFF50];
	v20 =	vsel vm0, v38, v20;
	vm0 =	vgt.f32 v36, v21  }
0x1df: {  	v37 =	vadd.s32 $0x180, v34;
	v21 =	vsel vm0, v36, v21  }
0x1e0: {  	v46 =	vld [tilespmem:s3+$0xFFFFFF90];
	v35 =	vadd.s32 $0x1C0, v34;
	v20 =	vsel vm0, v37, v20;
	vm0 =	vgt.f32 v33, v21  }
0x1e1: {  	v21 =	vsel vm0, v33, v21;
	v20 =	vsel vm0, v35, v20;
	vm0 =	vgt.f32 v49, v28  }
0x1e2: {  	v45 =	vld [tilespmem:s3+$0xFFFFFFD0];
	v62 =	vimm.s32 $0x0;
	v28 =	vsel vm0, v49, v28  }
0x1e3: {  	v43 =	vld [tilespmem:s3+$0x10];
	v33 =	vsel vm0, $0xFFFFFFFF, v62;
	vm0 =	vgt.f32 v44, v28  }
0x1e4: {  	v61 =	vld [tilespmem:s3+$0xFFFFFF20];
	v60 =	vimm.s32 $0x0;
	v28 =	vsel vm0, v44, v28  }
0x1e5: {  	v40 =	vsel vm0, $0xFFFFFFFF, v60;
	vm0 =	vgt.f32 v46, v28  }
0x1e6: {  	v42 =	vld [tilespmem:s3+$0x50];
	v28 =	vsel vm0, v46, v28  }
0x1e7: {  	vm9 =	vgt.f32 v45, v28  }
0x1e8: {  	v18 =	vsel vm1, v18, v25;
	v30 =	vld [tilespmem:s3+$0x90];
	v28 =	vsel vm9, v45, v28  }
0x1e9: {  	v63 =	vimm.s32 $0x0;
	vm1 =	vgt.f32 v61, v22;
	vm4 =	vgt.f32 v43, v28  }
0x1ea: {  	v27 =	vld [tilespmem:s3+$0xD0];
	[tilespmem:$0x1FDC0] =	vst v33;
	v33 =	vsel vm1, $0xFFFFFFFF, v63;
	v63 =	vimm.s32 $0x0;
	v28 =	vsel vm4, v43, v28  }
0x1eb: {  	v44 =	vsel vm0, $0xFFFFFFFF, v63;
	vm0 =	vgt.f32 v42, v28  }
0x1ec: {  	v28 =	vsel vm0, v42, v28  }
0x1ed: {  	v14 =	vsel vm3, v14, v17;
	vm3 =	vgt.f32 v30, v28  }
0x1ee: {  	v28 =	vsel vm3, v30, v28  }
0x1ef: {  	v24 =	vsel vm12, v12, v14;
	vm12 =	vgt.f32 v27, v28  }
0x1f0: {  	v28 =	vsel vm12, v27, v28;
	v27 =	vld [tilespmem:$0x1FDC0];
	_ =	sdelay $0x1  }
0x1f1: {  	v52 =	vld [tilespmem:s3+$0xFFFFFF30];
	_ =	sdelay $0x1  }
0x1f2: {  	[tilespmem:$0x1FDD0] =	vst v33  }
0x1f3: {  	vm15 =	vnez.u8 v27;
	v27 =	vld [tilespmem:$0x1FDD0];
	_ =	sdelay $0x1  }
0x1f4: {  	v59 =	vimm.s32 $0x0;
	vm2 =	vgt.f32 v52, v23  }
0x1f5: {  	v15 =	vsel vm7, v15, v18;
	v17 =	vadd.s32 $0x150, v34;
	v33 =	vsel vm2, $0xFFFFFFFF, v59  }
0x1f6: {  	v18 =	vadd.s32 $0x160, v34;
	v47 =	vadd.s32 $0xD0, v34;
	v36 =	vadd.s32 $0x10, v34;
	[tilespmem:$0x1FDE0] =	vst v33  }
0x1f7: {  	v48 =	vadd.s32 $0xE0, v34;
	v24 =	vsel vm15, v36, v24;
	vm15 =	vnez.u8 v27;
	v27 =	vld [tilespmem:$0x1FDE0]  }
0x1f8: {  	v50 =	vadd.s32 $0xF0, v34;
	v51 =	vadd.s32 $0xA0, v34;
	v53 =	vadd.s32 $0xB0, v34  }
0x1f9: {  	v54 =	vadd.s32 $0x60, v34;
	v56 =	vadd.s32 $0x70, v34;
	v25 =	vsel vm13, v10, v15;
	v39 =	vld [tilespmem:s3+$0xFFFFFF60]  }
0x1fa: {  	v26 =	vsel vm14, v11, v16;
	v12 =	vadd.s32 $0x1D0, v34;
	v10 =	vadd.s32 $0x1E0, v34  }
0x1fb: {  	v11 =	vadd.s32 $0x1F0, v34;
	v14 =	vadd.s32 $0x190, v34;
	v37 =	vadd.s32 $0x20, v34;
	[tilespmem:$0x1FDF0] =	vst v40  }
0x1fc: {  	v15 =	vadd.s32 $0x1A0, v34;
	v25 =	vsel vm15, v37, v25;
	vm15 =	vnez.u8 v27;
	v27 =	vld [tilespmem:$0x1FDF0]  }
0x1fd: {  	v16 =	vadd.s32 $0x1B0, v34;
	v22 =	vsel vm1, v61, v22;
	v61 =	vimm.s32 $0x0  }
0x1fe: {  	v55 =	vld [tilespmem:s3+$0xFFFFFF70];
	v19 =	vadd.s32 $0x170, v34;
	v29 =	vadd.s32 $0x110, v34;
	vm1 =	vgt.f32 v39, v22  }
0x1ff: {  	v31 =	vadd.s32 $0x120, v34;
	v32 =	vadd.s32 $0x130, v34;
	v40 =	vsel vm1, $0xFFFFFFFF, v61  }
0x200: {  	v41 =	vadd.s32 $0x90, v34;
	v38 =	vadd.s32 $0x50, v34;
	v34 =	vadd.s32 $0x30, v34;
	[tilespmem:$0x1FE00] =	vst v40  }
0x201: {  	v26 =	vsel vm15, v34, v26;
	vm15 =	vnez.u8 v27;
	v27 =	vld [tilespmem:$0x1FE00]  }
0x202: {  	v23 =	vsel vm2, v52, v23  }
0x203: {  	v62 =	vimm.s32 $0x0;
	vm2 =	vgt.f32 v55, v23  }
0x204: {  	v40 =	vsel vm2, $0xFFFFFFFF, v62  }
0x205: {  	[tilespmem:$0x1FE10] =	vst v40  }
0x206: {  	v24 =	vsel vm15, v38, v24;
	vm15 =	vnez.u8 v27;
	v27 =	vld [tilespmem:$0x1FE10]  }
0x207: {  	v57 =	vld [tilespmem:s3+$0xFFFFFFA0]  }
0x208: {  	v58 =	vld [tilespmem:s3+$0xFFFFFFB0]  }
0x209: {  	v35 =	vld [tilespmem:s3+$0xFFFFFFF0]  }
0x20a: {  	v22 =	vsel vm1, v39, v22;
	v39 =	vld [tilespmem:s3+$0x30];
	[tilespmem:$0x1FE20] =	vst v44  }
0x20b: {  	v25 =	vsel vm15, v54, v25;
	vm15 =	vnez.u8 v27;
	v27 =	vld [tilespmem:$0x1FE20]  }
0x20c: {  	v59 =	vld [tilespmem:s3+$0x70]  }
0x20d: {  	v49 =	vimm.s32 $0x0;
	v33 =	vld [tilespmem:s3+$0xFFFFFFE0];
	v23 =	vsel vm2, v55, v23;
	vm1 =	vgt.f32 v57, v22  }
0x20e: {  	v60 =	vld [tilespmem:s3+$0xA0];
	vm2 =	vgt.f32 v58, v23;
	v44 =	vsel vm1, $0xFFFFFFFF, v49  }
0x20f: {  	v40 =	vld [tilespmem:s3+$0x20];
	v23 =	vsel vm2, v58, v23;
	[tilespmem:$0x1FE30] =	vst v44  }
0x210: {  	vm11 =	vgt.f32 v35, v23;
	v26 =	vsel vm15, v56, v26;
	vm15 =	vnez.u8 v27;
	v27 =	vld [tilespmem:$0x1FE30]  }
0x211: {  	v55 =	vld [tilespmem:s3+$0x60];
	v22 =	vsel vm1, v57, v22;
	v23 =	vsel vm11, v35, v23  }
0x212: {  	v52 =	vimm.s32 $0x0;
	v61 =	vld [tilespmem:s3+$0xB0];
	vm10 =	vgt.f32 v33, v22;
	vm6 =	vgt.f32 v39, v23  }
0x213: {  	v62 =	vld [tilespmem:s3+$0xE0];
	v44 =	vsel vm2, $0xFFFFFFFF, v52;
	v22 =	vsel vm10, v33, v22;
	v23 =	vsel vm6, v39, v23  }
0x214: {  	v63 =	vld [tilespmem:s3+$0xF0];
	[tilespmem:$0x1FE40] =	vst v44;
	vm5 =	vgt.f32 v40, v22;
	vm2 =	vgt.f32 v59, v23  }
0x215: {  	v22 =	vsel vm5, v40, v22;
	v24 =	vsel vm15, v41, v24;
	vm15 =	vnez.u8 v27;
	v27 =	vld [tilespmem:$0x1FE40]  }
0x216: {  	v23 =	vsel vm2, v59, v23;
	vm1 =	vgt.f32 v55, v22  }
0x217: {  	s0 =	sadd.s32 $0x8, s0;
	vm8 =	vgt.f32 v61, v23;
	v22 =	vsel vm1, v55, v22  }
0x218: {  	p2 =	slt.u32 s0, $0xC0;
	v23 =	vsel vm8, v61, v23;
	vm7 =	vgt.f32 v60, v22  }
.Ltmp3:
0x219: {  	v13 =	vadd.s32 $0x200, v13;
	vm14 =	vgt.f32 v63, v23;
	v22 =	vsel vm7, v60, v22;
	(pc) =	sbr.rel @p2 .LBB2_8-.Ltmp3, $4  }
0x21a: {  	vm13 =	vgt.f32 v62, v22;
	v25 =	vsel vm15, v51, v25;
	vm15 =	vnez.u8 v27  }
0x21b: {  	v23 =	vsel vm14, v63, v23;
	v22 =	vsel vm13, v62, v22;
	v26 =	vsel vm15, v53, v26  }
0x21c: {  	v24 =	vsel vm9, v47, v24;
	v25 =	vsel vm10, v48, v25;
	v26 =	vsel vm11, v50, v26  }
0x21d: {  	s3 =	sadd.s32 $0x200, s3;
	v24 =	vsel vm4, v29, v24;
	v25 =	vsel vm5, v31, v25;
	v26 =	vsel vm6, v32, v26  }
0x21e: {  	_ =	swait.ge [sflag:s28], $0x80  }
0x21f: {  	[sflag:s28] =	ssyncset.done $0x0  }
0x220: {  	[sflag:s28] =	ssyncadd.s32 $0xFFFFFF80  }
0x221: {  	v13 =	vld [tilespmem:$0xC880]  }
0x222: {  	v27 =	vld [tilespmem:$0xC890]  }
0x223: {  	v17 =	vsel vm0, v17, v24;
	v18 =	vsel vm1, v18, v25  }
0x224: {  	v19 =	vsel vm2, v19, v26;
	v60 =	vor.u32 $0x18680, v0;
	v61 =	vor.u32 $0x18690, v0  }
0x225: {  	vm11 =	veq.f32 v23, v22;
	v14 =	vsel vm3, v14, v17;
	v15 =	vsel vm7, v15, v18  }
0x226: {  	v16 =	vsel vm8, v16, v19;
	v12 =	vsel vm12, v12, v14;
	vm6 =	vgt.f32 v13, v21  }
0x227: {  	v10 =	vsel vm13, v10, v15;
	vm7 =	vgt.f32 v27, v28;
	v13 =	vsel vm6, v13, v21  }
0x228: {  	v14 =	vsel vm6, v60, v20;
	v62 =	vsel vm7, v27, v28;
	v12 =	vsel vm7, v61, v12  }
0x229: {  	v11 =	vsel vm14, v11, v16;
	vm9 =	veq.f32 v62, v13;
	vm10 =	vlt.s32 v12, v14  }
0x22a: {  	vm12 =	vlt.s32 v11, v10;
	vm8 =	vgt.f32 v62, v13;
	vm1 =	vmand vm9, vm10  }
0x22b: {  	vm13 =	vgt.f32 v23, v22;
	vm2 =	vmand vm11, vm12;
	vm0 =	vmor vm8, vm1  }
0x22c: {  	vm1 =	vmor vm13, vm2;
	v13 =	vsel vm0, v62, v13  }
0x22d: {  	v12 =	vsel vm0, v12, v14;
	v63 =	vsel vm1, v23, v22;
	v11 =	vsel vm1, v11, v10  }
0x22e: {  	vm14 =	veq.f32 v63, v13;
	vm1 =	vlt.s32 v11, v12  }
0x22f: {  	vm15 =	vgt.f32 v63, v13;
	vm0 =	vmand vm14, vm1  }
0x230: {  	vm0 =	vmor vm15, vm0  }
0x231: {  	v10 =	vsel vm0, v63, v13  }
0x232: {  	v11 =	vsel vm0, v11, v12;
	[tilespmem:$0xC900] =	vst @!p0 v10  }
0x233: {  	s0 =	simm.s32 @!p0 $0x0;
	s3 =	simm.s32 @!p0 $0xC900;
	[tilespmem:$0xC910] =	vst @!p0 v11  }
0x234: {  	[hbm4b:s12+s0] =	stream.linear.scatter @!p0 [tilespmem:s3], [sflag:$0x6], $0x80, $0x38;
	[tilespmem:$0xCA80] =	vst v63  }
0x235: {  	s0 =	simm.s32 @!p0 $0x6  }
0x236: {  	_ =	swait.ge @!p0 [sflag:s0], $0x80  }
0x237: {  	[sflag:s0] =	ssyncset.done @!p0 $0x0  }
0x238: {  	[sflag:s0] =	ssyncadd.s32 @!p0 $0xFFFFFF80  }
0x239: {  	s0 =	simm.s32 @!p1 $0xC980;
	[bflag:$0x0] =	sbarrier.arrive $0xFFFF  }
0x23a: {  	[tilespmem:s0], [sflag:$0x6] =	stream.linear.gather @!p1 [hbm4b:s13+s4], $0x80, $0x38;
	[tilespmem:$0xCA80] =	vst v63  }
0x23b: {  	_ =	swait.ge @!p1 [sflag:s16], $0x80  }
0x23c: {  	[sflag:s16] =	ssyncset.done @!p1 $0x0  }
0x23d: {  	[sflag:s16] =	ssyncadd.s32 @!p1 $0xFFFFFF80  }
0x23e: {  	v12 =	vld @!p1 [tilespmem:$0xC980]  }
0x23f: {  	v13 =	vld @!p1 [tilespmem:$0xC990];
	_ =	sdelay $0x4  }
0x240: {  	vm0 =	veq.f32 @!p1 v12, v10;
	vm1 =	vlt.s32 @!p1 v13, v11  }
0x241: {  	vm2 =	vgt.f32 @!p1 v12, v10;
	vm0 =	vmand @!p1 vm0, vm1  }
0x242: {  	vm0 =	vmor @!p1 vm2, vm0  }
0x243: {  	v10 =	vsel @!p1 vm0, v12, v10;
	v11 =	vsel @!p1 vm0, v13, v11  }
0x244: {  	v12 =	vperm.xlane @!p1 v10, v6;
	v13 =	vperm.xlane @!p1 v11, v6;
	_ =	sdelay $0x1  }
0x245: {  	vm0 =	veq.f32 @!p1 v12, v10;
	vm1 =	vlt.s32 @!p1 v13, v11  }
0x246: {  	vm2 =	vgt.f32 @!p1 v12, v10;
	vm0 =	vmand @!p1 vm0, vm1  }
0x247: {  	vm0 =	vmor @!p1 vm2, vm0  }
0x248: {  	v10 =	vsel @!p1 vm0, v12, v10;
	v11 =	vsel @!p1 vm0, v13, v11  }
0x249: {  	v12 =	vperm.xlane @!p1 v10, v7;
	v13 =	vperm.xlane @!p1 v11, v7;
	_ =	sdelay $0x1  }
0x24a: {  	vm0 =	veq.f32 @!p1 v12, v10;
	vm1 =	vlt.s32 @!p1 v13, v11  }
0x24b: {  	vm2 =	vgt.f32 @!p1 v12, v10;
	vm0 =	vmand @!p1 vm0, vm1  }
0x24c: {  	vm0 =	vmor @!p1 vm2, vm0  }
0x24d: {  	v10 =	vsel @!p1 vm0, v12, v10;
	v11 =	vsel @!p1 vm0, v13, v11  }
0x24e: {  	v12 =	vperm.xlane @!p1 v10, v8;
	v13 =	vperm.xlane @!p1 v11, v8;
	_ =	sdelay $0x1  }
0x24f: {  	vm0 =	veq.f32 @!p1 v12, v10;
	vm1 =	vlt.s32 @!p1 v13, v11  }
0x250: {  	vm2 =	vgt.f32 @!p1 v12, v10;
	vm0 =	vmand @!p1 vm0, vm1  }
0x251: {  	vm0 =	vmor @!p1 vm2, vm0  }
0x252: {  	v10 =	vsel @!p1 vm0, v12, v10;
	v11 =	vsel @!p1 vm0, v13, v11  }
0x253: {  	v12 =	vperm.xlane @!p1 v10, v9;
	v13 =	vperm.xlane @!p1 v11, v9;
	_ =	sdelay $0x1  }
0x254: {  	vm0 =	veq.f32 @!p1 v12, v10;
	vm1 =	vlt.s32 @!p1 v13, v11  }
0x255: {  	vm2 =	vgt.f32 @!p1 v12, v10;
	vm0 =	vmand @!p1 vm0, vm1  }
0x256: {  	s31 =	sadd.s32 $0x1, s31;
	vm0 =	vmor @!p1 vm2, vm0  }
0x257: {  	p2 =	sne.s32 s31, s15;
	v10 =	vsel @!p1 vm0, v13, v11  }
.Ltmp4:
0x258: {  	s0 =	simm.s32 @!p1 $0xCA00;
	[tilespmem:$0xCA00] =	vst @!p1 v10;
	(pc) =	sbr.rel @p2 .LBB2_1-.Ltmp4, $4  }
0x259: {  	[hbm4b:s14+s4] =	stream.linear.scatter @!p1 [tilespmem:s0], [sflag:$0x6], $0x80, $0x38;
	[tilespmem:$0xCA80] =	vst v63  }
0x25a: {  	_ =	swait.ge @!p1 [sflag:s16], $0x80  }
0x25b: {  	[sflag:s16] =	ssyncset.done @!p1 $0x0  }
0x25c: {  	[sflag:s16] =	ssyncadd.s32 @!p1 $0xFFFFFF80  }
0x25d: {  	_ =	sfence.sel $0x180000  }
0x25e: {  	[bflag:$0x0] =	sbarrier.arrive $0xFFFF  }
0x25f: {  	_ =	strace $0x90000047  }
0x260: {  	s0 =	stileid.u32;
	[bflag:$0x2] =	sbarrier.arrive $0xFFFF  }
0x261: {  	p0 =	sne.s32 s0, $0x0;
	s0 =	rddreg [dreg:$0x3]  }
0x262: {  	s0 =	sadd.s32 @!p0 $0x100000, s0  }
0x263: {  	[sflag:s0] =	ssyncadd.tile.s32 @!p0 $0x1;
	_ =	shalt  }
.Lfunc_end2:
_tile_overlayer_lowered:
.L_overlay_start_2:
0x264: {  	(tag) =	ssettag $0x2  }
0x265: {  	s0 =	rddreg [dreg:$0x0];
	s2 =	stileid.u32  }
0x266: {  	s1 =	rddreg [dreg:$0x1];
	p0 =	sne.s32 s2, $0x0  }
0x267: {  	s3 =	rddreg [dreg:$0x2];
	[bflag:$0x3] =	sbarrier.arrive $0xFFFF;
	s2 =	simm.s32 @!p0 $0x1C06  }
0x268: {  	[timem:s3], [sflag:s2] =	dma.local @!p0 [hbm:s0], s1  }
0x269: {  	s0 =	simm.s32 @!p0 $0x6  }
0x26a: {  	_ =	swait.ge @!p0 [sflag:s0], s1  }
0x26b: {  	s1 =	ssub.s32 @!p0 $0x0, s1;
	[sflag:s0] =	ssyncset.done @!p0 $0x0  }
0x26c: {  	[sflag:s0] =	ssyncadd.s32 @!p0 s1  }
0x26d: {  	[bflag:$0x3] =	sbarrier.arrive $0xFFFF  }
0x26e: {  	_ =	shalt  }

</sc_bundles>
